<compile_context>
chip_gen: v7x
topology: tpu7x:2x2x1
jax: 0.10.2.dev20260603
libtpu: 0.0.44.dev20260713+nightly
codegen_flags: <defaults>
</compile_context>

<pallas_src>
import functools

import jax
import jax.numpy as jnp
from jax import lax
from jax.experimental import pallas as pl
from jax.experimental.pallas import tpu as pltpu
from jax.experimental.pallas import tpu_sc as plsc

_QB = 256
_KP = 1024
_C = 8

_NC = 2
_NS = 16
_NW = _NC * _NS
_HB = 2 * _KP


def _tc_body(f_ref, u_ref, tll_ref, tidx_ref, resps_ref, elbo_ref, cb_ref,
             *, k_valid, d_feat, n_spikes):
    i = pl.program_id(0)

    @pl.when(i == 0)
    def _init():
        elbo_ref[0, 0] = jnp.float32(0.0)
        u = u_ref[...]
        u2 = jnp.sum(u * u, axis=1)[None, :]
        kio = jax.lax.broadcasted_iota(jnp.int32, (1, _KP), 1)
        cb = -0.5 * u2 - 0.5 * d_feat * jnp.log(2.0 * jnp.pi)
        cb_ref[...] = jnp.where(kio < k_valid, cb, -jnp.inf)

    f = f_ref[...]
    x2 = jnp.sum(f * f, axis=1, keepdims=True)
    cross = jax.lax.dot_general(
        f, u_ref[...], (((1,), (1,)), ((), ())),
        preferred_element_type=jnp.float32,
    )
    ll = (cross + cb_ref[...]) - 0.5 * x2

    kiota_f = jax.lax.broadcasted_iota(
        jnp.int32, (_QB, _KP), 1).astype(jnp.float32)
    neg_inf = jnp.float32(-jnp.inf)

    work = ll
    m0 = None
    for c in range(_C):
        m = jnp.max(work, axis=1, keepdims=True)
        cand = jnp.where(work == m, kiota_f, jnp.float32(2 * _KP))
        idx_f = jnp.min(cand, axis=1, keepdims=True)
        work = jnp.where(cand == idx_f, neg_inf, work)
        if c == 0:
            m0 = m
        tll_ref[:, c:c + 1] = m
        tidx_ref[:, c:c + 1] = idx_f.astype(jnp.int32)

    tll = tll_ref[...]
    w = jnp.exp(tll - m0)
    z = jnp.sum(w, axis=1, keepdims=True)
    resps_ref[...] = w * (1.0 / z)

    lse = m0 + jnp.log(z)
    elbo_ref[0, 0] += jnp.sum(lse) / jnp.float32(n_spikes)


def _sc_hist_body(idx_hbm, val_hbm, out_hbm, idx_v, val_v, hist_v, stage_v,
                  tmp_v, acc_v, shared_ref):
    core = lax.axis_index("c")
    sub = lax.axis_index("s")
    wid = core * _NS + sub
    epw = (16384 * _C) // _NW
    base = wid * epw

    pltpu.sync_copy(idx_hbm.at[pl.ds(base, epw)], idx_v)
    pltpu.sync_copy(val_hbm.at[pl.ds(base, epw)], val_v)

    iota16 = lax.iota(jnp.int32, 16)
    zero16 = jnp.zeros((16,), jnp.float32)

    def _zero1d(j, carry):
        hist_v[pl.ds(j * 16, 16)] = zero16
        return carry

    lax.fori_loop(0, _HB // 16, _zero1d, 0)

    ofs = jnp.where(iota16 >= 8, jnp.int32(_KP), jnp.int32(0))

    def _accum(j, carry):
        st = j * 16
        iv = idx_v[pl.ds(st, 16)] + ofs
        rv = val_v[pl.ds(st, 16)]
        plsc.addupdate_scatter(hist_v, [iv], rv)
        return carry

    lax.fori_loop(0, epw // 16, _accum, 0)

    def _stage(j, carry):
        stage_v[j, :] = hist_v[pl.ds(j * 16, 16)]
        return carry

    lax.fori_loop(0, _HB // 16, _stage, 0)

    pltpu.sync_copy(stage_v, shared_ref.at[sub])
    plsc.subcore_barrier()

    rows_per = (_HB // 16) // _NS
    rbase = sub * rows_per
    for r in range(rows_per):
        acc_v[r, :] = zero16
    for s in range(_NS):
        pltpu.sync_copy(shared_ref.at[s, pl.ds(rbase, rows_per)], tmp_v)
        for r in range(rows_per):
            acc_v[r, :] += tmp_v[r, :]
    pltpu.sync_copy(acc_v, out_hbm.at[core, pl.ds(rbase, rows_per)])


def kernel(features, units):
    q, d = features.shape
    k = units.shape[0]
    units_p = jnp.pad(units, ((0, _KP - k), (0, 0)))
    grid = q // _QB

    body = functools.partial(_tc_body, k_valid=k, d_feat=float(d), n_spikes=q)
    tll, tidx, resps, elbo = pl.pallas_call(
        body,
        grid=(grid,),
        in_specs=[
            pl.BlockSpec((_QB, d), lambda i: (i, 0)),
            pl.BlockSpec((_KP, d), lambda i: (0, 0)),
        ],
        out_specs=[
            pl.BlockSpec((_QB, _C), lambda i: (i, 0)),
            pl.BlockSpec((_QB, _C), lambda i: (i, 0)),
            pl.BlockSpec((_QB, _C), lambda i: (i, 0)),
            pl.BlockSpec(memory_space=pltpu.SMEM),
        ],
        out_shape=[
            jax.ShapeDtypeStruct((q, _C), jnp.float32),
            jax.ShapeDtypeStruct((q, _C), jnp.int32),
            jax.ShapeDtypeStruct((q, _C), jnp.float32),
            jax.ShapeDtypeStruct((1, 1), jnp.float32),
        ],
        scratch_shapes=[pltpu.VMEM((1, _KP), jnp.float32)],
    )(features, units_p)

    epw = (q * _C) // _NW
    sc_hist = pl.kernel(
        _sc_hist_body,
        out_type=jax.ShapeDtypeStruct((_NC, _HB // 16, 16), jnp.float32),
        mesh=plsc.VectorSubcoreMesh(core_axis_name="c", subcore_axis_name="s"),
        compiler_params=pltpu.CompilerParams(needs_layout_passes=False),
        scratch_types=[
            pltpu.VMEM((epw,), jnp.int32),
            pltpu.VMEM((epw,), jnp.float32),
            pltpu.VMEM((_HB,), jnp.float32),
            pltpu.VMEM((_HB // 16, 16), jnp.float32),
            pltpu.VMEM((_HB // 16 // _NS, 16), jnp.float32),
            pltpu.VMEM((_HB // 16 // _NS, 16), jnp.float32),
            pltpu.VMEM_SHARED((_NS, _HB // 16, 16), jnp.float32),
        ],
    )
    n2 = sc_hist(tidx.reshape(-1), resps.reshape(-1))
    n_vec = jnp.sum(n2.reshape(_NC * 2, _KP), axis=0)

    return tll, tidx, resps, n_vec[:k], elbo[0, 0]

# --- scband reference (transcript-rebuilt; emitter-appended) ---
"""Pipeline reference for scband-spike-truncated-mixture-model-4355096838321 (READ-ONLY COPY).

The authoritative reference and input builder live on the scoring server;
editing this copy changes nothing except your own understanding.
"""

import jax, jax.numpy as jnp
import numpy as np

N_SPIKES = 16384
N_UNITS = 1000
D_FEAT = 128
N_CANDIDATES = 8


def setup_inputs(seed: int = 0) -> dict:
    key = jax.random.key(seed)
    k1, k2 = jax.random.split(key)
    features = jax.random.normal(k1, (N_SPIKES, D_FEAT), dtype=jnp.float32)
    units = jax.random.normal(k2, (N_UNITS, D_FEAT), dtype=jnp.float32)
    return {"features": features, "units": units}


def reference(features, units):
    # Truncated E-step candidate retrieval: per-spike Gaussian log-likelihoods
    # against all unit means, keep top n_candidates (invariant 1 of CandidateSet),
    # compute truncated responsibilities and per-unit sufficient statistics.
    x2 = jnp.sum(features * features, axis=1, keepdims=True)          # [Q, 1]
    u2 = jnp.sum(units * units, axis=1)[None, :]                      # [1, K]
    cross = features @ units.T                                        # [Q, K] gemm
    d2 = x2 - 2.0 * cross + u2                                        # squared distances
    logliks = -0.5 * d2 - 0.5 * D_FEAT * jnp.log(2.0 * jnp.pi)
    # retrieval: top-k candidate units per spike
    top_ll, top_idx = jax.lax.top_k(logliks, N_CANDIDATES)            # [Q, C]
    # truncated responsibilities (softmax over retained candidates)
    resps = jax.nn.softmax(top_ll, axis=1)                            # [Q, C]
    # per-unit weighted counts N (scatter-add / segment sum over candidate ids)
    N = jax.ops.segment_sum(
        resps.reshape(-1), top_idx.reshape(-1), num_segments=N_UNITS
    )                                                                 # [K]
    # observed-data ELBO contribution (entropy-corrected truncated bound)
    obs_elbo = jnp.sum(
        resps * (top_ll - jnp.log(jnp.clip(resps, 1e-12, None)))
    ) / N_SPIKES
    return top_ll, top_idx, resps, N, obs_elbo

if __name__ == "__main__":
    import jax
    _d = setup_inputs()
    print(jax.jit(kernel)(*tuple(_d.values())))

</pallas_src>

<mosaic_0001>
#map = affine_map<(d0, d1) -> (0)>
#map1 = affine_map<(d0, d1) -> (0, 0, 0)>
module attributes {stable_mosaic.version = 14 : i64} {
  func.func @_sc_hist_body(%arg0: i32, %arg1: i32, %arg2: memref<131072xi32, #tpu.memory_space<hbm>>, %arg3: memref<131072xf32, #tpu.memory_space<hbm>>, %arg4: memref<2x128x16xf32, #tpu.memory_space<hbm>>, %arg5: memref<4096xi32, #tpu.memory_space<vmem>>, %arg6: memref<4096xf32, #tpu.memory_space<vmem>>, %arg7: memref<2048xf32, #tpu.memory_space<vmem>>, %arg8: memref<128x16xf32, #tpu.memory_space<vmem>>, %arg9: memref<8x16xf32, #tpu.memory_space<vmem>>, %arg10: memref<8x16xf32, #tpu.memory_space<vmem>>, %arg11: memref<16x128x16xf32, #tpu.memory_space<vmem_shared>>) attributes {dimension_semantics = [#tpu.dimension_semantics<core_parallel>, #tpu.dimension_semantics<subcore_parallel>], iteration_bounds = array<i64: 2, 16>, scalar_prefetch = 0 : i64, scratch_operands = 7 : i64, tpu.core_type = #tpu.core_type<sc_vector_subcore>, window_params = [{transform_indices = #map}, {transform_indices = #map}, {transform_indices = #map1}]} {
    %mul3A = arith.constant 16 : i32
    %mul3A_0 = arith.muli %arg0, %mul3A : i32
    %add3A = arith.addi %mul3A_0, %arg1 : i32
    %mul3A_1 = arith.constant 4096 : i32
    %mul3A_2 = arith.muli %add3A, %mul3A_1 : i32
    "tpu.region"() ({
      %run_scoped3A_1737 = tpu.sem_alloc : memref<!tpu.dma_semaphore, #tpu.memory_space<semaphore_mem>>
      %dma_start3A = tpu.memref_slice %arg2[%mul3A_2] : memref<131072xi32, #tpu.memory_space<hbm>> -> memref<4096xi32, #tpu.memory_space<hbm>>
      %dma_start3A_1738 = tpu.memref_slice %arg2[%mul3A_2] : memref<131072xi32, #tpu.memory_space<hbm>> -> memref<4096xi32, #tpu.memory_space<hbm>>
      tpu.enqueue_dma source(%dma_start3A_1738 : memref<4096xi32, #tpu.memory_space<hbm>>) target(%arg5 : memref<4096xi32, #tpu.memory_space<vmem>>) target_semaphore(%run_scoped3A_1737 : memref<!tpu.dma_semaphore, #tpu.memory_space<semaphore_mem>>)
      %dma_wait3A = tpu.memref_slice %arg2[%mul3A_2] : memref<131072xi32, #tpu.memory_space<hbm>> -> memref<4096xi32, #tpu.memory_space<hbm>>
      %dma_wait3A_1739 = tpu.memref_slice %arg2[%mul3A_2] : memref<131072xi32, #tpu.memory_space<hbm>> -> memref<4096xi32, #tpu.memory_space<hbm>>
      tpu.wait_dma2 semaphore(%run_scoped3A_1737 : memref<!tpu.dma_semaphore, #tpu.memory_space<semaphore_mem>>) src(%dma_wait3A_1739 : memref<4096xi32, #tpu.memory_space<hbm>>) dst(%arg5 : memref<4096xi32, #tpu.memory_space<vmem>>)
      tpu.yield
    }) : () -> ()
    "tpu.region"() ({
      %run_scoped3A_1737 = tpu.sem_alloc : memref<!tpu.dma_semaphore, #tpu.memory_space<semaphore_mem>>
      %dma_start3A = tpu.memref_slice %arg3[%mul3A_2] : memref<131072xf32, #tpu.memory_space<hbm>> -> memref<4096xf32, #tpu.memory_space<hbm>>
      %dma_start3A_1738 = tpu.memref_slice %arg3[%mul3A_2] : memref<131072xf32, #tpu.memory_space<hbm>> -> memref<4096xf32, #tpu.memory_space<hbm>>
      tpu.enqueue_dma source(%dma_start3A_1738 : memref<4096xf32, #tpu.memory_space<hbm>>) target(%arg6 : memref<4096xf32, #tpu.memory_space<vmem>>) target_semaphore(%run_scoped3A_1737 : memref<!tpu.dma_semaphore, #tpu.memory_space<semaphore_mem>>)
      %dma_wait3A = tpu.memref_slice %arg3[%mul3A_2] : memref<131072xf32, #tpu.memory_space<hbm>> -> memref<4096xf32, #tpu.memory_space<hbm>>
      %dma_wait3A_1739 = tpu.memref_slice %arg3[%mul3A_2] : memref<131072xf32, #tpu.memory_space<hbm>> -> memref<4096xf32, #tpu.memory_space<hbm>>
      tpu.wait_dma2 semaphore(%run_scoped3A_1737 : memref<!tpu.dma_semaphore, #tpu.memory_space<semaphore_mem>>) src(%dma_wait3A_1739 : memref<4096xf32, #tpu.memory_space<hbm>>) dst(%arg6 : memref<4096xf32, #tpu.memory_space<vmem>>)
      tpu.yield
    }) : () -> ()
    %iota3A = tpu.iota {dimensions = array<i32: 0>} : vector<16xi32>
    %broadcast_in_dim3A = arith.constant 0.000000e+00 : f32
    %broadcast_in_dim3A_3 = vector.broadcast %broadcast_in_dim3A : f32 to vector<16xf32>
    %scan3A = arith.constant 0 : i32
    %scan3A_4 = arith.constant 0 : i32
    %scan3A_5 = arith.constant 128 : i32
    %scan3A_6 = arith.addi %scan3A_4, %scan3A_5 : i32
    %scan3A_7 = arith.constant 1 : i32
    scf.for %scan3A_1737 = %scan3A_4 to %scan3A_6 step %scan3A_7  : i32 {
      %mul3A_1738 = arith.constant 16 : i32
      %mul3A_1739 = arith.muli %scan3A_1737, %mul3A_1738 : i32
      %swap3A_1740 = arith.index_cast %mul3A_1739 : i32 to index
      %swap3A_1741 = tpu.vector_load %arg7[%swap3A_1740] {strides = array<i32>} : memref<2048xf32, #tpu.memory_space<vmem>>, vector<16xf32>,
      tpu.vector_store %arg7[%swap3A_1740], %broadcast_in_dim3A_3 {strides = array<i32>} : memref<2048xf32, #tpu.memory_space<vmem>>, vector<16xf32>,
    }
    %scan3A_8 = arith.constant 128 : i32
    %ge3A = arith.constant 8 : i32
    %ge3A_9 = vector.broadcast %ge3A : i32 to vector<16xi32>
    %ge3A_10 = arith.cmpi sge, %iota3A, %ge3A_9 : vector<16xi32>
    %jit3A = arith.constant 1024 : i32
    %jit3A_11 = arith.constant 0 : i32
    %broadcast_in_dim3A_12 = vector.broadcast %jit3A : i32 to vector<16xi32>
    %broadcast_in_dim3A_13 = vector.broadcast %jit3A_11 : i32 to vector<16xi32>
    %select_n3A = arith.select %ge3A_10, %broadcast_in_dim3A_12, %broadcast_in_dim3A_13 : vector<16xi1>, vector<16xi32>
    %scan3A_14 = arith.constant 0 : i32
    %scan3A_15 = arith.constant 0 : i32
    %scan3A_16 = arith.constant 256 : i32
    %scan3A_17 = arith.addi %scan3A_15, %scan3A_16 : i32
    %scan3A_18 = arith.constant 1 : i32
    scf.for %scan3A_1737 = %scan3A_15 to %scan3A_17 step %scan3A_18  : i32 {
      %mul3A_1738 = arith.constant 16 : i32
      %mul3A_1739 = arith.muli %scan3A_1737, %mul3A_1738 : i32
      %get3A_1740 = arith.index_cast %mul3A_1739 : i32 to index
      %get3A_1741 = tpu.vector_load %arg5[%get3A_1740] {strides = array<i32>} : memref<4096xi32, #tpu.memory_space<vmem>>, vector<16xi32>,
      %add3A_1742 = arith.addi %get3A_1741, %select_n3A : vector<16xi32>
      %get3A_1743 = arith.index_cast %mul3A_1739 : i32 to index
      %get3A_1744 = tpu.vector_load %arg6[%get3A_1743] {strides = array<i32>} : memref<4096xf32, #tpu.memory_space<vmem>>, vector<16xf32>,
      tpu.vector_store_idx %arg7[%add3A_1742], %get3A_1744 {add = true} : memref<2048xf32, #tpu.memory_space<vmem>>[vector<16xi32>], vector<16xf32>,
    }
    %scan3A_19 = arith.constant 256 : i32
    %scan3A_20 = arith.constant 0 : i32
    %scan3A_21 = arith.constant 0 : i32
    %scan3A_22 = arith.constant 128 : i32
    %scan3A_23 = arith.addi %scan3A_21, %scan3A_22 : i32
    %scan3A_24 = arith.constant 1 : i32
    scf.for %scan3A_1737 = %scan3A_21 to %scan3A_23 step %scan3A_24  : i32 {
      %mul3A_1738 = arith.constant 16 : i32
      %mul3A_1739 = arith.muli %scan3A_1737, %mul3A_1738 : i32
      %get3A_1740 = arith.index_cast %mul3A_1739 : i32 to index
      %get3A_1741 = tpu.vector_load %arg7[%get3A_1740] {strides = array<i32>} : memref<2048xf32, #tpu.memory_space<vmem>>, vector<16xf32>,
      %swap3A_1742 = arith.index_cast %scan3A_1737 : i32 to index
      %swap3A_1743 = arith.constant 0 : index
      %swap3A_1744 = tpu.vector_load %arg8[%swap3A_1742, %swap3A_1743] {strides = array<i32>} : memref<128x16xf32, #tpu.memory_space<vmem>>, vector<16xf32>,
      tpu.vector_store %arg8[%swap3A_1742, %swap3A_1743], %get3A_1741 {strides = array<i32>} : memref<128x16xf32, #tpu.memory_space<vmem>>, vector<16xf32>,
    }
    %scan3A_25 = arith.constant 128 : i32
    "tpu.region"() ({
      %run_scoped3A_1737 = tpu.sem_alloc : memref<!tpu.dma_semaphore, #tpu.memory_space<semaphore_mem>>
      %dma_start3A = arith.constant 0 : i32
      %dma_start3A_1738 = arith.constant 0 : i32
      %dma_start3A_1739 = tpu.memref_slice %arg11[%arg1, %dma_start3A, %dma_start3A_1738] : memref<16x128x16xf32, #tpu.memory_space<vmem_shared>> -> memref<1x128x16xf32, #tpu.memory_space<vmem_shared>>
      %dma_start3A_1740 = tpu.memref_squeeze %dma_start3A_1739 : memref<1x128x16xf32, #tpu.memory_space<vmem_shared>> -> memref<128x16xf32, #tpu.memory_space<vmem_shared>>
      %dma_start3A_1741 = arith.constant 0 : i32
      %dma_start3A_1742 = arith.constant 0 : i32
      %dma_start3A_1743 = tpu.memref_slice %arg11[%arg1, %dma_start3A_1741, %dma_start3A_1742] : memref<16x128x16xf32, #tpu.memory_space<vmem_shared>> -> memref<1x128x16xf32, #tpu.memory_space<vmem_shared>>
      %dma_start3A_1744 = tpu.memref_squeeze %dma_start3A_1743 : memref<1x128x16xf32, #tpu.memory_space<vmem_shared>> -> memref<128x16xf32, #tpu.memory_space<vmem_shared>>
      tpu.enqueue_dma source(%arg8 : memref<128x16xf32, #tpu.memory_space<vmem>>) target(%dma_start3A_1744 : memref<128x16xf32, #tpu.memory_space<vmem_shared>>) target_semaphore(%run_scoped3A_1737 : memref<!tpu.dma_semaphore, #tpu.memory_space<semaphore_mem>>)
      %dma_wait3A = arith.constant 0 : i32
      %dma_wait3A_1745 = arith.constant 0 : i32
      %dma_wait3A_1746 = tpu.memref_slice %arg11[%arg1, %dma_wait3A, %dma_wait3A_1745] : memref<16x128x16xf32, #tpu.memory_space<vmem_shared>> -> memref<1x128x16xf32, #tpu.memory_space<vmem_shared>>
      %dma_wait3A_1747 = tpu.memref_squeeze %dma_wait3A_1746 : memref<1x128x16xf32, #tpu.memory_space<vmem_shared>> -> memref<128x16xf32, #tpu.memory_space<vmem_shared>>
      %dma_wait3A_1748 = arith.constant 0 : i32
      %dma_wait3A_1749 = arith.constant 0 : i32
      %dma_wait3A_1750 = tpu.memref_slice %arg11[%arg1, %dma_wait3A_1748, %dma_wait3A_1749] : memref<16x128x16xf32, #tpu.memory_space<vmem_shared>> -> memref<1x128x16xf32, #tpu.memory_space<vmem_shared>>
      %dma_wait3A_1751 = tpu.memref_squeeze %dma_wait3A_1750 : memref<1x128x16xf32, #tpu.memory_space<vmem_shared>> -> memref<128x16xf32, #tpu.memory_space<vmem_shared>>
      tpu.wait_dma2 semaphore(%run_scoped3A_1737 : memref<!tpu.dma_semaphore, #tpu.memory_space<semaphore_mem>>) src(%arg8 : memref<128x16xf32, #tpu.memory_space<vmem>>) dst(%dma_wait3A_1751 : memref<128x16xf32, #tpu.memory_space<vmem_shared>>)
      tpu.yield
    }) : () -> ()
    %barrier3A = arith.constant 0 : index
    tpu.barrier barrier_id(%barrier3A)
    %mul3A_26 = arith.constant 8 : i32
    %mul3A_27 = arith.muli %arg1, %mul3A_26 : i32
    %swap3A = arith.constant 0 : i32
    %swap3A_28 = arith.index_cast %swap3A : i32 to index
    %swap3A_29 = arith.constant 0 : index
    %swap3A_30 = tpu.vector_load %arg10[%swap3A_28, %swap3A_29] {strides = array<i32>} : memref<8x16xf32, #tpu.memory_space<vmem>>, vector<16xf32>,
    tpu.vector_store %arg10[%swap3A_28, %swap3A_29], %broadcast_in_dim3A_3 {strides = array<i32>} : memref<8x16xf32, #tpu.memory_space<vmem>>, vector<16xf32>,
    %swap3A_31 = arith.constant 1 : i32
    %swap3A_32 = arith.index_cast %swap3A_31 : i32 to index
    %swap3A_33 = arith.constant 0 : index
    %swap3A_34 = tpu.vector_load %arg10[%swap3A_32, %swap3A_33] {strides = array<i32>} : memref<8x16xf32, #tpu.memory_space<vmem>>, vector<16xf32>,
    tpu.vector_store %arg10[%swap3A_32, %swap3A_33], %broadcast_in_dim3A_3 {strides = array<i32>} : memref<8x16xf32, #tpu.memory_space<vmem>>, vector<16xf32>,
    %swap3A_35 = arith.constant 2 : i32
    %swap3A_36 = arith.index_cast %swap3A_35 : i32 to index
    %swap3A_37 = arith.constant 0 : index
    %swap3A_38 = tpu.vector_load %arg10[%swap3A_36, %swap3A_37] {strides = array<i32>} : memref<8x16xf32, #tpu.memory_space<vmem>>, vector<16xf32>,
    tpu.vector_store %arg10[%swap3A_36, %swap3A_37], %broadcast_in_dim3A_3 {strides = array<i32>} : memref<8x16xf32, #tpu.memory_space<vmem>>, vector<16xf32>,
    %swap3A_39 = arith.constant 3 : i32
    %swap3A_40 = arith.index_cast %swap3A_39 : i32 to index
    %swap3A_41 = arith.constant 0 : index
    %swap3A_42 = tpu.vector_load %arg10[%swap3A_40, %swap3A_41] {strides = array<i32>} : memref<8x16xf32, #tpu.memory_space<vmem>>, vector<16xf32>,
    tpu.vector_store %arg10[%swap3A_40, %swap3A_41], %broadcast_in_dim3A_3 {strides = array<i32>} : memref<8x16xf32, #tpu.memory_space<vmem>>, vector<16xf32>,
    %swap3A_43 = arith.constant 4 : i32
    %swap3A_44 = arith.index_cast %swap3A_43 : i32 to index
    %swap3A_45 = arith.constant 0 : index
    %swap3A_46 = tpu.vector_load %arg10[%swap3A_44, %swap3A_45] {strides = array<i32>} : memref<8x16xf32, #tpu.memory_space<vmem>>, vector<16xf32>,
    tpu.vector_store %arg10[%swap3A_44, %swap3A_45], %broadcast_in_dim3A_3 {strides = array<i32>} : memref<8x16xf32, #tpu.memory_space<vmem>>, vector<16xf32>,
    %swap3A_47 = arith.constant 5 : i32
    %swap3A_48 = arith.index_cast %swap3A_47 : i32 to index
    %swap3A_49 = arith.constant 0 : index
    %swap3A_50 = tpu.vector_load %arg10[%swap3A_48, %swap3A_49] {strides = array<i32>} : memref<8x16xf32, #tpu.memory_space<vmem>>, vector<16xf32>,
    tpu.vector_store %arg10[%swap3A_48, %swap3A_49], %broadcast_in_dim3A_3 {strides = array<i32>} : memref<8x16xf32, #tpu.memory_space<vmem>>, vector<16xf32>,
    %swap3A_51 = arith.constant 6 : i32
    %swap3A_52 = arith.index_cast %swap3A_51 : i32 to index
    %swap3A_53 = arith.constant 0 : index
    %swap3A_54 = tpu.vector_load %arg10[%swap3A_52, %swap3A_53] {strides = array<i32>} : memref<8x16xf32, #tpu.memory_space<vmem>>, vector<16xf32>,
    tpu.vector_store %arg10[%swap3A_52, %swap3A_53], %broadcast_in_dim3A_3 {strides = array<i32>} : memref<8x16xf32, #tpu.memory_space<vmem>>, vector<16xf32>,
    %swap3A_55 = arith.constant 7 : i32
    %swap3A_56 = arith.index_cast %swap3A_55 : i32 to index
    %swap3A_57 = arith.constant 0 : index
    %swap3A_58 = tpu.vector_load %arg10[%swap3A_56, %swap3A_57] {strides = array<i32>} : memref<8x16xf32, #tpu.memory_space<vmem>>, vector<16xf32>,
    tpu.vector_store %arg10[%swap3A_56, %swap3A_57], %broadcast_in_dim3A_3 {strides = array<i32>} : memref<8x16xf32, #tpu.memory_space<vmem>>, vector<16xf32>,
    %run_scoped3A = arith.constant 0 : i32
    "tpu.region"() ({
      %run_scoped3A_1737 = tpu.sem_alloc : memref<!tpu.dma_semaphore, #tpu.memory_space<semaphore_mem>>
      %dma_start3A = arith.constant 0 : i32
      %dma_start3A_1738 = tpu.memref_slice %arg11[%run_scoped3A, %mul3A_27, %dma_start3A] : memref<16x128x16xf32, #tpu.memory_space<vmem_shared>> -> memref<1x8x16xf32, #tpu.memory_space<vmem_shared>>
      %dma_start3A_1739 = tpu.memref_squeeze %dma_start3A_1738 : memref<1x8x16xf32, #tpu.memory_space<vmem_shared>> -> memref<8x16xf32, #tpu.memory_space<vmem_shared>>
      %dma_start3A_1740 = arith.constant 0 : i32
      %dma_start3A_1741 = tpu.memref_slice %arg11[%run_scoped3A, %mul3A_27, %dma_start3A_1740] : memref<16x128x16xf32, #tpu.memory_space<vmem_shared>> -> memref<1x8x16xf32, #tpu.memory_space<vmem_shared>>
      %dma_start3A_1742 = tpu.memref_squeeze %dma_start3A_1741 : memref<1x8x16xf32, #tpu.memory_space<vmem_shared>> -> memref<8x16xf32, #tpu.memory_space<vmem_shared>>
      tpu.enqueue_dma source(%dma_start3A_1742 : memref<8x16xf32, #tpu.memory_space<vmem_shared>>) target(%arg9 : memref<8x16xf32, #tpu.memory_space<vmem>>) target_semaphore(%run_scoped3A_1737 : memref<!tpu.dma_semaphore, #tpu.memory_space<semaphore_mem>>)
      %dma_wait3A = arith.constant 0 : i32
      %dma_wait3A_1743 = tpu.memref_slice %arg11[%run_scoped3A, %mul3A_27, %dma_wait3A] : memref<16x128x16xf32, #tpu.memory_space<vmem_shared>> -> memref<1x8x16xf32, #tpu.memory_space<vmem_shared>>
      %dma_wait3A_1744 = tpu.memref_squeeze %dma_wait3A_1743 : memref<1x8x16xf32, #tpu.memory_space<vmem_shared>> -> memref<8x16xf32, #tpu.memory_space<vmem_shared>>
      %dma_wait3A_1745 = arith.constant 0 : i32
      %dma_wait3A_1746 = tpu.memref_slice %arg11[%run_scoped3A, %mul3A_27, %dma_wait3A_1745] : memref<16x128x16xf32, #tpu.memory_space<vmem_shared>> -> memref<1x8x16xf32, #tpu.memory_space<vmem_shared>>
      %dma_wait3A_1747 = tpu.memref_squeeze %dma_wait3A_1746 : memref<1x8x16xf32, #tpu.memory_space<vmem_shared>> -> memref<8x16xf32, #tpu.memory_space<vmem_shared>>
      tpu.wait_dma2 semaphore(%run_scoped3A_1737 : memref<!tpu.dma_semaphore, #tpu.memory_space<semaphore_mem>>) src(%dma_wait3A_1747 : memref<8x16xf32, #tpu.memory_space<vmem_shared>>) dst(%arg9 : memref<8x16xf32, #tpu.memory_space<vmem>>)
      tpu.yield
    }) : () -> ()
    %get3A = arith.constant 0 : i32
    %get3A_59 = arith.index_cast %get3A : i32 to index
    %get3A_60 = arith.constant 0 : index
    %get3A_61 = tpu.vector_load %arg10[%get3A_59, %get3A_60] {strides = array<i32>} : memref<8x16xf32, #tpu.memory_space<vmem>>, vector<16xf32>,
    %get3A_62 = arith.constant 0 : i32
    %get3A_63 = arith.index_cast %get3A_62 : i32 to index
    %get3A_64 = arith.constant 0 : index
    %get3A_65 = tpu.vector_load %arg9[%get3A_63, %get3A_64] {strides = array<i32>} : memref<8x16xf32, #tpu.memory_space<vmem>>, vector<16xf32>,
    %add3A_66 = arith.addf %get3A_61, %get3A_65 : vector<16xf32>
    %swap3A_67 = arith.constant 0 : i32
    %swap3A_68 = arith.index_cast %swap3A_67 : i32 to index
    %swap3A_69 = arith.constant 0 : index
    %swap3A_70 = tpu.vector_load %arg10[%swap3A_68, %swap3A_69] {strides = array<i32>} : memref<8x16xf32, #tpu.memory_space<vmem>>, vector<16xf32>,
    tpu.vector_store %arg10[%swap3A_68, %swap3A_69], %add3A_66 {strides = array<i32>} : memref<8x16xf32, #tpu.memory_space<vmem>>, vector<16xf32>,
    %get3A_71 = arith.constant 1 : i32
    %get3A_72 = arith.index_cast %get3A_71 : i32 to index
    %get3A_73 = arith.constant 0 : index
    %get3A_74 = tpu.vector_load %arg10[%get3A_72, %get3A_73] {strides = array<i32>} : memref<8x16xf32, #tpu.memory_space<vmem>>, vector<16xf32>,
    %get3A_75 = arith.constant 1 : i32
    %get3A_76 = arith.index_cast %get3A_75 : i32 to index
    %get3A_77 = arith.constant 0 : index
    %get3A_78 = tpu.vector_load %arg9[%get3A_76, %get3A_77] {strides = array<i32>} : memref<8x16xf32, #tpu.memory_space<vmem>>, vector<16xf32>,
    %add3A_79 = arith.addf %get3A_74, %get3A_78 : vector<16xf32>
    %swap3A_80 = arith.constant 1 : i32
    %swap3A_81 = arith.index_cast %swap3A_80 : i32 to index
    %swap3A_82 = arith.constant 0 : index
    %swap3A_83 = tpu.vector_load %arg10[%swap3A_81, %swap3A_82] {strides = array<i32>} : memref<8x16xf32, #tpu.memory_space<vmem>>, vector<16xf32>,
    tpu.vector_store %arg10[%swap3A_81, %swap3A_82], %add3A_79 {strides = array<i32>} : memref<8x16xf32, #tpu.memory_space<vmem>>, vector<16xf32>,
    %get3A_84 = arith.constant 2 : i32
    %get3A_85 = arith.index_cast %get3A_84 : i32 to index
    %get3A_86 = arith.constant 0 : index
    %get3A_87 = tpu.vector_load %arg10[%get3A_85, %get3A_86] {strides = array<i32>} : memref<8x16xf32, #tpu.memory_space<vmem>>, vector<16xf32>,
    %get3A_88 = arith.constant 2 : i32
    %get3A_89 = arith.index_cast %get3A_88 : i32 to index
    %get3A_90 = arith.constant 0 : index
    %get3A_91 = tpu.vector_load %arg9[%get3A_89, %get3A_90] {strides = array<i32>} : memref<8x16xf32, #tpu.memory_space<vmem>>, vector<16xf32>,
    %add3A_92 = arith.addf %get3A_87, %get3A_91 : vector<16xf32>
    %swap3A_93 = arith.constant 2 : i32
    %swap3A_94 = arith.index_cast %swap3A_93 : i32 to index
    %swap3A_95 = arith.constant 0 : index
    %swap3A_96 = tpu.vector_load %arg10[%swap3A_94, %swap3A_95] {strides = array<i32>} : memref<8x16xf32, #tpu.memory_space<vmem>>, vector<16xf32>,
    tpu.vector_store %arg10[%swap3A_94, %swap3A_95], %add3A_92 {strides = array<i32>} : memref<8x16xf32, #tpu.memory_space<vmem>>, vector<16xf32>,
    %get3A_97 = arith.constant 3 : i32
    %get3A_98 = arith.index_cast %get3A_97 : i32 to index
    %get3A_99 = arith.constant 0 : index
    %get3A_100 = tpu.vector_load %arg10[%get3A_98, %get3A_99] {strides = array<i32>} : memref<8x16xf32, #tpu.memory_space<vmem>>, vector<16xf32>,
    %get3A_101 = arith.constant 3 : i32
    %get3A_102 = arith.index_cast %get3A_101 : i32 to index
    %get3A_103 = arith.constant 0 : index
    %get3A_104 = tpu.vector_load %arg9[%get3A_102, %get3A_103] {strides = array<i32>} : memref<8x16xf32, #tpu.memory_space<vmem>>, vector<16xf32>,
    %add3A_105 = arith.addf %get3A_100, %get3A_104 : vector<16xf32>
    %swap3A_106 = arith.constant 3 : i32
    %swap3A_107 = arith.index_cast %swap3A_106 : i32 to index
    %swap3A_108 = arith.constant 0 : index
    %swap3A_109 = tpu.vector_load %arg10[%swap3A_107, %swap3A_108] {strides = array<i32>} : memref<8x16xf32, #tpu.memory_space<vmem>>, vector<16xf32>,
    tpu.vector_store %arg10[%swap3A_107, %swap3A_108], %add3A_105 {strides = array<i32>} : memref<8x16xf32, #tpu.memory_space<vmem>>, vector<16xf32>,
    %get3A_110 = arith.constant 4 : i32
    %get3A_111 = arith.index_cast %get3A_110 : i32 to index
    %get3A_112 = arith.constant 0 : index
    %get3A_113 = tpu.vector_load %arg10[%get3A_111, %get3A_112] {strides = array<i32>} : memref<8x16xf32, #tpu.memory_space<vmem>>, vector<16xf32>,
    %get3A_114 = arith.constant 4 : i32
    %get3A_115 = arith.index_cast %get3A_114 : i32 to index
    %get3A_116 = arith.constant 0 : index
    %get3A_117 = tpu.vector_load %arg9[%get3A_115, %get3A_116] {strides = array<i32>} : memref<8x16xf32, #tpu.memory_space<vmem>>, vector<16xf32>,
    %add3A_118 = arith.addf %get3A_113, %get3A_117 : vector<16xf32>
    %swap3A_119 = arith.constant 4 : i32
    %swap3A_120 = arith.index_cast %swap3A_119 : i32 to index
    %swap3A_121 = arith.constant 0 : index
    %swap3A_122 = tpu.vector_load %arg10[%swap3A_120, %swap3A_121] {strides = array<i32>} : memref<8x16xf32, #tpu.memory_space<vmem>>, vector<16xf32>,
    tpu.vector_store %arg10[%swap3A_120, %swap3A_121], %add3A_118 {strides = array<i32>} : memref<8x16xf32, #tpu.memory_space<vmem>>, vector<16xf32>,
    %get3A_123 = arith.constant 5 : i32
    %get3A_124 = arith.index_cast %get3A_123 : i32 to index
    %get3A_125 = arith.constant 0 : index
    %get3A_126 = tpu.vector_load %arg10[%get3A_124, %get3A_125] {strides = array<i32>} : memref<8x16xf32, #tpu.memory_space<vmem>>, vector<16xf32>,
    %get3A_127 = arith.constant 5 : i32
    %get3A_128 = arith.index_cast %get3A_127 : i32 to index
    %get3A_129 = arith.constant 0 : index
    %get3A_130 = tpu.vector_load %arg9[%get3A_128, %get3A_129] {strides = array<i32>} : memref<8x16xf32, #tpu.memory_space<vmem>>, vector<16xf32>,
    %add3A_131 = arith.addf %get3A_126, %get3A_130 : vector<16xf32>
    %swap3A_132 = arith.constant 5 : i32
    %swap3A_133 = arith.index_cast %swap3A_132 : i32 to index
    %swap3A_134 = arith.constant 0 : index
    %swap3A_135 = tpu.vector_load %arg10[%swap3A_133, %swap3A_134] {strides = array<i32>} : memref<8x16xf32, #tpu.memory_space<vmem>>, vector<16xf32>,
    tpu.vector_store %arg10[%swap3A_133, %swap3A_134], %add3A_131 {strides = array<i32>} : memref<8x16xf32, #tpu.memory_space<vmem>>, vector<16xf32>,
    %get3A_136 = arith.constant 6 : i32
    %get3A_137 = arith.index_cast %get3A_136 : i32 to index
    %get3A_138 = arith.constant 0 : index
    %get3A_139 = tpu.vector_load %arg10[%get3A_137, %get3A_138] {strides = array<i32>} : memref<8x16xf32, #tpu.memory_space<vmem>>, vector<16xf32>,
    %get3A_140 = arith.constant 6 : i32
    %get3A_141 = arith.index_cast %get3A_140 : i32 to index
    %get3A_142 = arith.constant 0 : index
    %get3A_143 = tpu.vector_load %arg9[%get3A_141, %get3A_142] {strides = array<i32>} : memref<8x16xf32, #tpu.memory_space<vmem>>, vector<16xf32>,
    %add3A_144 = arith.addf %get3A_139, %get3A_143 : vector<16xf32>
    %swap3A_145 = arith.constant 6 : i32
    %swap3A_146 = arith.index_cast %swap3A_145 : i32 to index
    %swap3A_147 = arith.constant 0 : index
    %swap3A_148 = tpu.vector_load %arg10[%swap3A_146, %swap3A_147] {strides = array<i32>} : memref<8x16xf32, #tpu.memory_space<vmem>>, vector<16xf32>,
    tpu.vector_store %arg10[%swap3A_146, %swap3A_147], %add3A_144 {strides = array<i32>} : memref<8x16xf32, #tpu.memory_space<vmem>>, vector<16xf32>,
    %get3A_149 = arith.constant 7 : i32
    %get3A_150 = arith.index_cast %get3A_149 : i32 to index
    %get3A_151 = arith.constant 0 : index
    %get3A_152 = tpu.vector_load %arg10[%get3A_150, %get3A_151] {strides = array<i32>} : memref<8x16xf32, #tpu.memory_space<vmem>>, vector<16xf32>,
    %get3A_153 = arith.constant 7 : i32
    %get3A_154 = arith.index_cast %get3A_153 : i32 to index
    %get3A_155 = arith.constant 0 : index
    %get3A_156 = tpu.vector_load %arg9[%get3A_154, %get3A_155] {strides = array<i32>} : memref<8x16xf32, #tpu.memory_space<vmem>>, vector<16xf32>,
    %add3A_157 = arith.addf %get3A_152, %get3A_156 : vector<16xf32>
    %swap3A_158 = arith.constant 7 : i32
    %swap3A_159 = arith.index_cast %swap3A_158 : i32 to index
    %swap3A_160 = arith.constant 0 : index
    %swap3A_161 = tpu.vector_load %arg10[%swap3A_159, %swap3A_160] {strides = array<i32>} : memref<8x16xf32, #tpu.memory_space<vmem>>, vector<16xf32>,
    tpu.vector_store %arg10[%swap3A_159, %swap3A_160], %add3A_157 {strides = array<i32>} : memref<8x16xf32, #tpu.memory_space<vmem>>, vector<16xf32>,
    %run_scoped3A_162 = arith.constant 1 : i32
    "tpu.region"() ({
      %run_scoped3A_1737 = tpu.sem_alloc : memref<!tpu.dma_semaphore, #tpu.memory_space<semaphore_mem>>
      %dma_start3A = arith.constant 0 : i32
      %dma_start3A_1738 = tpu.memref_slice %arg11[%run_scoped3A_162, %mul3A_27, %dma_start3A] : memref<16x128x16xf32, #tpu.memory_space<vmem_shared>> -> memref<1x8x16xf32, #tpu.memory_space<vmem_shared>>
      %dma_start3A_1739 = tpu.memref_squeeze %dma_start3A_1738 : memref<1x8x16xf32, #tpu.memory_space<vmem_shared>> -> memref<8x16xf32, #tpu.memory_space<vmem_shared>>
      %dma_start3A_1740 = arith.constant 0 : i32
      %dma_start3A_1741 = tpu.memref_slice %arg11[%run_scoped3A_162, %mul3A_27, %dma_start3A_1740] : memref<16x128x16xf32, #tpu.memory_space<vmem_shared>> -> memref<1x8x16xf32, #tpu.memory_space<vmem_shared>>
      %dma_start3A_1742 = tpu.memref_squeeze %dma_start3A_1741 : memref<1x8x16xf32, #tpu.memory_space<vmem_shared>> -> memref<8x16xf32, #tpu.memory_space<vmem_shared>>
      tpu.enqueue_dma source(%dma_start3A_1742 : memref<8x16xf32, #tpu.memory_space<vmem_shared>>) target(%arg9 : memref<8x16xf32, #tpu.memory_space<vmem>>) target_semaphore(%run_scoped3A_1737 : memref<!tpu.dma_semaphore, #tpu.memory_space<semaphore_mem>>)
      %dma_wait3A = arith.constant 0 : i32
      %dma_wait3A_1743 = tpu.memref_slice %arg11[%run_scoped3A_162, %mul3A_27, %dma_wait3A] : memref<16x128x16xf32, #tpu.memory_space<vmem_shared>> -> memref<1x8x16xf32, #tpu.memory_space<vmem_shared>>
      %dma_wait3A_1744 = tpu.memref_squeeze %dma_wait3A_1743 : memref<1x8x16xf32, #tpu.memory_space<vmem_shared>> -> memref<8x16xf32, #tpu.memory_space<vmem_shared>>
      %dma_wait3A_1745 = arith.constant 0 : i32
      %dma_wait3A_1746 = tpu.memref_slice %arg11[%run_scoped3A_162, %mul3A_27, %dma_wait3A_1745] : memref<16x128x16xf32, #tpu.memory_space<vmem_shared>> -> memref<1x8x16xf32, #tpu.memory_space<vmem_shared>>
      %dma_wait3A_1747 = tpu.memref_squeeze %dma_wait3A_1746 : memref<1x8x16xf32, #tpu.memory_space<vmem_shared>> -> memref<8x16xf32, #tpu.memory_space<vmem_shared>>
      tpu.wait_dma2 semaphore(%run_scoped3A_1737 : memref<!tpu.dma_semaphore, #tpu.memory_space<semaphore_mem>>) src(%dma_wait3A_1747 : memref<8x16xf32, #tpu.memory_space<vmem_shared>>) dst(%arg9 : memref<8x16xf32, #tpu.memory_space<vmem>>)
      tpu.yield
    }) : () -> ()
    %get3A_163 = arith.constant 0 : i32
    %get3A_164 = arith.index_cast %get3A_163 : i32 to index
    %get3A_165 = arith.constant 0 : index
    %get3A_166 = tpu.vector_load %arg10[%get3A_164, %get3A_165] {strides = array<i32>} : memref<8x16xf32, #tpu.memory_space<vmem>>, vector<16xf32>,
    %get3A_167 = arith.constant 0 : i32
    %get3A_168 = arith.index_cast %get3A_167 : i32 to index
    %get3A_169 = arith.constant 0 : index
    %get3A_170 = tpu.vector_load %arg9[%get3A_168, %get3A_169] {strides = array<i32>} : memref<8x16xf32, #tpu.memory_space<vmem>>, vector<16xf32>,
    %add3A_171 = arith.addf %get3A_166, %get3A_170 : vector<16xf32>
    %swap3A_172 = arith.constant 0 : i32
    %swap3A_173 = arith.index_cast %swap3A_172 : i32 to index
    %swap3A_174 = arith.constant 0 : index
    %swap3A_175 = tpu.vector_load %arg10[%swap3A_173, %swap3A_174] {strides = array<i32>} : memref<8x16xf32, #tpu.memory_space<vmem>>, vector<16xf32>,
    tpu.vector_store %arg10[%swap3A_173, %swap3A_174], %add3A_171 {strides = array<i32>} : memref<8x16xf32, #tpu.memory_space<vmem>>, vector<16xf32>,
    %get3A_176 = arith.constant 1 : i32
    %get3A_177 = arith.index_cast %get3A_176 : i32 to index
    %get3A_178 = arith.constant 0 : index
    %get3A_179 = tpu.vector_load %arg10[%get3A_177, %get3A_178] {strides = array<i32>} : memref<8x16xf32, #tpu.memory_space<vmem>>, vector<16xf32>,
    %get3A_180 = arith.constant 1 : i32
    %get3A_181 = arith.index_cast %get3A_180 : i32 to index
    %get3A_182 = arith.constant 0 : index
    %get3A_183 = tpu.vector_load %arg9[%get3A_181, %get3A_182] {strides = array<i32>} : memref<8x16xf32, #tpu.memory_space<vmem>>, vector<16xf32>,
    %add3A_184 = arith.addf %get3A_179, %get3A_183 : vector<16xf32>
    %swap3A_185 = arith.constant 1 : i32
    %swap3A_186 = arith.index_cast %swap3A_185 : i32 to index
    %swap3A_187 = arith.constant 0 : index
    %swap3A_188 = tpu.vector_load %arg10[%swap3A_186, %swap3A_187] {strides = array<i32>} : memref<8x16xf32, #tpu.memory_space<vmem>>, vector<16xf32>,
    tpu.vector_store %arg10[%swap3A_186, %swap3A_187], %add3A_184 {strides = array<i32>} : memref<8x16xf32, #tpu.memory_space<vmem>>, vector<16xf32>,
    %get3A_189 = arith.constant 2 : i32
    %get3A_190 = arith.index_cast %get3A_189 : i32 to index
    %get3A_191 = arith.constant 0 : index
    %get3A_192 = tpu.vector_load %arg10[%get3A_190, %get3A_191] {strides = array<i32>} : memref<8x16xf32, #tpu.memory_space<vmem>>, vector<16xf32>,
    %get3A_193 = arith.constant 2 : i32
    %get3A_194 = arith.index_cast %get3A_193 : i32 to index
    %get3A_195 = arith.constant 0 : index
    %get3A_196 = tpu.vector_load %arg9[%get3A_194, %get3A_195] {strides = array<i32>} : memref<8x16xf32, #tpu.memory_space<vmem>>, vector<16xf32>,
    %add3A_197 = arith.addf %get3A_192, %get3A_196 : vector<16xf32>
    %swap3A_198 = arith.constant 2 : i32
    %swap3A_199 = arith.index_cast %swap3A_198 : i32 to index
    %swap3A_200 = arith.constant 0 : index
    %swap3A_201 = tpu.vector_load %arg10[%swap3A_199, %swap3A_200] {strides = array<i32>} : memref<8x16xf32, #tpu.memory_space<vmem>>, vector<16xf32>,
    tpu.vector_store %arg10[%swap3A_199, %swap3A_200], %add3A_197 {strides = array<i32>} : memref<8x16xf32, #tpu.memory_space<vmem>>, vector<16xf32>,
    %get3A_202 = arith.constant 3 : i32
    %get3A_203 = arith.index_cast %get3A_202 : i32 to index
    %get3A_204 = arith.constant 0 : index
    %get3A_205 = tpu.vector_load %arg10[%get3A_203, %get3A_204] {strides = array<i32>} : memref<8x16xf32, #tpu.memory_space<vmem>>, vector<16xf32>,
    %get3A_206 = arith.constant 3 : i32
    %get3A_207 = arith.index_cast %get3A_206 : i32 to index
    %get3A_208 = arith.constant 0 : index
    %get3A_209 = tpu.vector_load %arg9[%get3A_207, %get3A_208] {strides = array<i32>} : memref<8x16xf32, #tpu.memory_space<vmem>>, vector<16xf32>,
    %add3A_210 = arith.addf %get3A_205, %get3A_209 : vector<16xf32>
    %swap3A_211 = arith.constant 3 : i32
    %swap3A_212 = arith.index_cast %swap3A_211 : i32 to index
    %swap3A_213 = arith.constant 0 : index
    %swap3A_214 = tpu.vector_load %arg10[%swap3A_212, %swap3A_213] {strides = array<i32>} : memref<8x16xf32, #tpu.memory_space<vmem>>, vector<16xf32>,
    tpu.vector_store %arg10[%swap3A_212, %swap3A_213], %add3A_210 {strides = array<i32>} : memref<8x16xf32, #tpu.memory_space<vmem>>, vector<16xf32>,
    %get3A_215 = arith.constant 4 : i32
    %get3A_216 = arith.index_cast %get3A_215 : i32 to index
    %get3A_217 = arith.constant 0 : index
    %get3A_218 = tpu.vector_load %arg10[%get3A_216, %get3A_217] {strides = array<i32>} : memref<8x16xf32, #tpu.memory_space<vmem>>, vector<16xf32>,
    %get3A_219 = arith.constant 4 : i32
    %get3A_220 = arith.index_cast %get3A_219 : i32 to index
    %get3A_221 = arith.constant 0 : index
    %get3A_222 = tpu.vector_load %arg9[%get3A_220, %get3A_221] {strides = array<i32>} : memref<8x16xf32, #tpu.memory_space<vmem>>, vector<16xf32>,
    %add3A_223 = arith.addf %get3A_218, %get3A_222 : vector<16xf32>
    %swap3A_224 = arith.constant 4 : i32
    %swap3A_225 = arith.index_cast %swap3A_224 : i32 to index
    %swap3A_226 = arith.constant 0 : index
    %swap3A_227 = tpu.vector_load %arg10[%swap3A_225, %swap3A_226] {strides = array<i32>} : memref<8x16xf32, #tpu.memory_space<vmem>>, vector<16xf32>,
    tpu.vector_store %arg10[%swap3A_225, %swap3A_226], %add3A_223 {strides = array<i32>} : memref<8x16xf32, #tpu.memory_space<vmem>>, vector<16xf32>,
    %get3A_228 = arith.constant 5 : i32
    %get3A_229 = arith.index_cast %get3A_228 : i32 to index
    %get3A_230 = arith.constant 0 : index
    %get3A_231 = tpu.vector_load %arg10[%get3A_229, %get3A_230] {strides = array<i32>} : memref<8x16xf32, #tpu.memory_space<vmem>>, vector<16xf32>,
    %get3A_232 = arith.constant 5 : i32
    %get3A_233 = arith.index_cast %get3A_232 : i32 to index
    %get3A_234 = arith.constant 0 : index
    %get3A_235 = tpu.vector_load %arg9[%get3A_233, %get3A_234] {strides = array<i32>} : memref<8x16xf32, #tpu.memory_space<vmem>>, vector<16xf32>,
    %add3A_236 = arith.addf %get3A_231, %get3A_235 : vector<16xf32>
    %swap3A_237 = arith.constant 5 : i32
    %swap3A_238 = arith.index_cast %swap3A_237 : i32 to index
    %swap3A_239 = arith.constant 0 : index
    %swap3A_240 = tpu.vector_load %arg10[%swap3A_238, %swap3A_239] {strides = array<i32>} : memref<8x16xf32, #tpu.memory_space<vmem>>, vector<16xf32>,
    tpu.vector_store %arg10[%swap3A_238, %swap3A_239], %add3A_236 {strides = array<i32>} : memref<8x16xf32, #tpu.memory_space<vmem>>, vector<16xf32>,
    %get3A_241 = arith.constant 6 : i32
    %get3A_242 = arith.index_cast %get3A_241 : i32 to index
    %get3A_243 = arith.constant 0 : index
    %get3A_244 = tpu.vector_load %arg10[%get3A_242, %get3A_243] {strides = array<i32>} : memref<8x16xf32, #tpu.memory_space<vmem>>, vector<16xf32>,
    %get3A_245 = arith.constant 6 : i32
    %get3A_246 = arith.index_cast %get3A_245 : i32 to index
    %get3A_247 = arith.constant 0 : index
    %get3A_248 = tpu.vector_load %arg9[%get3A_246, %get3A_247] {strides = array<i32>} : memref<8x16xf32, #tpu.memory_space<vmem>>, vector<16xf32>,
    %add3A_249 = arith.addf %get3A_244, %get3A_248 : vector<16xf32>
    %swap3A_250 = arith.constant 6 : i32
    %swap3A_251 = arith.index_cast %swap3A_250 : i32 to index
    %swap3A_252 = arith.constant 0 : index
    %swap3A_253 = tpu.vector_load %arg10[%swap3A_251, %swap3A_252] {strides = array<i32>} : memref<8x16xf32, #tpu.memory_space<vmem>>, vector<16xf32>,
    tpu.vector_store %arg10[%swap3A_251, %swap3A_252], %add3A_249 {strides = array<i32>} : memref<8x16xf32, #tpu.memory_space<vmem>>, vector<16xf32>,
    %get3A_254 = arith.constant 7 : i32
    %get3A_255 = arith.index_cast %get3A_254 : i32 to index
    %get3A_256 = arith.constant 0 : index
    %get3A_257 = tpu.vector_load %arg10[%get3A_255, %get3A_256] {strides = array<i32>} : memref<8x16xf32, #tpu.memory_space<vmem>>, vector<16xf32>,
    %get3A_258 = arith.constant 7 : i32
    %get3A_259 = arith.index_cast %get3A_258 : i32 to index
    %get3A_260 = arith.constant 0 : index
    %get3A_261 = tpu.vector_load %arg9[%get3A_259, %get3A_260] {strides = array<i32>} : memref<8x16xf32, #tpu.memory_space<vmem>>, vector<16xf32>,
    %add3A_262 = arith.addf %get3A_257, %get3A_261 : vector<16xf32>
    %swap3A_263 = arith.constant 7 : i32
    %swap3A_264 = arith.index_cast %swap3A_263 : i32 to index
    %swap3A_265 = arith.constant 0 : index
    %swap3A_266 = tpu.vector_load %arg10[%swap3A_264, %swap3A_265] {strides = array<i32>} : memref<8x16xf32, #tpu.memory_space<vmem>>, vector<16xf32>,
    tpu.vector_store %arg10[%swap3A_264, %swap3A_265], %add3A_262 {strides = array<i32>} : memref<8x16xf32, #tpu.memory_space<vmem>>, vector<16xf32>,
    %run_scoped3A_267 = arith.constant 2 : i32
    "tpu.region"() ({
      %run_scoped3A_1737 = tpu.sem_alloc : memref<!tpu.dma_semaphore, #tpu.memory_space<semaphore_mem>>
      %dma_start3A = arith.constant 0 : i32
      %dma_start3A_1738 = tpu.memref_slice %arg11[%run_scoped3A_267, %mul3A_27, %dma_start3A] : memref<16x128x16xf32, #tpu.memory_space<vmem_shared>> -> memref<1x8x16xf32, #tpu.memory_space<vmem_shared>>
      %dma_start3A_1739 = tpu.memref_squeeze %dma_start3A_1738 : memref<1x8x16xf32, #tpu.memory_space<vmem_shared>> -> memref<8x16xf32, #tpu.memory_space<vmem_shared>>
      %dma_start3A_1740 = arith.constant 0 : i32
      %dma_start3A_1741 = tpu.memref_slice %arg11[%run_scoped3A_267, %mul3A_27, %dma_start3A_1740] : memref<16x128x16xf32, #tpu.memory_space<vmem_shared>> -> memref<1x8x16xf32, #tpu.memory_space<vmem_shared>>
      %dma_start3A_1742 = tpu.memref_squeeze %dma_start3A_1741 : memref<1x8x16xf32, #tpu.memory_space<vmem_shared>> -> memref<8x16xf32, #tpu.memory_space<vmem_shared>>
      tpu.enqueue_dma source(%dma_start3A_1742 : memref<8x16xf32, #tpu.memory_space<vmem_shared>>) target(%arg9 : memref<8x16xf32, #tpu.memory_space<vmem>>) target_semaphore(%run_scoped3A_1737 : memref<!tpu.dma_semaphore, #tpu.memory_space<semaphore_mem>>)
      %dma_wait3A = arith.constant 0 : i32
      %dma_wait3A_1743 = tpu.memref_slice %arg11[%run_scoped3A_267, %mul3A_27, %dma_wait3A] : memref<16x128x16xf32, #tpu.memory_space<vmem_shared>> -> memref<1x8x16xf32, #tpu.memory_space<vmem_shared>>
      %dma_wait3A_1744 = tpu.memref_squeeze %dma_wait3A_1743 : memref<1x8x16xf32, #tpu.memory_space<vmem_shared>> -> memref<8x16xf32, #tpu.memory_space<vmem_shared>>
      %dma_wait3A_1745 = arith.constant 0 : i32
      %dma_wait3A_1746 = tpu.memref_slice %arg11[%run_scoped3A_267, %mul3A_27, %dma_wait3A_1745] : memref<16x128x16xf32, #tpu.memory_space<vmem_shared>> -> memref<1x8x16xf32, #tpu.memory_space<vmem_shared>>
      %dma_wait3A_1747 = tpu.memref_squeeze %dma_wait3A_1746 : memref<1x8x16xf32, #tpu.memory_space<vmem_shared>> -> memref<8x16xf32, #tpu.memory_space<vmem_shared>>
      tpu.wait_dma2 semaphore(%run_scoped3A_1737 : memref<!tpu.dma_semaphore, #tpu.memory_space<semaphore_mem>>) src(%dma_wait3A_1747 : memref<8x16xf32, #tpu.memory_space<vmem_shared>>) dst(%arg9 : memref<8x16xf32, #tpu.memory_space<vmem>>)
      tpu.yield
    }) : () -> ()
    %get3A_268 = arith.constant 0 : i32
    %get3A_269 = arith.index_cast %get3A_268 : i32 to index
    %get3A_270 = arith.constant 0 : index
    %get3A_271 = tpu.vector_load %arg10[%get3A_269, %get3A_270] {strides = array<i32>} : memref<8x16xf32, #tpu.memory_space<vmem>>, vector<16xf32>,
    %get3A_272 = arith.constant 0 : i32
    %get3A_273 = arith.index_cast %get3A_272 : i32 to index
    %get3A_274 = arith.constant 0 : index
    %get3A_275 = tpu.vector_load %arg9[%get3A_273, %get3A_274] {strides = array<i32>} : memref<8x16xf32, #tpu.memory_space<vmem>>, vector<16xf32>,
    %add3A_276 = arith.addf %get3A_271, %get3A_275 : vector<16xf32>
    %swap3A_277 = arith.constant 0 : i32
    %swap3A_278 = arith.index_cast %swap3A_277 : i32 to index
    %swap3A_279 = arith.constant 0 : index
    %swap3A_280 = tpu.vector_load %arg10[%swap3A_278, %swap3A_279] {strides = array<i32>} : memref<8x16xf32, #tpu.memory_space<vmem>>, vector<16xf32>,
    tpu.vector_store %arg10[%swap3A_278, %swap3A_279], %add3A_276 {strides = array<i32>} : memref<8x16xf32, #tpu.memory_space<vmem>>, vector<16xf32>,
    %get3A_281 = arith.constant 1 : i32
    %get3A_282 = arith.index_cast %get3A_281 : i32 to index
    %get3A_283 = arith.constant 0 : index
    %get3A_284 = tpu.vector_load %arg10[%get3A_282, %get3A_283] {strides = array<i32>} : memref<8x16xf32, #tpu.memory_space<vmem>>, vector<16xf32>,
    %get3A_285 = arith.constant 1 : i32
    %get3A_286 = arith.index_cast %get3A_285 : i32 to index
    %get3A_287 = arith.constant 0 : index
    %get3A_288 = tpu.vector_load %arg9[%get3A_286, %get3A_287] {strides = array<i32>} : memref<8x16xf32, #tpu.memory_space<vmem>>, vector<16xf32>,
    %add3A_289 = arith.addf %get3A_284, %get3A_288 : vector<16xf32>
    %swap3A_290 = arith.constant 1 : i32
    %swap3A_291 = arith.index_cast %swap3A_290 : i32 to index
    %swap3A_292 = arith.constant 0 : index
    %swap3A_293 = tpu.vector_load %arg10[%swap3A_291, %swap3A_292] {strides = array<i32>} : memref<8x16xf32, #tpu.memory_space<vmem>>, vector<16xf32>,
    tpu.vector_store %arg10[%swap3A_291, %swap3A_292], %add3A_289 {strides = array<i32>} : memref<8x16xf32, #tpu.memory_space<vmem>>, vector<16xf32>,
    %get3A_294 = arith.constant 2 : i32
    %get3A_295 = arith.index_cast %get3A_294 : i32 to index
    %get3A_296 = arith.constant 0 : index
    %get3A_297 = tpu.vector_load %arg10[%get3A_295, %get3A_296] {strides = array<i32>} : memref<8x16xf32, #tpu.memory_space<vmem>>, vector<16xf32>,
    %get3A_298 = arith.constant 2 : i32
    %get3A_299 = arith.index_cast %get3A_298 : i32 to index
    %get3A_300 = arith.constant 0 : index
    %get3A_301 = tpu.vector_load %arg9[%get3A_299, %get3A_300] {strides = array<i32>} : memref<8x16xf32, #tpu.memory_space<vmem>>, vector<16xf32>,
    %add3A_302 = arith.addf %get3A_297, %get3A_301 : vector<16xf32>
    %swap3A_303 = arith.constant 2 : i32
    %swap3A_304 = arith.index_cast %swap3A_303 : i32 to index
    %swap3A_305 = arith.constant 0 : index
    %swap3A_306 = tpu.vector_load %arg10[%swap3A_304, %swap3A_305] {strides = array<i32>} : memref<8x16xf32, #tpu.memory_space<vmem>>, vector<16xf32>,
    tpu.vector_store %arg10[%swap3A_304, %swap3A_305], %add3A_302 {strides = array<i32>} : memref<8x16xf32, #tpu.memory_space<vmem>>, vector<16xf32>,
    %get3A_307 = arith.constant 3 : i32
    %get3A_308 = arith.index_cast %get3A_307 : i32 to index
    %get3A_309 = arith.constant 0 : index
    %get3A_310 = tpu.vector_load %arg10[%get3A_308, %get3A_309] {strides = array<i32>} : memref<8x16xf32, #tpu.memory_space<vmem>>, vector<16xf32>,
    %get3A_311 = arith.constant 3 : i32
    %get3A_312 = arith.index_cast %get3A_311 : i32 to index
    %get3A_313 = arith.constant 0 : index
    %get3A_314 = tpu.vector_load %arg9[%get3A_312, %get3A_313] {strides = array<i32>} : memref<8x16xf32, #tpu.memory_space<vmem>>, vector<16xf32>,
    %add3A_315 = arith.addf %get3A_310, %get3A_314 : vector<16xf32>
    %swap3A_316 = arith.constant 3 : i32
    %swap3A_317 = arith.index_cast %swap3A_316 : i32 to index
    %swap3A_318 = arith.constant 0 : index
    %swap3A_319 = tpu.vector_load %arg10[%swap3A_317, %swap3A_318] {strides = array<i32>} : memref<8x16xf32, #tpu.memory_space<vmem>>, vector<16xf32>,
    tpu.vector_store %arg10[%swap3A_317, %swap3A_318], %add3A_315 {strides = array<i32>} : memref<8x16xf32, #tpu.memory_space<vmem>>, vector<16xf32>,
    %get3A_320 = arith.constant 4 : i32
    %get3A_321 = arith.index_cast %get3A_320 : i32 to index
    %get3A_322 = arith.constant 0 : index
    %get3A_323 = tpu.vector_load %arg10[%get3A_321, %get3A_322] {strides = array<i32>} : memref<8x16xf32, #tpu.memory_space<vmem>>, vector<16xf32>,
    %get3A_324 = arith.constant 4 : i32
    %get3A_325 = arith.index_cast %get3A_324 : i32 to index
    %get3A_326 = arith.constant 0 : index
    %get3A_327 = tpu.vector_load %arg9[%get3A_325, %get3A_326] {strides = array<i32>} : memref<8x16xf32, #tpu.memory_space<vmem>>, vector<16xf32>,
    %add3A_328 = arith.addf %get3A_323, %get3A_327 : vector<16xf32>
    %swap3A_329 = arith.constant 4 : i32
    %swap3A_330 = arith.index_cast %swap3A_329 : i32 to index
    %swap3A_331 = arith.constant 0 : index
    %swap3A_332 = tpu.vector_load %arg10[%swap3A_330, %swap3A_331] {strides = array<i32>} : memref<8x16xf32, #tpu.memory_space<vmem>>, vector<16xf32>,
    tpu.vector_store %arg10[%swap3A_330, %swap3A_331], %add3A_328 {strides = array<i32>} : memref<8x16xf32, #tpu.memory_space<vmem>>, vector<16xf32>,
    %get3A_333 = arith.constant 5 : i32
    %get3A_334 = arith.index_cast %get3A_333 : i32 to index
    %get3A_335 = arith.constant 0 : index
    %get3A_336 = tpu.vector_load %arg10[%get3A_334, %get3A_335] {strides = array<i32>} : memref<8x16xf32, #tpu.memory_space<vmem>>, vector<16xf32>,
    %get3A_337 = arith.constant 5 : i32
    %get3A_338 = arith.index_cast %get3A_337 : i32 to index
    %get3A_339 = arith.constant 0 : index
    %get3A_340 = tpu.vector_load %arg9[%get3A_338, %get3A_339] {strides = array<i32>} : memref<8x16xf32, #tpu.memory_space<vmem>>, vector<16xf32>,
    %add3A_341 = arith.addf %get3A_336, %get3A_340 : vector<16xf32>
    %swap3A_342 = arith.constant 5 : i32
    %swap3A_343 = arith.index_cast %swap3A_342 : i32 to index
    %swap3A_344 = arith.constant 0 : index
    %swap3A_345 = tpu.vector_load %arg10[%swap3A_343, %swap3A_344] {strides = array<i32>} : memref<8x16xf32, #tpu.memory_space<vmem>>, vector<16xf32>,
    tpu.vector_store %arg10[%swap3A_343, %swap3A_344], %add3A_341 {strides = array<i32>} : memref<8x16xf32, #tpu.memory_space<vmem>>, vector<16xf32>,
    %get3A_346 = arith.constant 6 : i32
    %get3A_347 = arith.index_cast %get3A_346 : i32 to index
    %get3A_348 = arith.constant 0 : index
    %get3A_349 = tpu.vector_load %arg10[%get3A_347, %get3A_348] {strides = array<i32>} : memref<8x16xf32, #tpu.memory_space<vmem>>, vector<16xf32>,
    %get3A_350 = arith.constant 6 : i32
    %get3A_351 = arith.index_cast %get3A_350 : i32 to index
    %get3A_352 = arith.constant 0 : index
    %get3A_353 = tpu.vector_load %arg9[%get3A_351, %get3A_352] {strides = array<i32>} : memref<8x16xf32, #tpu.memory_space<vmem>>, vector<16xf32>,
    %add3A_354 = arith.addf %get3A_349, %get3A_353 : vector<16xf32>
    %swap3A_355 = arith.constant 6 : i32
    %swap3A_356 = arith.index_cast %swap3A_355 : i32 to index
    %swap3A_357 = arith.constant 0 : index
    %swap3A_358 = tpu.vector_load %arg10[%swap3A_356, %swap3A_357] {strides = array<i32>} : memref<8x16xf32, #tpu.memory_space<vmem>>, vector<16xf32>,
    tpu.vector_store %arg10[%swap3A_356, %swap3A_357], %add3A_354 {strides = array<i32>} : memref<8x16xf32, #tpu.memory_space<vmem>>, vector<16xf32>,
    %get3A_359 = arith.constant 7 : i32
    %get3A_360 = arith.index_cast %get3A_359 : i32 to index
    %get3A_361 = arith.constant 0 : index
    %get3A_362 = tpu.vector_load %arg10[%get3A_360, %get3A_361] {strides = array<i32>} : memref<8x16xf32, #tpu.memory_space<vmem>>, vector<16xf32>,
    %get3A_363 = arith.constant 7 : i32
    %get3A_364 = arith.index_cast %get3A_363 : i32 to index
    %get3A_365 = arith.constant 0 : index
    %get3A_366 = tpu.vector_load %arg9[%get3A_364, %get3A_365] {strides = array<i32>} : memref<8x16xf32, #tpu.memory_space<vmem>>, vector<16xf32>,
    %add3A_367 = arith.addf %get3A_362, %get3A_366 : vector<16xf32>
    %swap3A_368 = arith.constant 7 : i32
    %swap3A_369 = arith.index_cast %swap3A_368 : i32 to index
    %swap3A_370 = arith.constant 0 : index
    %swap3A_371 = tpu.vector_load %arg10[%swap3A_369, %swap3A_370] {strides = array<i32>} : memref<8x16xf32, #tpu.memory_space<vmem>>, vector<16xf32>,
    tpu.vector_store %arg10[%swap3A_369, %swap3A_370], %add3A_367 {strides = array<i32>} : memref<8x16xf32, #tpu.memory_space<vmem>>, vector<16xf32>,
    %run_scoped3A_372 = arith.constant 3 : i32
    "tpu.region"() ({
      %run_scoped3A_1737 = tpu.sem_alloc : memref<!tpu.dma_semaphore, #tpu.memory_space<semaphore_mem>>
      %dma_start3A = arith.constant 0 : i32
      %dma_start3A_1738 = tpu.memref_slice %arg11[%run_scoped3A_372, %mul3A_27, %dma_start3A] : memref<16x128x16xf32, #tpu.memory_space<vmem_shared>> -> memref<1x8x16xf32, #tpu.memory_space<vmem_shared>>
      %dma_start3A_1739 = tpu.memref_squeeze %dma_start3A_1738 : memref<1x8x16xf32, #tpu.memory_space<vmem_shared>> -> memref<8x16xf32, #tpu.memory_space<vmem_shared>>
      %dma_start3A_1740 = arith.constant 0 : i32
      %dma_start3A_1741 = tpu.memref_slice %arg11[%run_scoped3A_372, %mul3A_27, %dma_start3A_1740] : memref<16x128x16xf32, #tpu.memory_space<vmem_shared>> -> memref<1x8x16xf32, #tpu.memory_space<vmem_shared>>
      %dma_start3A_1742 = tpu.memref_squeeze %dma_start3A_1741 : memref<1x8x16xf32, #tpu.memory_space<vmem_shared>> -> memref<8x16xf32, #tpu.memory_space<vmem_shared>>
      tpu.enqueue_dma source(%dma_start3A_1742 : memref<8x16xf32, #tpu.memory_space<vmem_shared>>) target(%arg9 : memref<8x16xf32, #tpu.memory_space<vmem>>) target_semaphore(%run_scoped3A_1737 : memref<!tpu.dma_semaphore, #tpu.memory_space<semaphore_mem>>)
      %dma_wait3A = arith.constant 0 : i32
      %dma_wait3A_1743 = tpu.memref_slice %arg11[%run_scoped3A_372, %mul3A_27, %dma_wait3A] : memref<16x128x16xf32, #tpu.memory_space<vmem_shared>> -> memref<1x8x16xf32, #tpu.memory_space<vmem_shared>>
      %dma_wait3A_1744 = tpu.memref_squeeze %dma_wait3A_1743 : memref<1x8x16xf32, #tpu.memory_space<vmem_shared>> -> memref<8x16xf32, #tpu.memory_space<vmem_shared>>
      %dma_wait3A_1745 = arith.constant 0 : i32
      %dma_wait3A_1746 = tpu.memref_slice %arg11[%run_scoped3A_372, %mul3A_27, %dma_wait3A_1745] : memref<16x128x16xf32, #tpu.memory_space<vmem_shared>> -> memref<1x8x16xf32, #tpu.memory_space<vmem_shared>>
      %dma_wait3A_1747 = tpu.memref_squeeze %dma_wait3A_1746 : memref<1x8x16xf32, #tpu.memory_space<vmem_shared>> -> memref<8x16xf32, #tpu.memory_space<vmem_shared>>
      tpu.wait_dma2 semaphore(%run_scoped3A_1737 : memref<!tpu.dma_semaphore, #tpu.memory_space<semaphore_mem>>) src(%dma_wait3A_1747 : memref<8x16xf32, #tpu.memory_space<vmem_shared>>) dst(%arg9 : memref<8x16xf32, #tpu.memory_space<vmem>>)
      tpu.yield
    }) : () -> ()
    %get3A_373 = arith.constant 0 : i32
    %get3A_374 = arith.index_cast %get3A_373 : i32 to index
    %get3A_375 = arith.constant 0 : index
    %get3A_376 = tpu.vector_load %arg10[%get3A_374, %get3A_375] {strides = array<i32>} : memref<8x16xf32, #tpu.memory_space<vmem>>, vector<16xf32>,
    %get3A_377 = arith.constant 0 : i32
    %get3A_378 = arith.index_cast %get3A_377 : i32 to index
    %get3A_379 = arith.constant 0 : index
    %get3A_380 = tpu.vector_load %arg9[%get3A_378, %get3A_379] {strides = array<i32>} : memref<8x16xf32, #tpu.memory_space<vmem>>, vector<16xf32>,
    %add3A_381 = arith.addf %get3A_376, %get3A_380 : vector<16xf32>
    %swap3A_382 = arith.constant 0 : i32
    %swap3A_383 = arith.index_cast %swap3A_382 : i32 to index
    %swap3A_384 = arith.constant 0 : index
    %swap3A_385 = tpu.vector_load %arg10[%swap3A_383, %swap3A_384] {strides = array<i32>} : memref<8x16xf32, #tpu.memory_space<vmem>>, vector<16xf32>,
    tpu.vector_store %arg10[%swap3A_383, %swap3A_384], %add3A_381 {strides = array<i32>} : memref<8x16xf32, #tpu.memory_space<vmem>>, vector<16xf32>,
    %get3A_386 = arith.constant 1 : i32
    %get3A_387 = arith.index_cast %get3A_386 : i32 to index
    %get3A_388 = arith.constant 0 : index
    %get3A_389 = tpu.vector_load %arg10[%get3A_387, %get3A_388] {strides = array<i32>} : memref<8x16xf32, #tpu.memory_space<vmem>>, vector<16xf32>,
    %get3A_390 = arith.constant 1 : i32
    %get3A_391 = arith.index_cast %get3A_390 : i32 to index
    %get3A_392 = arith.constant 0 : index
    %get3A_393 = tpu.vector_load %arg9[%get3A_391, %get3A_392] {strides = array<i32>} : memref<8x16xf32, #tpu.memory_space<vmem>>, vector<16xf32>,
    %add3A_394 = arith.addf %get3A_389, %get3A_393 : vector<16xf32>
    %swap3A_395 = arith.constant 1 : i32
    %swap3A_396 = arith.index_cast %swap3A_395 : i32 to index
    %swap3A_397 = arith.constant 0 : index
    %swap3A_398 = tpu.vector_load %arg10[%swap3A_396, %swap3A_397] {strides = array<i32>} : memref<8x16xf32, #tpu.memory_space<vmem>>, vector<16xf32>,
    tpu.vector_store %arg10[%swap3A_396, %swap3A_397], %add3A_394 {strides = array<i32>} : memref<8x16xf32, #tpu.memory_space<vmem>>, vector<16xf32>,
    %get3A_399 = arith.constant 2 : i32
    %get3A_400 = arith.index_cast %get3A_399 : i32 to index
    %get3A_401 = arith.constant 0 : index
    %get3A_402 = tpu.vector_load %arg10[%get3A_400, %get3A_401] {strides = array<i32>} : memref<8x16xf32, #tpu.memory_space<vmem>>, vector<16xf32>,
    %get3A_403 = arith.constant 2 : i32
    %get3A_404 = arith.index_cast %get3A_403 : i32 to index
    %get3A_405 = arith.constant 0 : index
    %get3A_406 = tpu.vector_load %arg9[%get3A_404, %get3A_405] {strides = array<i32>} : memref<8x16xf32, #tpu.memory_space<vmem>>, vector<16xf32>,
    %add3A_407 = arith.addf %get3A_402, %get3A_406 : vector<16xf32>
    %swap3A_408 = arith.constant 2 : i32
    %swap3A_409 = arith.index_cast %swap3A_408 : i32 to index
    %swap3A_410 = arith.constant 0 : index
    %swap3A_411 = tpu.vector_load %arg10[%swap3A_409, %swap3A_410] {strides = array<i32>} : memref<8x16xf32, #tpu.memory_space<vmem>>, vector<16xf32>,
    tpu.vector_store %arg10[%swap3A_409, %swap3A_410], %add3A_407 {strides = array<i32>} : memref<8x16xf32, #tpu.memory_space<vmem>>, vector<16xf32>,
    %get3A_412 = arith.constant 3 : i32
    %get3A_413 = arith.index_cast %get3A_412 : i32 to index
    %get3A_414 = arith.constant 0 : index
    %get3A_415 = tpu.vector_load %arg10[%get3A_413, %get3A_414] {strides = array<i32>} : memref<8x16xf32, #tpu.memory_space<vmem>>, vector<16xf32>,
    %get3A_416 = arith.constant 3 : i32
    %get3A_417 = arith.index_cast %get3A_416 : i32 to index
    %get3A_418 = arith.constant 0 : index
    %get3A_419 = tpu.vector_load %arg9[%get3A_417, %get3A_418] {strides = array<i32>} : memref<8x16xf32, #tpu.memory_space<vmem>>, vector<16xf32>,
    %add3A_420 = arith.addf %get3A_415, %get3A_419 : vector<16xf32>
    %swap3A_421 = arith.constant 3 : i32
    %swap3A_422 = arith.index_cast %swap3A_421 : i32 to index
    %swap3A_423 = arith.constant 0 : index
    %swap3A_424 = tpu.vector_load %arg10[%swap3A_422, %swap3A_423] {strides = array<i32>} : memref<8x16xf32, #tpu.memory_space<vmem>>, vector<16xf32>,
    tpu.vector_store %arg10[%swap3A_422, %swap3A_423], %add3A_420 {strides = array<i32>} : memref<8x16xf32, #tpu.memory_space<vmem>>, vector<16xf32>,
    %get3A_425 = arith.constant 4 : i32
    %get3A_426 = arith.index_cast %get3A_425 : i32 to index
    %get3A_427 = arith.constant 0 : index
    %get3A_428 = tpu.vector_load %arg10[%get3A_426, %get3A_427] {strides = array<i32>} : memref<8x16xf32, #tpu.memory_space<vmem>>, vector<16xf32>,
    %get3A_429 = arith.constant 4 : i32
    %get3A_430 = arith.index_cast %get3A_429 : i32 to index
    %get3A_431 = arith.constant 0 : index
    %get3A_432 = tpu.vector_load %arg9[%get3A_430, %get3A_431] {strides = array<i32>} : memref<8x16xf32, #tpu.memory_space<vmem>>, vector<16xf32>,
    %add3A_433 = arith.addf %get3A_428, %get3A_432 : vector<16xf32>
    %swap3A_434 = arith.constant 4 : i32
    %swap3A_435 = arith.index_cast %swap3A_434 : i32 to index
    %swap3A_436 = arith.constant 0 : index
    %swap3A_437 = tpu.vector_load %arg10[%swap3A_435, %swap3A_436] {strides = array<i32>} : memref<8x16xf32, #tpu.memory_space<vmem>>, vector<16xf32>,
    tpu.vector_store %arg10[%swap3A_435, %swap3A_436], %add3A_433 {strides = array<i32>} : memref<8x16xf32, #tpu.memory_space<vmem>>, vector<16xf32>,
    %get3A_438 = arith.constant 5 : i32
    %get3A_439 = arith.index_cast %get3A_438 : i32 to index
    %get3A_440 = arith.constant 0 : index
    %get3A_441 = tpu.vector_load %arg10[%get3A_439, %get3A_440] {strides = array<i32>} : memref<8x16xf32, #tpu.memory_space<vmem>>, vector<16xf32>,
    %get3A_442 = arith.constant 5 : i32
    %get3A_443 = arith.index_cast %get3A_442 : i32 to index
    %get3A_444 = arith.constant 0 : index
    %get3A_445 = tpu.vector_load %arg9[%get3A_443, %get3A_444] {strides = array<i32>} : memref<8x16xf32, #tpu.memory_space<vmem>>, vector<16xf32>,
    %add3A_446 = arith.addf %get3A_441, %get3A_445 : vector<16xf32>
    %swap3A_447 = arith.constant 5 : i32
    %swap3A_448 = arith.index_cast %swap3A_447 : i32 to index
    %swap3A_449 = arith.constant 0 : index
    %swap3A_450 = tpu.vector_load %arg10[%swap3A_448, %swap3A_449] {strides = array<i32>} : memref<8x16xf32, #tpu.memory_space<vmem>>, vector<16xf32>,
    tpu.vector_store %arg10[%swap3A_448, %swap3A_449], %add3A_446 {strides = array<i32>} : memref<8x16xf32, #tpu.memory_space<vmem>>, vector<16xf32>,
    %get3A_451 = arith.constant 6 : i32
    %get3A_452 = arith.index_cast %get3A_451 : i32 to index
    %get3A_453 = arith.constant 0 : index
    %get3A_454 = tpu.vector_load %arg10[%get3A_452, %get3A_453] {strides = array<i32>} : memref<8x16xf32, #tpu.memory_space<vmem>>, vector<16xf32>,
    %get3A_455 = arith.constant 6 : i32
    %get3A_456 = arith.index_cast %get3A_455 : i32 to index
    %get3A_457 = arith.constant 0 : index
    %get3A_458 = tpu.vector_load %arg9[%get3A_456, %get3A_457] {strides = array<i32>} : memref<8x16xf32, #tpu.memory_space<vmem>>, vector<16xf32>,
    %add3A_459 = arith.addf %get3A_454, %get3A_458 : vector<16xf32>
    %swap3A_460 = arith.constant 6 : i32
    %swap3A_461 = arith.index_cast %swap3A_460 : i32 to index
    %swap3A_462 = arith.constant 0 : index
    %swap3A_463 = tpu.vector_load %arg10[%swap3A_461, %swap3A_462] {strides = array<i32>} : memref<8x16xf32, #tpu.memory_space<vmem>>, vector<16xf32>,
    tpu.vector_store %arg10[%swap3A_461, %swap3A_462], %add3A_459 {strides = array<i32>} : memref<8x16xf32, #tpu.memory_space<vmem>>, vector<16xf32>,
    %get3A_464 = arith.constant 7 : i32
    %get3A_465 = arith.index_cast %get3A_464 : i32 to index
    %get3A_466 = arith.constant 0 : index
    %get3A_467 = tpu.vector_load %arg10[%get3A_465, %get3A_466] {strides = array<i32>} : memref<8x16xf32, #tpu.memory_space<vmem>>, vector<16xf32>,
    %get3A_468 = arith.constant 7 : i32
    %get3A_469 = arith.index_cast %get3A_468 : i32 to index
    %get3A_470 = arith.constant 0 : index
    %get3A_471 = tpu.vector_load %arg9[%get3A_469, %get3A_470] {strides = array<i32>} : memref<8x16xf32, #tpu.memory_space<vmem>>, vector<16xf32>,
    %add3A_472 = arith.addf %get3A_467, %get3A_471 : vector<16xf32>
    %swap3A_473 = arith.constant 7 : i32
    %swap3A_474 = arith.index_cast %swap3A_473 : i32 to index
    %swap3A_475 = arith.constant 0 : index
    %swap3A_476 = tpu.vector_load %arg10[%swap3A_474, %swap3A_475] {strides = array<i32>} : memref<8x16xf32, #tpu.memory_space<vmem>>, vector<16xf32>,
    tpu.vector_store %arg10[%swap3A_474, %swap3A_475], %add3A_472 {strides = array<i32>} : memref<8x16xf32, #tpu.memory_space<vmem>>, vector<16xf32>,
    %run_scoped3A_477 = arith.constant 4 : i32
    "tpu.region"() ({
      %run_scoped3A_1737 = tpu.sem_alloc : memref<!tpu.dma_semaphore, #tpu.memory_space<semaphore_mem>>
      %dma_start3A = arith.constant 0 : i32
      %dma_start3A_1738 = tpu.memref_slice %arg11[%run_scoped3A_477, %mul3A_27, %dma_start3A] : memref<16x128x16xf32, #tpu.memory_space<vmem_shared>> -> memref<1x8x16xf32, #tpu.memory_space<vmem_shared>>
      %dma_start3A_1739 = tpu.memref_squeeze %dma_start3A_1738 : memref<1x8x16xf32, #tpu.memory_space<vmem_shared>> -> memref<8x16xf32, #tpu.memory_space<vmem_shared>>
      %dma_start3A_1740 = arith.constant 0 : i32
      %dma_start3A_1741 = tpu.memref_slice %arg11[%run_scoped3A_477, %mul3A_27, %dma_start3A_1740] : memref<16x128x16xf32, #tpu.memory_space<vmem_shared>> -> memref<1x8x16xf32, #tpu.memory_space<vmem_shared>>
      %dma_start3A_1742 = tpu.memref_squeeze %dma_start3A_1741 : memref<1x8x16xf32, #tpu.memory_space<vmem_shared>> -> memref<8x16xf32, #tpu.memory_space<vmem_shared>>
      tpu.enqueue_dma source(%dma_start3A_1742 : memref<8x16xf32, #tpu.memory_space<vmem_shared>>) target(%arg9 : memref<8x16xf32, #tpu.memory_space<vmem>>) target_semaphore(%run_scoped3A_1737 : memref<!tpu.dma_semaphore, #tpu.memory_space<semaphore_mem>>)
      %dma_wait3A = arith.constant 0 : i32
      %dma_wait3A_1743 = tpu.memref_slice %arg11[%run_scoped3A_477, %mul3A_27, %dma_wait3A] : memref<16x128x16xf32, #tpu.memory_space<vmem_shared>> -> memref<1x8x16xf32, #tpu.memory_space<vmem_shared>>
      %dma_wait3A_1744 = tpu.memref_squeeze %dma_wait3A_1743 : memref<1x8x16xf32, #tpu.memory_space<vmem_shared>> -> memref<8x16xf32, #tpu.memory_space<vmem_shared>>
      %dma_wait3A_1745 = arith.constant 0 : i32
      %dma_wait3A_1746 = tpu.memref_slice %arg11[%run_scoped3A_477, %mul3A_27, %dma_wait3A_1745] : memref<16x128x16xf32, #tpu.memory_space<vmem_shared>> -> memref<1x8x16xf32, #tpu.memory_space<vmem_shared>>
      %dma_wait3A_1747 = tpu.memref_squeeze %dma_wait3A_1746 : memref<1x8x16xf32, #tpu.memory_space<vmem_shared>> -> memref<8x16xf32, #tpu.memory_space<vmem_shared>>
      tpu.wait_dma2 semaphore(%run_scoped3A_1737 : memref<!tpu.dma_semaphore, #tpu.memory_space<semaphore_mem>>) src(%dma_wait3A_1747 : memref<8x16xf32, #tpu.memory_space<vmem_shared>>) dst(%arg9 : memref<8x16xf32, #tpu.memory_space<vmem>>)
      tpu.yield
    }) : () -> ()
    %get3A_478 = arith.constant 0 : i32
    %get3A_479 = arith.index_cast %get3A_478 : i32 to index
    %get3A_480 = arith.constant 0 : index
    %get3A_481 = tpu.vector_load %arg10[%get3A_479, %get3A_480] {strides = array<i32>} : memref<8x16xf32, #tpu.memory_space<vmem>>, vector<16xf32>,
    %get3A_482 = arith.constant 0 : i32
    %get3A_483 = arith.index_cast %get3A_482 : i32 to index
    %get3A_484 = arith.constant 0 : index
    %get3A_485 = tpu.vector_load %arg9[%get3A_483, %get3A_484] {strides = array<i32>} : memref<8x16xf32, #tpu.memory_space<vmem>>, vector<16xf32>,
    %add3A_486 = arith.addf %get3A_481, %get3A_485 : vector<16xf32>
    %swap3A_487 = arith.constant 0 : i32
    %swap3A_488 = arith.index_cast %swap3A_487 : i32 to index
    %swap3A_489 = arith.constant 0 : index
    %swap3A_490 = tpu.vector_load %arg10[%swap3A_488, %swap3A_489] {strides = array<i32>} : memref<8x16xf32, #tpu.memory_space<vmem>>, vector<16xf32>,
    tpu.vector_store %arg10[%swap3A_488, %swap3A_489], %add3A_486 {strides = array<i32>} : memref<8x16xf32, #tpu.memory_space<vmem>>, vector<16xf32>,
    %get3A_491 = arith.constant 1 : i32
    %get3A_492 = arith.index_cast %get3A_491 : i32 to index
    %get3A_493 = arith.constant 0 : index
    %get3A_494 = tpu.vector_load %arg10[%get3A_492, %get3A_493] {strides = array<i32>} : memref<8x16xf32, #tpu.memory_space<vmem>>, vector<16xf32>,
    %get3A_495 = arith.constant 1 : i32
    %get3A_496 = arith.index_cast %get3A_495 : i32 to index
    %get3A_497 = arith.constant 0 : index
    %get3A_498 = tpu.vector_load %arg9[%get3A_496, %get3A_497] {strides = array<i32>} : memref<8x16xf32, #tpu.memory_space<vmem>>, vector<16xf32>,
    %add3A_499 = arith.addf %get3A_494, %get3A_498 : vector<16xf32>
    %swap3A_500 = arith.constant 1 : i32
    %swap3A_501 = arith.index_cast %swap3A_500 : i32 to index
    %swap3A_502 = arith.constant 0 : index
    %swap3A_503 = tpu.vector_load %arg10[%swap3A_501, %swap3A_502] {strides = array<i32>} : memref<8x16xf32, #tpu.memory_space<vmem>>, vector<16xf32>,
    tpu.vector_store %arg10[%swap3A_501, %swap3A_502], %add3A_499 {strides = array<i32>} : memref<8x16xf32, #tpu.memory_space<vmem>>, vector<16xf32>,
    %get3A_504 = arith.constant 2 : i32
    %get3A_505 = arith.index_cast %get3A_504 : i32 to index
    %get3A_506 = arith.constant 0 : index
    %get3A_507 = tpu.vector_load %arg10[%get3A_505, %get3A_506] {strides = array<i32>} : memref<8x16xf32, #tpu.memory_space<vmem>>, vector<16xf32>,
    %get3A_508 = arith.constant 2 : i32
    %get3A_509 = arith.index_cast %get3A_508 : i32 to index
    %get3A_510 = arith.constant 0 : index
    %get3A_511 = tpu.vector_load %arg9[%get3A_509, %get3A_510] {strides = array<i32>} : memref<8x16xf32, #tpu.memory_space<vmem>>, vector<16xf32>,
    %add3A_512 = arith.addf %get3A_507, %get3A_511 : vector<16xf32>
    %swap3A_513 = arith.constant 2 : i32
    %swap3A_514 = arith.index_cast %swap3A_513 : i32 to index
    %swap3A_515 = arith.constant 0 : index
    %swap3A_516 = tpu.vector_load %arg10[%swap3A_514, %swap3A_515] {strides = array<i32>} : memref<8x16xf32, #tpu.memory_space<vmem>>, vector<16xf32>,
    tpu.vector_store %arg10[%swap3A_514, %swap3A_515], %add3A_512 {strides = array<i32>} : memref<8x16xf32, #tpu.memory_space<vmem>>, vector<16xf32>,
    %get3A_517 = arith.constant 3 : i32
    %get3A_518 = arith.index_cast %get3A_517 : i32 to index
    %get3A_519 = arith.constant 0 : index
    %get3A_520 = tpu.vector_load %arg10[%get3A_518, %get3A_519] {strides = array<i32>} : memref<8x16xf32, #tpu.memory_space<vmem>>, vector<16xf32>,
    %get3A_521 = arith.constant 3 : i32
    %get3A_522 = arith.index_cast %get3A_521 : i32 to index
    %get3A_523 = arith.constant 0 : index
    %get3A_524 = tpu.vector_load %arg9[%get3A_522, %get3A_523] {strides = array<i32>} : memref<8x16xf32, #tpu.memory_space<vmem>>, vector<16xf32>,
    %add3A_525 = arith.addf %get3A_520, %get3A_524 : vector<16xf32>
    %swap3A_526 = arith.constant 3 : i32
    %swap3A_527 = arith.index_cast %swap3A_526 : i32 to index
    %swap3A_528 = arith.constant 0 : index
    %swap3A_529 = tpu.vector_load %arg10[%swap3A_527, %swap3A_528] {strides = array<i32>} : memref<8x16xf32, #tpu.memory_space<vmem>>, vector<16xf32>,
    tpu.vector_store %arg10[%swap3A_527, %swap3A_528], %add3A_525 {strides = array<i32>} : memref<8x16xf32, #tpu.memory_space<vmem>>, vector<16xf32>,
    %get3A_530 = arith.constant 4 : i32
    %get3A_531 = arith.index_cast %get3A_530 : i32 to index
    %get3A_532 = arith.constant 0 : index
    %get3A_533 = tpu.vector_load %arg10[%get3A_531, %get3A_532] {strides = array<i32>} : memref<8x16xf32, #tpu.memory_space<vmem>>, vector<16xf32>,
    %get3A_534 = arith.constant 4 : i32
    %get3A_535 = arith.index_cast %get3A_534 : i32 to index
    %get3A_536 = arith.constant 0 : index
    %get3A_537 = tpu.vector_load %arg9[%get3A_535, %get3A_536] {strides = array<i32>} : memref<8x16xf32, #tpu.memory_space<vmem>>, vector<16xf32>,
    %add3A_538 = arith.addf %get3A_533, %get3A_537 : vector<16xf32>
    %swap3A_539 = arith.constant 4 : i32
    %swap3A_540 = arith.index_cast %swap3A_539 : i32 to index
    %swap3A_541 = arith.constant 0 : index
    %swap3A_542 = tpu.vector_load %arg10[%swap3A_540, %swap3A_541] {strides = array<i32>} : memref<8x16xf32, #tpu.memory_space<vmem>>, vector<16xf32>,
    tpu.vector_store %arg10[%swap3A_540, %swap3A_541], %add3A_538 {strides = array<i32>} : memref<8x16xf32, #tpu.memory_space<vmem>>, vector<16xf32>,
    %get3A_543 = arith.constant 5 : i32
    %get3A_544 = arith.index_cast %get3A_543 : i32 to index
    %get3A_545 = arith.constant 0 : index
    %get3A_546 = tpu.vector_load %arg10[%get3A_544, %get3A_545] {strides = array<i32>} : memref<8x16xf32, #tpu.memory_space<vmem>>, vector<16xf32>,
    %get3A_547 = arith.constant 5 : i32
    %get3A_548 = arith.index_cast %get3A_547 : i32 to index
    %get3A_549 = arith.constant 0 : index
    %get3A_550 = tpu.vector_load %arg9[%get3A_548, %get3A_549] {strides = array<i32>} : memref<8x16xf32, #tpu.memory_space<vmem>>, vector<16xf32>,
    %add3A_551 = arith.addf %get3A_546, %get3A_550 : vector<16xf32>
    %swap3A_552 = arith.constant 5 : i32
    %swap3A_553 = arith.index_cast %swap3A_552 : i32 to index
    %swap3A_554 = arith.constant 0 : index
    %swap3A_555 = tpu.vector_load %arg10[%swap3A_553, %swap3A_554] {strides = array<i32>} : memref<8x16xf32, #tpu.memory_space<vmem>>, vector<16xf32>,
    tpu.vector_store %arg10[%swap3A_553, %swap3A_554], %add3A_551 {strides = array<i32>} : memref<8x16xf32, #tpu.memory_space<vmem>>, vector<16xf32>,
    %get3A_556 = arith.constant 6 : i32
    %get3A_557 = arith.index_cast %get3A_556 : i32 to index
    %get3A_558 = arith.constant 0 : index
    %get3A_559 = tpu.vector_load %arg10[%get3A_557, %get3A_558] {strides = array<i32>} : memref<8x16xf32, #tpu.memory_space<vmem>>, vector<16xf32>,
    %get3A_560 = arith.constant 6 : i32
    %get3A_561 = arith.index_cast %get3A_560 : i32 to index
    %get3A_562 = arith.constant 0 : index
    %get3A_563 = tpu.vector_load %arg9[%get3A_561, %get3A_562] {strides = array<i32>} : memref<8x16xf32, #tpu.memory_space<vmem>>, vector<16xf32>,
    %add3A_564 = arith.addf %get3A_559, %get3A_563 : vector<16xf32>
    %swap3A_565 = arith.constant 6 : i32
    %swap3A_566 = arith.index_cast %swap3A_565 : i32 to index
    %swap3A_567 = arith.constant 0 : index
    %swap3A_568 = tpu.vector_load %arg10[%swap3A_566, %swap3A_567] {strides = array<i32>} : memref<8x16xf32, #tpu.memory_space<vmem>>, vector<16xf32>,
    tpu.vector_store %arg10[%swap3A_566, %swap3A_567], %add3A_564 {strides = array<i32>} : memref<8x16xf32, #tpu.memory_space<vmem>>, vector<16xf32>,
    %get3A_569 = arith.constant 7 : i32
    %get3A_570 = arith.index_cast %get3A_569 : i32 to index
    %get3A_571 = arith.constant 0 : index
    %get3A_572 = tpu.vector_load %arg10[%get3A_570, %get3A_571] {strides = array<i32>} : memref<8x16xf32, #tpu.memory_space<vmem>>, vector<16xf32>,
    %get3A_573 = arith.constant 7 : i32
    %get3A_574 = arith.index_cast %get3A_573 : i32 to index
    %get3A_575 = arith.constant 0 : index
    %get3A_576 = tpu.vector_load %arg9[%get3A_574, %get3A_575] {strides = array<i32>} : memref<8x16xf32, #tpu.memory_space<vmem>>, vector<16xf32>,
    %add3A_577 = arith.addf %get3A_572, %get3A_576 : vector<16xf32>
    %swap3A_578 = arith.constant 7 : i32
    %swap3A_579 = arith.index_cast %swap3A_578 : i32 to index
    %swap3A_580 = arith.constant 0 : index
    %swap3A_581 = tpu.vector_load %arg10[%swap3A_579, %swap3A_580] {strides = array<i32>} : memref<8x16xf32, #tpu.memory_space<vmem>>, vector<16xf32>,
    tpu.vector_store %arg10[%swap3A_579, %swap3A_580], %add3A_577 {strides = array<i32>} : memref<8x16xf32, #tpu.memory_space<vmem>>, vector<16xf32>,
    %run_scoped3A_582 = arith.constant 5 : i32
    "tpu.region"() ({
      %run_scoped3A_1737 = tpu.sem_alloc : memref<!tpu.dma_semaphore, #tpu.memory_space<semaphore_mem>>
      %dma_start3A = arith.constant 0 : i32
      %dma_start3A_1738 = tpu.memref_slice %arg11[%run_scoped3A_582, %mul3A_27, %dma_start3A] : memref<16x128x16xf32, #tpu.memory_space<vmem_shared>> -> memref<1x8x16xf32, #tpu.memory_space<vmem_shared>>
      %dma_start3A_1739 = tpu.memref_squeeze %dma_start3A_1738 : memref<1x8x16xf32, #tpu.memory_space<vmem_shared>> -> memref<8x16xf32, #tpu.memory_space<vmem_shared>>
      %dma_start3A_1740 = arith.constant 0 : i32
      %dma_start3A_1741 = tpu.memref_slice %arg11[%run_scoped3A_582, %mul3A_27, %dma_start3A_1740] : memref<16x128x16xf32, #tpu.memory_space<vmem_shared>> -> memref<1x8x16xf32, #tpu.memory_space<vmem_shared>>
      %dma_start3A_1742 = tpu.memref_squeeze %dma_start3A_1741 : memref<1x8x16xf32, #tpu.memory_space<vmem_shared>> -> memref<8x16xf32, #tpu.memory_space<vmem_shared>>
      tpu.enqueue_dma source(%dma_start3A_1742 : memref<8x16xf32, #tpu.memory_space<vmem_shared>>) target(%arg9 : memref<8x16xf32, #tpu.memory_space<vmem>>) target_semaphore(%run_scoped3A_1737 : memref<!tpu.dma_semaphore, #tpu.memory_space<semaphore_mem>>)
      %dma_wait3A = arith.constant 0 : i32
      %dma_wait3A_1743 = tpu.memref_slice %arg11[%run_scoped3A_582, %mul3A_27, %dma_wait3A] : memref<16x128x16xf32, #tpu.memory_space<vmem_shared>> -> memref<1x8x16xf32, #tpu.memory_space<vmem_shared>>
      %dma_wait3A_1744 = tpu.memref_squeeze %dma_wait3A_1743 : memref<1x8x16xf32, #tpu.memory_space<vmem_shared>> -> memref<8x16xf32, #tpu.memory_space<vmem_shared>>
      %dma_wait3A_1745 = arith.constant 0 : i32
      %dma_wait3A_1746 = tpu.memref_slice %arg11[%run_scoped3A_582, %mul3A_27, %dma_wait3A_1745] : memref<16x128x16xf32, #tpu.memory_space<vmem_shared>> -> memref<1x8x16xf32, #tpu.memory_space<vmem_shared>>
      %dma_wait3A_1747 = tpu.memref_squeeze %dma_wait3A_1746 : memref<1x8x16xf32, #tpu.memory_space<vmem_shared>> -> memref<8x16xf32, #tpu.memory_space<vmem_shared>>
      tpu.wait_dma2 semaphore(%run_scoped3A_1737 : memref<!tpu.dma_semaphore, #tpu.memory_space<semaphore_mem>>) src(%dma_wait3A_1747 : memref<8x16xf32, #tpu.memory_space<vmem_shared>>) dst(%arg9 : memref<8x16xf32, #tpu.memory_space<vmem>>)
      tpu.yield
    }) : () -> ()
    %get3A_583 = arith.constant 0 : i32
    %get3A_584 = arith.index_cast %get3A_583 : i32 to index
    %get3A_585 = arith.constant 0 : index
    %get3A_586 = tpu.vector_load %arg10[%get3A_584, %get3A_585] {strides = array<i32>} : memref<8x16xf32, #tpu.memory_space<vmem>>, vector<16xf32>,
    %get3A_587 = arith.constant 0 : i32
    %get3A_588 = arith.index_cast %get3A_587 : i32 to index
    %get3A_589 = arith.constant 0 : index
    %get3A_590 = tpu.vector_load %arg9[%get3A_588, %get3A_589] {strides = array<i32>} : memref<8x16xf32, #tpu.memory_space<vmem>>, vector<16xf32>,
    %add3A_591 = arith.addf %get3A_586, %get3A_590 : vector<16xf32>
    %swap3A_592 = arith.constant 0 : i32
    %swap3A_593 = arith.index_cast %swap3A_592 : i32 to index
    %swap3A_594 = arith.constant 0 : index
    %swap3A_595 = tpu.vector_load %arg10[%swap3A_593, %swap3A_594] {strides = array<i32>} : memref<8x16xf32, #tpu.memory_space<vmem>>, vector<16xf32>,
    tpu.vector_store %arg10[%swap3A_593, %swap3A_594], %add3A_591 {strides = array<i32>} : memref<8x16xf32, #tpu.memory_space<vmem>>, vector<16xf32>,
    %get3A_596 = arith.constant 1 : i32
    %get3A_597 = arith.index_cast %get3A_596 : i32 to index
    %get3A_598 = arith.constant 0 : index
    %get3A_599 = tpu.vector_load %arg10[%get3A_597, %get3A_598] {strides = array<i32>} : memref<8x16xf32, #tpu.memory_space<vmem>>, vector<16xf32>,
    %get3A_600 = arith.constant 1 : i32
    %get3A_601 = arith.index_cast %get3A_600 : i32 to index
    %get3A_602 = arith.constant 0 : index
    %get3A_603 = tpu.vector_load %arg9[%get3A_601, %get3A_602] {strides = array<i32>} : memref<8x16xf32, #tpu.memory_space<vmem>>, vector<16xf32>,
    %add3A_604 = arith.addf %get3A_599, %get3A_603 : vector<16xf32>
    %swap3A_605 = arith.constant 1 : i32
    %swap3A_606 = arith.index_cast %swap3A_605 : i32 to index
    %swap3A_607 = arith.constant 0 : index
    %swap3A_608 = tpu.vector_load %arg10[%swap3A_606, %swap3A_607] {strides = array<i32>} : memref<8x16xf32, #tpu.memory_space<vmem>>, vector<16xf32>,
    tpu.vector_store %arg10[%swap3A_606, %swap3A_607], %add3A_604 {strides = array<i32>} : memref<8x16xf32, #tpu.memory_space<vmem>>, vector<16xf32>,
    %get3A_609 = arith.constant 2 : i32
    %get3A_610 = arith.index_cast %get3A_609 : i32 to index
    %get3A_611 = arith.constant 0 : index
    %get3A_612 = tpu.vector_load %arg10[%get3A_610, %get3A_611] {strides = array<i32>} : memref<8x16xf32, #tpu.memory_space<vmem>>, vector<16xf32>,
    %get3A_613 = arith.constant 2 : i32
    %get3A_614 = arith.index_cast %get3A_613 : i32 to index
    %get3A_615 = arith.constant 0 : index
    %get3A_616 = tpu.vector_load %arg9[%get3A_614, %get3A_615] {strides = array<i32>} : memref<8x16xf32, #tpu.memory_space<vmem>>, vector<16xf32>,
    %add3A_617 = arith.addf %get3A_612, %get3A_616 : vector<16xf32>
    %swap3A_618 = arith.constant 2 : i32
    %swap3A_619 = arith.index_cast %swap3A_618 : i32 to index
    %swap3A_620 = arith.constant 0 : index
    %swap3A_621 = tpu.vector_load %arg10[%swap3A_619, %swap3A_620] {strides = array<i32>} : memref<8x16xf32, #tpu.memory_space<vmem>>, vector<16xf32>,
    tpu.vector_store %arg10[%swap3A_619, %swap3A_620], %add3A_617 {strides = array<i32>} : memref<8x16xf32, #tpu.memory_space<vmem>>, vector<16xf32>,
    %get3A_622 = arith.constant 3 : i32
    %get3A_623 = arith.index_cast %get3A_622 : i32 to index
    %get3A_624 = arith.constant 0 : index
    %get3A_625 = tpu.vector_load %arg10[%get3A_623, %get3A_624] {strides = array<i32>} : memref<8x16xf32, #tpu.memory_space<vmem>>, vector<16xf32>,
    %get3A_626 = arith.constant 3 : i32
    %get3A_627 = arith.index_cast %get3A_626 : i32 to index
    %get3A_628 = arith.constant 0 : index
    %get3A_629 = tpu.vector_load %arg9[%get3A_627, %get3A_628] {strides = array<i32>} : memref<8x16xf32, #tpu.memory_space<vmem>>, vector<16xf32>,
    %add3A_630 = arith.addf %get3A_625, %get3A_629 : vector<16xf32>
    %swap3A_631 = arith.constant 3 : i32
    %swap3A_632 = arith.index_cast %swap3A_631 : i32 to index
    %swap3A_633 = arith.constant 0 : index
    %swap3A_634 = tpu.vector_load %arg10[%swap3A_632, %swap3A_633] {strides = array<i32>} : memref<8x16xf32, #tpu.memory_space<vmem>>, vector<16xf32>,
    tpu.vector_store %arg10[%swap3A_632, %swap3A_633], %add3A_630 {strides = array<i32>} : memref<8x16xf32, #tpu.memory_space<vmem>>, vector<16xf32>,
    %get3A_635 = arith.constant 4 : i32
    %get3A_636 = arith.index_cast %get3A_635 : i32 to index
    %get3A_637 = arith.constant 0 : index
    %get3A_638 = tpu.vector_load %arg10[%get3A_636, %get3A_637] {strides = array<i32>} : memref<8x16xf32, #tpu.memory_space<vmem>>, vector<16xf32>,
    %get3A_639 = arith.constant 4 : i32
    %get3A_640 = arith.index_cast %get3A_639 : i32 to index
    %get3A_641 = arith.constant 0 : index
    %get3A_642 = tpu.vector_load %arg9[%get3A_640, %get3A_641] {strides = array<i32>} : memref<8x16xf32, #tpu.memory_space<vmem>>, vector<16xf32>,
    %add3A_643 = arith.addf %get3A_638, %get3A_642 : vector<16xf32>
    %swap3A_644 = arith.constant 4 : i32
    %swap3A_645 = arith.index_cast %swap3A_644 : i32 to index
    %swap3A_646 = arith.constant 0 : index
    %swap3A_647 = tpu.vector_load %arg10[%swap3A_645, %swap3A_646] {strides = array<i32>} : memref<8x16xf32, #tpu.memory_space<vmem>>, vector<16xf32>,
    tpu.vector_store %arg10[%swap3A_645, %swap3A_646], %add3A_643 {strides = array<i32>} : memref<8x16xf32, #tpu.memory_space<vmem>>, vector<16xf32>,
    %get3A_648 = arith.constant 5 : i32
    %get3A_649 = arith.index_cast %get3A_648 : i32 to index
    %get3A_650 = arith.constant 0 : index
    %get3A_651 = tpu.vector_load %arg10[%get3A_649, %get3A_650] {strides = array<i32>} : memref<8x16xf32, #tpu.memory_space<vmem>>, vector<16xf32>,
    %get3A_652 = arith.constant 5 : i32
    %get3A_653 = arith.index_cast %get3A_652 : i32 to index
    %get3A_654 = arith.constant 0 : index
    %get3A_655 = tpu.vector_load %arg9[%get3A_653, %get3A_654] {strides = array<i32>} : memref<8x16xf32, #tpu.memory_space<vmem>>, vector<16xf32>,
    %add3A_656 = arith.addf %get3A_651, %get3A_655 : vector<16xf32>
    %swap3A_657 = arith.constant 5 : i32
    %swap3A_658 = arith.index_cast %swap3A_657 : i32 to index
    %swap3A_659 = arith.constant 0 : index
    %swap3A_660 = tpu.vector_load %arg10[%swap3A_658, %swap3A_659] {strides = array<i32>} : memref<8x16xf32, #tpu.memory_space<vmem>>, vector<16xf32>,
    tpu.vector_store %arg10[%swap3A_658, %swap3A_659], %add3A_656 {strides = array<i32>} : memref<8x16xf32, #tpu.memory_space<vmem>>, vector<16xf32>,
    %get3A_661 = arith.constant 6 : i32
    %get3A_662 = arith.index_cast %get3A_661 : i32 to index
    %get3A_663 = arith.constant 0 : index
    %get3A_664 = tpu.vector_load %arg10[%get3A_662, %get3A_663] {strides = array<i32>} : memref<8x16xf32, #tpu.memory_space<vmem>>, vector<16xf32>,
    %get3A_665 = arith.constant 6 : i32
    %get3A_666 = arith.index_cast %get3A_665 : i32 to index
    %get3A_667 = arith.constant 0 : index
    %get3A_668 = tpu.vector_load %arg9[%get3A_666, %get3A_667] {strides = array<i32>} : memref<8x16xf32, #tpu.memory_space<vmem>>, vector<16xf32>,
    %add3A_669 = arith.addf %get3A_664, %get3A_668 : vector<16xf32>
    %swap3A_670 = arith.constant 6 : i32
    %swap3A_671 = arith.index_cast %swap3A_670 : i32 to index
    %swap3A_672 = arith.constant 0 : index
    %swap3A_673 = tpu.vector_load %arg10[%swap3A_671, %swap3A_672] {strides = array<i32>} : memref<8x16xf32, #tpu.memory_space<vmem>>, vector<16xf32>,
    tpu.vector_store %arg10[%swap3A_671, %swap3A_672], %add3A_669 {strides = array<i32>} : memref<8x16xf32, #tpu.memory_space<vmem>>, vector<16xf32>,
    %get3A_674 = arith.constant 7 : i32
    %get3A_675 = arith.index_cast %get3A_674 : i32 to index
    %get3A_676 = arith.constant 0 : index
    %get3A_677 = tpu.vector_load %arg10[%get3A_675, %get3A_676] {strides = array<i32>} : memref<8x16xf32, #tpu.memory_space<vmem>>, vector<16xf32>,
    %get3A_678 = arith.constant 7 : i32
    %get3A_679 = arith.index_cast %get3A_678 : i32 to index
    %get3A_680 = arith.constant 0 : index
    %get3A_681 = tpu.vector_load %arg9[%get3A_679, %get3A_680] {strides = array<i32>} : memref<8x16xf32, #tpu.memory_space<vmem>>, vector<16xf32>,
    %add3A_682 = arith.addf %get3A_677, %get3A_681 : vector<16xf32>
    %swap3A_683 = arith.constant 7 : i32
    %swap3A_684 = arith.index_cast %swap3A_683 : i32 to index
    %swap3A_685 = arith.constant 0 : index
    %swap3A_686 = tpu.vector_load %arg10[%swap3A_684, %swap3A_685] {strides = array<i32>} : memref<8x16xf32, #tpu.memory_space<vmem>>, vector<16xf32>,
    tpu.vector_store %arg10[%swap3A_684, %swap3A_685], %add3A_682 {strides = array<i32>} : memref<8x16xf32, #tpu.memory_space<vmem>>, vector<16xf32>,
    %run_scoped3A_687 = arith.constant 6 : i32
    "tpu.region"() ({
      %run_scoped3A_1737 = tpu.sem_alloc : memref<!tpu.dma_semaphore, #tpu.memory_space<semaphore_mem>>
      %dma_start3A = arith.constant 0 : i32
      %dma_start3A_1738 = tpu.memref_slice %arg11[%run_scoped3A_687, %mul3A_27, %dma_start3A] : memref<16x128x16xf32, #tpu.memory_space<vmem_shared>> -> memref<1x8x16xf32, #tpu.memory_space<vmem_shared>>
      %dma_start3A_1739 = tpu.memref_squeeze %dma_start3A_1738 : memref<1x8x16xf32, #tpu.memory_space<vmem_shared>> -> memref<8x16xf32, #tpu.memory_space<vmem_shared>>
      %dma_start3A_1740 = arith.constant 0 : i32
      %dma_start3A_1741 = tpu.memref_slice %arg11[%run_scoped3A_687, %mul3A_27, %dma_start3A_1740] : memref<16x128x16xf32, #tpu.memory_space<vmem_shared>> -> memref<1x8x16xf32, #tpu.memory_space<vmem_shared>>
      %dma_start3A_1742 = tpu.memref_squeeze %dma_start3A_1741 : memref<1x8x16xf32, #tpu.memory_space<vmem_shared>> -> memref<8x16xf32, #tpu.memory_space<vmem_shared>>
      tpu.enqueue_dma source(%dma_start3A_1742 : memref<8x16xf32, #tpu.memory_space<vmem_shared>>) target(%arg9 : memref<8x16xf32, #tpu.memory_space<vmem>>) target_semaphore(%run_scoped3A_1737 : memref<!tpu.dma_semaphore, #tpu.memory_space<semaphore_mem>>)
      %dma_wait3A = arith.constant 0 : i32
      %dma_wait3A_1743 = tpu.memref_slice %arg11[%run_scoped3A_687, %mul3A_27, %dma_wait3A] : memref<16x128x16xf32, #tpu.memory_space<vmem_shared>> -> memref<1x8x16xf32, #tpu.memory_space<vmem_shared>>
      %dma_wait3A_1744 = tpu.memref_squeeze %dma_wait3A_1743 : memref<1x8x16xf32, #tpu.memory_space<vmem_shared>> -> memref<8x16xf32, #tpu.memory_space<vmem_shared>>
      %dma_wait3A_1745 = arith.constant 0 : i32
      %dma_wait3A_1746 = tpu.memref_slice %arg11[%run_scoped3A_687, %mul3A_27, %dma_wait3A_1745] : memref<16x128x16xf32, #tpu.memory_space<vmem_shared>> -> memref<1x8x16xf32, #tpu.memory_space<vmem_shared>>
      %dma_wait3A_1747 = tpu.memref_squeeze %dma_wait3A_1746 : memref<1x8x16xf32, #tpu.memory_space<vmem_shared>> -> memref<8x16xf32, #tpu.memory_space<vmem_shared>>
      tpu.wait_dma2 semaphore(%run_scoped3A_1737 : memref<!tpu.dma_semaphore, #tpu.memory_space<semaphore_mem>>) src(%dma_wait3A_1747 : memref<8x16xf32, #tpu.memory_space<vmem_shared>>) dst(%arg9 : memref<8x16xf32, #tpu.memory_space<vmem>>)
      tpu.yield
    }) : () -> ()
    %get3A_688 = arith.constant 0 : i32
    %get3A_689 = arith.index_cast %get3A_688 : i32 to index
    %get3A_690 = arith.constant 0 : index
    %get3A_691 = tpu.vector_load %arg10[%get3A_689, %get3A_690] {strides = array<i32>} : memref<8x16xf32, #tpu.memory_space<vmem>>, vector<16xf32>,
    %get3A_692 = arith.constant 0 : i32
    %get3A_693 = arith.index_cast %get3A_692 : i32 to index
    %get3A_694 = arith.constant 0 : index
    %get3A_695 = tpu.vector_load %arg9[%get3A_693, %get3A_694] {strides = array<i32>} : memref<8x16xf32, #tpu.memory_space<vmem>>, vector<16xf32>,
    %add3A_696 = arith.addf %get3A_691, %get3A_695 : vector<16xf32>
    %swap3A_697 = arith.constant 0 : i32
    %swap3A_698 = arith.index_cast %swap3A_697 : i32 to index
    %swap3A_699 = arith.constant 0 : index
    %swap3A_700 = tpu.vector_load %arg10[%swap3A_698, %swap3A_699] {strides = array<i32>} : memref<8x16xf32, #tpu.memory_space<vmem>>, vector<16xf32>,
    tpu.vector_store %arg10[%swap3A_698, %swap3A_699], %add3A_696 {strides = array<i32>} : memref<8x16xf32, #tpu.memory_space<vmem>>, vector<16xf32>,
    %get3A_701 = arith.constant 1 : i32
    %get3A_702 = arith.index_cast %get3A_701 : i32 to index
    %get3A_703 = arith.constant 0 : index
    %get3A_704 = tpu.vector_load %arg10[%get3A_702, %get3A_703] {strides = array<i32>} : memref<8x16xf32, #tpu.memory_space<vmem>>, vector<16xf32>,
    %get3A_705 = arith.constant 1 : i32
    %get3A_706 = arith.index_cast %get3A_705 : i32 to index
    %get3A_707 = arith.constant 0 : index
    %get3A_708 = tpu.vector_load %arg9[%get3A_706, %get3A_707] {strides = array<i32>} : memref<8x16xf32, #tpu.memory_space<vmem>>, vector<16xf32>,
    %add3A_709 = arith.addf %get3A_704, %get3A_708 : vector<16xf32>
    %swap3A_710 = arith.constant 1 : i32
    %swap3A_711 = arith.index_cast %swap3A_710 : i32 to index
    %swap3A_712 = arith.constant 0 : index
    %swap3A_713 = tpu.vector_load %arg10[%swap3A_711, %swap3A_712] {strides = array<i32>} : memref<8x16xf32, #tpu.memory_space<vmem>>, vector<16xf32>,
    tpu.vector_store %arg10[%swap3A_711, %swap3A_712], %add3A_709 {strides = array<i32>} : memref<8x16xf32, #tpu.memory_space<vmem>>, vector<16xf32>,
    %get3A_714 = arith.constant 2 : i32
    %get3A_715 = arith.index_cast %get3A_714 : i32 to index
    %get3A_716 = arith.constant 0 : index
    %get3A_717 = tpu.vector_load %arg10[%get3A_715, %get3A_716] {strides = array<i32>} : memref<8x16xf32, #tpu.memory_space<vmem>>, vector<16xf32>,
    %get3A_718 = arith.constant 2 : i32
    %get3A_719 = arith.index_cast %get3A_718 : i32 to index
    %get3A_720 = arith.constant 0 : index
    %get3A_721 = tpu.vector_load %arg9[%get3A_719, %get3A_720] {strides = array<i32>} : memref<8x16xf32, #tpu.memory_space<vmem>>, vector<16xf32>,
    %add3A_722 = arith.addf %get3A_717, %get3A_721 : vector<16xf32>
    %swap3A_723 = arith.constant 2 : i32
    %swap3A_724 = arith.index_cast %swap3A_723 : i32 to index
    %swap3A_725 = arith.constant 0 : index
    %swap3A_726 = tpu.vector_load %arg10[%swap3A_724, %swap3A_725] {strides = array<i32>} : memref<8x16xf32, #tpu.memory_space<vmem>>, vector<16xf32>,
    tpu.vector_store %arg10[%swap3A_724, %swap3A_725], %add3A_722 {strides = array<i32>} : memref<8x16xf32, #tpu.memory_space<vmem>>, vector<16xf32>,
    %get3A_727 = arith.constant 3 : i32
    %get3A_728 = arith.index_cast %get3A_727 : i32 to index
    %get3A_729 = arith.constant 0 : index
    %get3A_730 = tpu.vector_load %arg10[%get3A_728, %get3A_729] {strides = array<i32>} : memref<8x16xf32, #tpu.memory_space<vmem>>, vector<16xf32>,
    %get3A_731 = arith.constant 3 : i32
    %get3A_732 = arith.index_cast %get3A_731 : i32 to index
    %get3A_733 = arith.constant 0 : index
    %get3A_734 = tpu.vector_load %arg9[%get3A_732, %get3A_733] {strides = array<i32>} : memref<8x16xf32, #tpu.memory_space<vmem>>, vector<16xf32>,
    %add3A_735 = arith.addf %get3A_730, %get3A_734 : vector<16xf32>
    %swap3A_736 = arith.constant 3 : i32
    %swap3A_737 = arith.index_cast %swap3A_736 : i32 to index
    %swap3A_738 = arith.constant 0 : index
    %swap3A_739 = tpu.vector_load %arg10[%swap3A_737, %swap3A_738] {strides = array<i32>} : memref<8x16xf32, #tpu.memory_space<vmem>>, vector<16xf32>,
    tpu.vector_store %arg10[%swap3A_737, %swap3A_738], %add3A_735 {strides = array<i32>} : memref<8x16xf32, #tpu.memory_space<vmem>>, vector<16xf32>,
    %get3A_740 = arith.constant 4 : i32
    %get3A_741 = arith.index_cast %get3A_740 : i32 to index
    %get3A_742 = arith.constant 0 : index
    %get3A_743 = tpu.vector_load %arg10[%get3A_741, %get3A_742] {strides = array<i32>} : memref<8x16xf32, #tpu.memory_space<vmem>>, vector<16xf32>,
    %get3A_744 = arith.constant 4 : i32
    %get3A_745 = arith.index_cast %get3A_744 : i32 to index
    %get3A_746 = arith.constant 0 : index
    %get3A_747 = tpu.vector_load %arg9[%get3A_745, %get3A_746] {strides = array<i32>} : memref<8x16xf32, #tpu.memory_space<vmem>>, vector<16xf32>,
    %add3A_748 = arith.addf %get3A_743, %get3A_747 : vector<16xf32>
    %swap3A_749 = arith.constant 4 : i32
    %swap3A_750 = arith.index_cast %swap3A_749 : i32 to index
    %swap3A_751 = arith.constant 0 : index
    %swap3A_752 = tpu.vector_load %arg10[%swap3A_750, %swap3A_751] {strides = array<i32>} : memref<8x16xf32, #tpu.memory_space<vmem>>, vector<16xf32>,
    tpu.vector_store %arg10[%swap3A_750, %swap3A_751], %add3A_748 {strides = array<i32>} : memref<8x16xf32, #tpu.memory_space<vmem>>, vector<16xf32>,
    %get3A_753 = arith.constant 5 : i32
    %get3A_754 = arith.index_cast %get3A_753 : i32 to index
    %get3A_755 = arith.constant 0 : index
    %get3A_756 = tpu.vector_load %arg10[%get3A_754, %get3A_755] {strides = array<i32>} : memref<8x16xf32, #tpu.memory_space<vmem>>, vector<16xf32>,
    %get3A_757 = arith.constant 5 : i32
    %get3A_758 = arith.index_cast %get3A_757 : i32 to index
    %get3A_759 = arith.constant 0 : index
    %get3A_760 = tpu.vector_load %arg9[%get3A_758, %get3A_759] {strides = array<i32>} : memref<8x16xf32, #tpu.memory_space<vmem>>, vector<16xf32>,
    %add3A_761 = arith.addf %get3A_756, %get3A_760 : vector<16xf32>
    %swap3A_762 = arith.constant 5 : i32
    %swap3A_763 = arith.index_cast %swap3A_762 : i32 to index
    %swap3A_764 = arith.constant 0 : index
    %swap3A_765 = tpu.vector_load %arg10[%swap3A_763, %swap3A_764] {strides = array<i32>} : memref<8x16xf32, #tpu.memory_space<vmem>>, vector<16xf32>,
    tpu.vector_store %arg10[%swap3A_763, %swap3A_764], %add3A_761 {strides = array<i32>} : memref<8x16xf32, #tpu.memory_space<vmem>>, vector<16xf32>,
    %get3A_766 = arith.constant 6 : i32
    %get3A_767 = arith.index_cast %get3A_766 : i32 to index
    %get3A_768 = arith.constant 0 : index
    %get3A_769 = tpu.vector_load %arg10[%get3A_767, %get3A_768] {strides = array<i32>} : memref<8x16xf32, #tpu.memory_space<vmem>>, vector<16xf32>,
    %get3A_770 = arith.constant 6 : i32
    %get3A_771 = arith.index_cast %get3A_770 : i32 to index
    %get3A_772 = arith.constant 0 : index
    %get3A_773 = tpu.vector_load %arg9[%get3A_771, %get3A_772] {strides = array<i32>} : memref<8x16xf32, #tpu.memory_space<vmem>>, vector<16xf32>,
    %add3A_774 = arith.addf %get3A_769, %get3A_773 : vector<16xf32>
    %swap3A_775 = arith.constant 6 : i32
    %swap3A_776 = arith.index_cast %swap3A_775 : i32 to index
    %swap3A_777 = arith.constant 0 : index
    %swap3A_778 = tpu.vector_load %arg10[%swap3A_776, %swap3A_777] {strides = array<i32>} : memref<8x16xf32, #tpu.memory_space<vmem>>, vector<16xf32>,
    tpu.vector_store %arg10[%swap3A_776, %swap3A_777], %add3A_774 {strides = array<i32>} : memref<8x16xf32, #tpu.memory_space<vmem>>, vector<16xf32>,
    %get3A_779 = arith.constant 7 : i32
    %get3A_780 = arith.index_cast %get3A_779 : i32 to index
    %get3A_781 = arith.constant 0 : index
    %get3A_782 = tpu.vector_load %arg10[%get3A_780, %get3A_781] {strides = array<i32>} : memref<8x16xf32, #tpu.memory_space<vmem>>, vector<16xf32>,
    %get3A_783 = arith.constant 7 : i32
    %get3A_784 = arith.index_cast %get3A_783 : i32 to index
    %get3A_785 = arith.constant 0 : index
    %get3A_786 = tpu.vector_load %arg9[%get3A_784, %get3A_785] {strides = array<i32>} : memref<8x16xf32, #tpu.memory_space<vmem>>, vector<16xf32>,
    %add3A_787 = arith.addf %get3A_782, %get3A_786 : vector<16xf32>
    %swap3A_788 = arith.constant 7 : i32
    %swap3A_789 = arith.index_cast %swap3A_788 : i32 to index
    %swap3A_790 = arith.constant 0 : index
    %swap3A_791 = tpu.vector_load %arg10[%swap3A_789, %swap3A_790] {strides = array<i32>} : memref<8x16xf32, #tpu.memory_space<vmem>>, vector<16xf32>,
    tpu.vector_store %arg10[%swap3A_789, %swap3A_790], %add3A_787 {strides = array<i32>} : memref<8x16xf32, #tpu.memory_space<vmem>>, vector<16xf32>,
    %run_scoped3A_792 = arith.constant 7 : i32
    "tpu.region"() ({
      %run_scoped3A_1737 = tpu.sem_alloc : memref<!tpu.dma_semaphore, #tpu.memory_space<semaphore_mem>>
      %dma_start3A = arith.constant 0 : i32
      %dma_start3A_1738 = tpu.memref_slice %arg11[%run_scoped3A_792, %mul3A_27, %dma_start3A] : memref<16x128x16xf32, #tpu.memory_space<vmem_shared>> -> memref<1x8x16xf32, #tpu.memory_space<vmem_shared>>
      %dma_start3A_1739 = tpu.memref_squeeze %dma_start3A_1738 : memref<1x8x16xf32, #tpu.memory_space<vmem_shared>> -> memref<8x16xf32, #tpu.memory_space<vmem_shared>>
      %dma_start3A_1740 = arith.constant 0 : i32
      %dma_start3A_1741 = tpu.memref_slice %arg11[%run_scoped3A_792, %mul3A_27, %dma_start3A_1740] : memref<16x128x16xf32, #tpu.memory_space<vmem_shared>> -> memref<1x8x16xf32, #tpu.memory_space<vmem_shared>>
      %dma_start3A_1742 = tpu.memref_squeeze %dma_start3A_1741 : memref<1x8x16xf32, #tpu.memory_space<vmem_shared>> -> memref<8x16xf32, #tpu.memory_space<vmem_shared>>
      tpu.enqueue_dma source(%dma_start3A_1742 : memref<8x16xf32, #tpu.memory_space<vmem_shared>>) target(%arg9 : memref<8x16xf32, #tpu.memory_space<vmem>>) target_semaphore(%run_scoped3A_1737 : memref<!tpu.dma_semaphore, #tpu.memory_space<semaphore_mem>>)
      %dma_wait3A = arith.constant 0 : i32
      %dma_wait3A_1743 = tpu.memref_slice %arg11[%run_scoped3A_792, %mul3A_27, %dma_wait3A] : memref<16x128x16xf32, #tpu.memory_space<vmem_shared>> -> memref<1x8x16xf32, #tpu.memory_space<vmem_shared>>
      %dma_wait3A_1744 = tpu.memref_squeeze %dma_wait3A_1743 : memref<1x8x16xf32, #tpu.memory_space<vmem_shared>> -> memref<8x16xf32, #tpu.memory_space<vmem_shared>>
      %dma_wait3A_1745 = arith.constant 0 : i32
      %dma_wait3A_1746 = tpu.memref_slice %arg11[%run_scoped3A_792, %mul3A_27, %dma_wait3A_1745] : memref<16x128x16xf32, #tpu.memory_space<vmem_shared>> -> memref<1x8x16xf32, #tpu.memory_space<vmem_shared>>
      %dma_wait3A_1747 = tpu.memref_squeeze %dma_wait3A_1746 : memref<1x8x16xf32, #tpu.memory_space<vmem_shared>> -> memref<8x16xf32, #tpu.memory_space<vmem_shared>>
      tpu.wait_dma2 semaphore(%run_scoped3A_1737 : memref<!tpu.dma_semaphore, #tpu.memory_space<semaphore_mem>>) src(%dma_wait3A_1747 : memref<8x16xf32, #tpu.memory_space<vmem_shared>>) dst(%arg9 : memref<8x16xf32, #tpu.memory_space<vmem>>)
      tpu.yield
    }) : () -> ()
    %get3A_793 = arith.constant 0 : i32
    %get3A_794 = arith.index_cast %get3A_793 : i32 to index
    %get3A_795 = arith.constant 0 : index
    %get3A_796 = tpu.vector_load %arg10[%get3A_794, %get3A_795] {strides = array<i32>} : memref<8x16xf32, #tpu.memory_space<vmem>>, vector<16xf32>,
    %get3A_797 = arith.constant 0 : i32
    %get3A_798 = arith.index_cast %get3A_797 : i32 to index
    %get3A_799 = arith.constant 0 : index
    %get3A_800 = tpu.vector_load %arg9[%get3A_798, %get3A_799] {strides = array<i32>} : memref<8x16xf32, #tpu.memory_space<vmem>>, vector<16xf32>,
    %add3A_801 = arith.addf %get3A_796, %get3A_800 : vector<16xf32>
    %swap3A_802 = arith.constant 0 : i32
    %swap3A_803 = arith.index_cast %swap3A_802 : i32 to index
    %swap3A_804 = arith.constant 0 : index
    %swap3A_805 = tpu.vector_load %arg10[%swap3A_803, %swap3A_804] {strides = array<i32>} : memref<8x16xf32, #tpu.memory_space<vmem>>, vector<16xf32>,
    tpu.vector_store %arg10[%swap3A_803, %swap3A_804], %add3A_801 {strides = array<i32>} : memref<8x16xf32, #tpu.memory_space<vmem>>, vector<16xf32>,
    %get3A_806 = arith.constant 1 : i32
    %get3A_807 = arith.index_cast %get3A_806 : i32 to index
    %get3A_808 = arith.constant 0 : index
    %get3A_809 = tpu.vector_load %arg10[%get3A_807, %get3A_808] {strides = array<i32>} : memref<8x16xf32, #tpu.memory_space<vmem>>, vector<16xf32>,
    %get3A_810 = arith.constant 1 : i32
    %get3A_811 = arith.index_cast %get3A_810 : i32 to index
    %get3A_812 = arith.constant 0 : index
    %get3A_813 = tpu.vector_load %arg9[%get3A_811, %get3A_812] {strides = array<i32>} : memref<8x16xf32, #tpu.memory_space<vmem>>, vector<16xf32>,
    %add3A_814 = arith.addf %get3A_809, %get3A_813 : vector<16xf32>
    %swap3A_815 = arith.constant 1 : i32
    %swap3A_816 = arith.index_cast %swap3A_815 : i32 to index
    %swap3A_817 = arith.constant 0 : index
    %swap3A_818 = tpu.vector_load %arg10[%swap3A_816, %swap3A_817] {strides = array<i32>} : memref<8x16xf32, #tpu.memory_space<vmem>>, vector<16xf32>,
    tpu.vector_store %arg10[%swap3A_816, %swap3A_817], %add3A_814 {strides = array<i32>} : memref<8x16xf32, #tpu.memory_space<vmem>>, vector<16xf32>,
    %get3A_819 = arith.constant 2 : i32
    %get3A_820 = arith.index_cast %get3A_819 : i32 to index
    %get3A_821 = arith.constant 0 : index
    %get3A_822 = tpu.vector_load %arg10[%get3A_820, %get3A_821] {strides = array<i32>} : memref<8x16xf32, #tpu.memory_space<vmem>>, vector<16xf32>,
    %get3A_823 = arith.constant 2 : i32
    %get3A_824 = arith.index_cast %get3A_823 : i32 to index
    %get3A_825 = arith.constant 0 : index
    %get3A_826 = tpu.vector_load %arg9[%get3A_824, %get3A_825] {strides = array<i32>} : memref<8x16xf32, #tpu.memory_space<vmem>>, vector<16xf32>,
    %add3A_827 = arith.addf %get3A_822, %get3A_826 : vector<16xf32>
    %swap3A_828 = arith.constant 2 : i32
    %swap3A_829 = arith.index_cast %swap3A_828 : i32 to index
    %swap3A_830 = arith.constant 0 : index
    %swap3A_831 = tpu.vector_load %arg10[%swap3A_829, %swap3A_830] {strides = array<i32>} : memref<8x16xf32, #tpu.memory_space<vmem>>, vector<16xf32>,
    tpu.vector_store %arg10[%swap3A_829, %swap3A_830], %add3A_827 {strides = array<i32>} : memref<8x16xf32, #tpu.memory_space<vmem>>, vector<16xf32>,
    %get3A_832 = arith.constant 3 : i32
    %get3A_833 = arith.index_cast %get3A_832 : i32 to index
    %get3A_834 = arith.constant 0 : index
    %get3A_835 = tpu.vector_load %arg10[%get3A_833, %get3A_834] {strides = array<i32>} : memref<8x16xf32, #tpu.memory_space<vmem>>, vector<16xf32>,
    %get3A_836 = arith.constant 3 : i32
    %get3A_837 = arith.index_cast %get3A_836 : i32 to index
    %get3A_838 = arith.constant 0 : index
    %get3A_839 = tpu.vector_load %arg9[%get3A_837, %get3A_838] {strides = array<i32>} : memref<8x16xf32, #tpu.memory_space<vmem>>, vector<16xf32>,
    %add3A_840 = arith.addf %get3A_835, %get3A_839 : vector<16xf32>
    %swap3A_841 = arith.constant 3 : i32
    %swap3A_842 = arith.index_cast %swap3A_841 : i32 to index
    %swap3A_843 = arith.constant 0 : index
    %swap3A_844 = tpu.vector_load %arg10[%swap3A_842, %swap3A_843] {strides = array<i32>} : memref<8x16xf32, #tpu.memory_space<vmem>>, vector<16xf32>,
    tpu.vector_store %arg10[%swap3A_842, %swap3A_843], %add3A_840 {strides = array<i32>} : memref<8x16xf32, #tpu.memory_space<vmem>>, vector<16xf32>,
    %get3A_845 = arith.constant 4 : i32
    %get3A_846 = arith.index_cast %get3A_845 : i32 to index
    %get3A_847 = arith.constant 0 : index
    %get3A_848 = tpu.vector_load %arg10[%get3A_846, %get3A_847] {strides = array<i32>} : memref<8x16xf32, #tpu.memory_space<vmem>>, vector<16xf32>,
    %get3A_849 = arith.constant 4 : i32
    %get3A_850 = arith.index_cast %get3A_849 : i32 to index
    %get3A_851 = arith.constant 0 : index
    %get3A_852 = tpu.vector_load %arg9[%get3A_850, %get3A_851] {strides = array<i32>} : memref<8x16xf32, #tpu.memory_space<vmem>>, vector<16xf32>,
    %add3A_853 = arith.addf %get3A_848, %get3A_852 : vector<16xf32>
    %swap3A_854 = arith.constant 4 : i32
    %swap3A_855 = arith.index_cast %swap3A_854 : i32 to index
    %swap3A_856 = arith.constant 0 : index
    %swap3A_857 = tpu.vector_load %arg10[%swap3A_855, %swap3A_856] {strides = array<i32>} : memref<8x16xf32, #tpu.memory_space<vmem>>, vector<16xf32>,
    tpu.vector_store %arg10[%swap3A_855, %swap3A_856], %add3A_853 {strides = array<i32>} : memref<8x16xf32, #tpu.memory_space<vmem>>, vector<16xf32>,
    %get3A_858 = arith.constant 5 : i32
    %get3A_859 = arith.index_cast %get3A_858 : i32 to index
    %get3A_860 = arith.constant 0 : index
    %get3A_861 = tpu.vector_load %arg10[%get3A_859, %get3A_860] {strides = array<i32>} : memref<8x16xf32, #tpu.memory_space<vmem>>, vector<16xf32>,
    %get3A_862 = arith.constant 5 : i32
    %get3A_863 = arith.index_cast %get3A_862 : i32 to index
    %get3A_864 = arith.constant 0 : index
    %get3A_865 = tpu.vector_load %arg9[%get3A_863, %get3A_864] {strides = array<i32>} : memref<8x16xf32, #tpu.memory_space<vmem>>, vector<16xf32>,
    %add3A_866 = arith.addf %get3A_861, %get3A_865 : vector<16xf32>
    %swap3A_867 = arith.constant 5 : i32
    %swap3A_868 = arith.index_cast %swap3A_867 : i32 to index
    %swap3A_869 = arith.constant 0 : index
    %swap3A_870 = tpu.vector_load %arg10[%swap3A_868, %swap3A_869] {strides = array<i32>} : memref<8x16xf32, #tpu.memory_space<vmem>>, vector<16xf32>,
    tpu.vector_store %arg10[%swap3A_868, %swap3A_869], %add3A_866 {strides = array<i32>} : memref<8x16xf32, #tpu.memory_space<vmem>>, vector<16xf32>,
    %get3A_871 = arith.constant 6 : i32
    %get3A_872 = arith.index_cast %get3A_871 : i32 to index
    %get3A_873 = arith.constant 0 : index
    %get3A_874 = tpu.vector_load %arg10[%get3A_872, %get3A_873] {strides = array<i32>} : memref<8x16xf32, #tpu.memory_space<vmem>>, vector<16xf32>,
    %get3A_875 = arith.constant 6 : i32
    %get3A_876 = arith.index_cast %get3A_875 : i32 to index
    %get3A_877 = arith.constant 0 : index
    %get3A_878 = tpu.vector_load %arg9[%get3A_876, %get3A_877] {strides = array<i32>} : memref<8x16xf32, #tpu.memory_space<vmem>>, vector<16xf32>,
    %add3A_879 = arith.addf %get3A_874, %get3A_878 : vector<16xf32>
    %swap3A_880 = arith.constant 6 : i32
    %swap3A_881 = arith.index_cast %swap3A_880 : i32 to index
    %swap3A_882 = arith.constant 0 : index
    %swap3A_883 = tpu.vector_load %arg10[%swap3A_881, %swap3A_882] {strides = array<i32>} : memref<8x16xf32, #tpu.memory_space<vmem>>, vector<16xf32>,
    tpu.vector_store %arg10[%swap3A_881, %swap3A_882], %add3A_879 {strides = array<i32>} : memref<8x16xf32, #tpu.memory_space<vmem>>, vector<16xf32>,
    %get3A_884 = arith.constant 7 : i32
    %get3A_885 = arith.index_cast %get3A_884 : i32 to index
    %get3A_886 = arith.constant 0 : index
    %get3A_887 = tpu.vector_load %arg10[%get3A_885, %get3A_886] {strides = array<i32>} : memref<8x16xf32, #tpu.memory_space<vmem>>, vector<16xf32>,
    %get3A_888 = arith.constant 7 : i32
    %get3A_889 = arith.index_cast %get3A_888 : i32 to index
    %get3A_890 = arith.constant 0 : index
    %get3A_891 = tpu.vector_load %arg9[%get3A_889, %get3A_890] {strides = array<i32>} : memref<8x16xf32, #tpu.memory_space<vmem>>, vector<16xf32>,
    %add3A_892 = arith.addf %get3A_887, %get3A_891 : vector<16xf32>
    %swap3A_893 = arith.constant 7 : i32
    %swap3A_894 = arith.index_cast %swap3A_893 : i32 to index
    %swap3A_895 = arith.constant 0 : index
    %swap3A_896 = tpu.vector_load %arg10[%swap3A_894, %swap3A_895] {strides = array<i32>} : memref<8x16xf32, #tpu.memory_space<vmem>>, vector<16xf32>,
    tpu.vector_store %arg10[%swap3A_894, %swap3A_895], %add3A_892 {strides = array<i32>} : memref<8x16xf32, #tpu.memory_space<vmem>>, vector<16xf32>,
    %run_scoped3A_897 = arith.constant 8 : i32
    "tpu.region"() ({
      %run_scoped3A_1737 = tpu.sem_alloc : memref<!tpu.dma_semaphore, #tpu.memory_space<semaphore_mem>>
      %dma_start3A = arith.constant 0 : i32
      %dma_start3A_1738 = tpu.memref_slice %arg11[%run_scoped3A_897, %mul3A_27, %dma_start3A] : memref<16x128x16xf32, #tpu.memory_space<vmem_shared>> -> memref<1x8x16xf32, #tpu.memory_space<vmem_shared>>
      %dma_start3A_1739 = tpu.memref_squeeze %dma_start3A_1738 : memref<1x8x16xf32, #tpu.memory_space<vmem_shared>> -> memref<8x16xf32, #tpu.memory_space<vmem_shared>>
      %dma_start3A_1740 = arith.constant 0 : i32
      %dma_start3A_1741 = tpu.memref_slice %arg11[%run_scoped3A_897, %mul3A_27, %dma_start3A_1740] : memref<16x128x16xf32, #tpu.memory_space<vmem_shared>> -> memref<1x8x16xf32, #tpu.memory_space<vmem_shared>>
      %dma_start3A_1742 = tpu.memref_squeeze %dma_start3A_1741 : memref<1x8x16xf32, #tpu.memory_space<vmem_shared>> -> memref<8x16xf32, #tpu.memory_space<vmem_shared>>
      tpu.enqueue_dma source(%dma_start3A_1742 : memref<8x16xf32, #tpu.memory_space<vmem_shared>>) target(%arg9 : memref<8x16xf32, #tpu.memory_space<vmem>>) target_semaphore(%run_scoped3A_1737 : memref<!tpu.dma_semaphore, #tpu.memory_space<semaphore_mem>>)
      %dma_wait3A = arith.constant 0 : i32
      %dma_wait3A_1743 = tpu.memref_slice %arg11[%run_scoped3A_897, %mul3A_27, %dma_wait3A] : memref<16x128x16xf32, #tpu.memory_space<vmem_shared>> -> memref<1x8x16xf32, #tpu.memory_space<vmem_shared>>
      %dma_wait3A_1744 = tpu.memref_squeeze %dma_wait3A_1743 : memref<1x8x16xf32, #tpu.memory_space<vmem_shared>> -> memref<8x16xf32, #tpu.memory_space<vmem_shared>>
      %dma_wait3A_1745 = arith.constant 0 : i32
      %dma_wait3A_1746 = tpu.memref_slice %arg11[%run_scoped3A_897, %mul3A_27, %dma_wait3A_1745] : memref<16x128x16xf32, #tpu.memory_space<vmem_shared>> -> memref<1x8x16xf32, #tpu.memory_space<vmem_shared>>
      %dma_wait3A_1747 = tpu.memref_squeeze %dma_wait3A_1746 : memref<1x8x16xf32, #tpu.memory_space<vmem_shared>> -> memref<8x16xf32, #tpu.memory_space<vmem_shared>>
      tpu.wait_dma2 semaphore(%run_scoped3A_1737 : memref<!tpu.dma_semaphore, #tpu.memory_space<semaphore_mem>>) src(%dma_wait3A_1747 : memref<8x16xf32, #tpu.memory_space<vmem_shared>>) dst(%arg9 : memref<8x16xf32, #tpu.memory_space<vmem>>)
      tpu.yield
    }) : () -> ()
    %get3A_898 = arith.constant 0 : i32
    %get3A_899 = arith.index_cast %get3A_898 : i32 to index
    %get3A_900 = arith.constant 0 : index
    %get3A_901 = tpu.vector_load %arg10[%get3A_899, %get3A_900] {strides = array<i32>} : memref<8x16xf32, #tpu.memory_space<vmem>>, vector<16xf32>,
    %get3A_902 = arith.constant 0 : i32
    %get3A_903 = arith.index_cast %get3A_902 : i32 to index
    %get3A_904 = arith.constant 0 : index
    %get3A_905 = tpu.vector_load %arg9[%get3A_903, %get3A_904] {strides = array<i32>} : memref<8x16xf32, #tpu.memory_space<vmem>>, vector<16xf32>,
    %add3A_906 = arith.addf %get3A_901, %get3A_905 : vector<16xf32>
    %swap3A_907 = arith.constant 0 : i32
    %swap3A_908 = arith.index_cast %swap3A_907 : i32 to index
    %swap3A_909 = arith.constant 0 : index
    %swap3A_910 = tpu.vector_load %arg10[%swap3A_908, %swap3A_909] {strides = array<i32>} : memref<8x16xf32, #tpu.memory_space<vmem>>, vector<16xf32>,
    tpu.vector_store %arg10[%swap3A_908, %swap3A_909], %add3A_906 {strides = array<i32>} : memref<8x16xf32, #tpu.memory_space<vmem>>, vector<16xf32>,
    %get3A_911 = arith.constant 1 : i32
    %get3A_912 = arith.index_cast %get3A_911 : i32 to index
    %get3A_913 = arith.constant 0 : index
    %get3A_914 = tpu.vector_load %arg10[%get3A_912, %get3A_913] {strides = array<i32>} : memref<8x16xf32, #tpu.memory_space<vmem>>, vector<16xf32>,
    %get3A_915 = arith.constant 1 : i32
    %get3A_916 = arith.index_cast %get3A_915 : i32 to index
    %get3A_917 = arith.constant 0 : index
    %get3A_918 = tpu.vector_load %arg9[%get3A_916, %get3A_917] {strides = array<i32>} : memref<8x16xf32, #tpu.memory_space<vmem>>, vector<16xf32>,
    %add3A_919 = arith.addf %get3A_914, %get3A_918 : vector<16xf32>
    %swap3A_920 = arith.constant 1 : i32
    %swap3A_921 = arith.index_cast %swap3A_920 : i32 to index
    %swap3A_922 = arith.constant 0 : index
    %swap3A_923 = tpu.vector_load %arg10[%swap3A_921, %swap3A_922] {strides = array<i32>} : memref<8x16xf32, #tpu.memory_space<vmem>>, vector<16xf32>,
    tpu.vector_store %arg10[%swap3A_921, %swap3A_922], %add3A_919 {strides = array<i32>} : memref<8x16xf32, #tpu.memory_space<vmem>>, vector<16xf32>,
    %get3A_924 = arith.constant 2 : i32
    %get3A_925 = arith.index_cast %get3A_924 : i32 to index
    %get3A_926 = arith.constant 0 : index
    %get3A_927 = tpu.vector_load %arg10[%get3A_925, %get3A_926] {strides = array<i32>} : memref<8x16xf32, #tpu.memory_space<vmem>>, vector<16xf32>,
    %get3A_928 = arith.constant 2 : i32
    %get3A_929 = arith.index_cast %get3A_928 : i32 to index
    %get3A_930 = arith.constant 0 : index
    %get3A_931 = tpu.vector_load %arg9[%get3A_929, %get3A_930] {strides = array<i32>} : memref<8x16xf32, #tpu.memory_space<vmem>>, vector<16xf32>,
    %add3A_932 = arith.addf %get3A_927, %get3A_931 : vector<16xf32>
    %swap3A_933 = arith.constant 2 : i32
    %swap3A_934 = arith.index_cast %swap3A_933 : i32 to index
    %swap3A_935 = arith.constant 0 : index
    %swap3A_936 = tpu.vector_load %arg10[%swap3A_934, %swap3A_935] {strides = array<i32>} : memref<8x16xf32, #tpu.memory_space<vmem>>, vector<16xf32>,
    tpu.vector_store %arg10[%swap3A_934, %swap3A_935], %add3A_932 {strides = array<i32>} : memref<8x16xf32, #tpu.memory_space<vmem>>, vector<16xf32>,
    %get3A_937 = arith.constant 3 : i32
    %get3A_938 = arith.index_cast %get3A_937 : i32 to index
    %get3A_939 = arith.constant 0 : index
    %get3A_940 = tpu.vector_load %arg10[%get3A_938, %get3A_939] {strides = array<i32>} : memref<8x16xf32, #tpu.memory_space<vmem>>, vector<16xf32>,
    %get3A_941 = arith.constant 3 : i32
    %get3A_942 = arith.index_cast %get3A_941 : i32 to index
    %get3A_943 = arith.constant 0 : index
    %get3A_944 = tpu.vector_load %arg9[%get3A_942, %get3A_943] {strides = array<i32>} : memref<8x16xf32, #tpu.memory_space<vmem>>, vector<16xf32>,
    %add3A_945 = arith.addf %get3A_940, %get3A_944 : vector<16xf32>
    %swap3A_946 = arith.constant 3 : i32
    %swap3A_947 = arith.index_cast %swap3A_946 : i32 to index
    %swap3A_948 = arith.constant 0 : index
    %swap3A_949 = tpu.vector_load %arg10[%swap3A_947, %swap3A_948] {strides = array<i32>} : memref<8x16xf32, #tpu.memory_space<vmem>>, vector<16xf32>,
    tpu.vector_store %arg10[%swap3A_947, %swap3A_948], %add3A_945 {strides = array<i32>} : memref<8x16xf32, #tpu.memory_space<vmem>>, vector<16xf32>,
    %get3A_950 = arith.constant 4 : i32
    %get3A_951 = arith.index_cast %get3A_950 : i32 to index
    %get3A_952 = arith.constant 0 : index
    %get3A_953 = tpu.vector_load %arg10[%get3A_951, %get3A_952] {strides = array<i32>} : memref<8x16xf32, #tpu.memory_space<vmem>>, vector<16xf32>,
    %get3A_954 = arith.constant 4 : i32
    %get3A_955 = arith.index_cast %get3A_954 : i32 to index
    %get3A_956 = arith.constant 0 : index
    %get3A_957 = tpu.vector_load %arg9[%get3A_955, %get3A_956] {strides = array<i32>} : memref<8x16xf32, #tpu.memory_space<vmem>>, vector<16xf32>,
    %add3A_958 = arith.addf %get3A_953, %get3A_957 : vector<16xf32>
    %swap3A_959 = arith.constant 4 : i32
    %swap3A_960 = arith.index_cast %swap3A_959 : i32 to index
    %swap3A_961 = arith.constant 0 : index
    %swap3A_962 = tpu.vector_load %arg10[%swap3A_960, %swap3A_961] {strides = array<i32>} : memref<8x16xf32, #tpu.memory_space<vmem>>, vector<16xf32>,
    tpu.vector_store %arg10[%swap3A_960, %swap3A_961], %add3A_958 {strides = array<i32>} : memref<8x16xf32, #tpu.memory_space<vmem>>, vector<16xf32>,
    %get3A_963 = arith.constant 5 : i32
    %get3A_964 = arith.index_cast %get3A_963 : i32 to index
    %get3A_965 = arith.constant 0 : index
    %get3A_966 = tpu.vector_load %arg10[%get3A_964, %get3A_965] {strides = array<i32>} : memref<8x16xf32, #tpu.memory_space<vmem>>, vector<16xf32>,
    %get3A_967 = arith.constant 5 : i32
    %get3A_968 = arith.index_cast %get3A_967 : i32 to index
    %get3A_969 = arith.constant 0 : index
    %get3A_970 = tpu.vector_load %arg9[%get3A_968, %get3A_969] {strides = array<i32>} : memref<8x16xf32, #tpu.memory_space<vmem>>, vector<16xf32>,
    %add3A_971 = arith.addf %get3A_966, %get3A_970 : vector<16xf32>
    %swap3A_972 = arith.constant 5 : i32
    %swap3A_973 = arith.index_cast %swap3A_972 : i32 to index
    %swap3A_974 = arith.constant 0 : index
    %swap3A_975 = tpu.vector_load %arg10[%swap3A_973, %swap3A_974] {strides = array<i32>} : memref<8x16xf32, #tpu.memory_space<vmem>>, vector<16xf32>,
    tpu.vector_store %arg10[%swap3A_973, %swap3A_974], %add3A_971 {strides = array<i32>} : memref<8x16xf32, #tpu.memory_space<vmem>>, vector<16xf32>,
    %get3A_976 = arith.constant 6 : i32
    %get3A_977 = arith.index_cast %get3A_976 : i32 to index
    %get3A_978 = arith.constant 0 : index
    %get3A_979 = tpu.vector_load %arg10[%get3A_977, %get3A_978] {strides = array<i32>} : memref<8x16xf32, #tpu.memory_space<vmem>>, vector<16xf32>,
    %get3A_980 = arith.constant 6 : i32
    %get3A_981 = arith.index_cast %get3A_980 : i32 to index
    %get3A_982 = arith.constant 0 : index
    %get3A_983 = tpu.vector_load %arg9[%get3A_981, %get3A_982] {strides = array<i32>} : memref<8x16xf32, #tpu.memory_space<vmem>>, vector<16xf32>,
    %add3A_984 = arith.addf %get3A_979, %get3A_983 : vector<16xf32>
    %swap3A_985 = arith.constant 6 : i32
    %swap3A_986 = arith.index_cast %swap3A_985 : i32 to index
    %swap3A_987 = arith.constant 0 : index
    %swap3A_988 = tpu.vector_load %arg10[%swap3A_986, %swap3A_987] {strides = array<i32>} : memref<8x16xf32, #tpu.memory_space<vmem>>, vector<16xf32>,
    tpu.vector_store %arg10[%swap3A_986, %swap3A_987], %add3A_984 {strides = array<i32>} : memref<8x16xf32, #tpu.memory_space<vmem>>, vector<16xf32>,
    %get3A_989 = arith.constant 7 : i32
    %get3A_990 = arith.index_cast %get3A_989 : i32 to index
    %get3A_991 = arith.constant 0 : index
    %get3A_992 = tpu.vector_load %arg10[%get3A_990, %get3A_991] {strides = array<i32>} : memref<8x16xf32, #tpu.memory_space<vmem>>, vector<16xf32>,
    %get3A_993 = arith.constant 7 : i32
    %get3A_994 = arith.index_cast %get3A_993 : i32 to index
    %get3A_995 = arith.constant 0 : index
    %get3A_996 = tpu.vector_load %arg9[%get3A_994, %get3A_995] {strides = array<i32>} : memref<8x16xf32, #tpu.memory_space<vmem>>, vector<16xf32>,
    %add3A_997 = arith.addf %get3A_992, %get3A_996 : vector<16xf32>
    %swap3A_998 = arith.constant 7 : i32
    %swap3A_999 = arith.index_cast %swap3A_998 : i32 to index
    %swap3A_1000 = arith.constant 0 : index
    %swap3A_1001 = tpu.vector_load %arg10[%swap3A_999, %swap3A_1000] {strides = array<i32>} : memref<8x16xf32, #tpu.memory_space<vmem>>, vector<16xf32>,
    tpu.vector_store %arg10[%swap3A_999, %swap3A_1000], %add3A_997 {strides = array<i32>} : memref<8x16xf32, #tpu.memory_space<vmem>>, vector<16xf32>,
    %run_scoped3A_1002 = arith.constant 9 : i32
    "tpu.region"() ({
      %run_scoped3A_1737 = tpu.sem_alloc : memref<!tpu.dma_semaphore, #tpu.memory_space<semaphore_mem>>
      %dma_start3A = arith.constant 0 : i32
      %dma_start3A_1738 = tpu.memref_slice %arg11[%run_scoped3A_1002, %mul3A_27, %dma_start3A] : memref<16x128x16xf32, #tpu.memory_space<vmem_shared>> -> memref<1x8x16xf32, #tpu.memory_space<vmem_shared>>
      %dma_start3A_1739 = tpu.memref_squeeze %dma_start3A_1738 : memref<1x8x16xf32, #tpu.memory_space<vmem_shared>> -> memref<8x16xf32, #tpu.memory_space<vmem_shared>>
      %dma_start3A_1740 = arith.constant 0 : i32
      %dma_start3A_1741 = tpu.memref_slice %arg11[%run_scoped3A_1002, %mul3A_27, %dma_start3A_1740] : memref<16x128x16xf32, #tpu.memory_space<vmem_shared>> -> memref<1x8x16xf32, #tpu.memory_space<vmem_shared>>
      %dma_start3A_1742 = tpu.memref_squeeze %dma_start3A_1741 : memref<1x8x16xf32, #tpu.memory_space<vmem_shared>> -> memref<8x16xf32, #tpu.memory_space<vmem_shared>>
      tpu.enqueue_dma source(%dma_start3A_1742 : memref<8x16xf32, #tpu.memory_space<vmem_shared>>) target(%arg9 : memref<8x16xf32, #tpu.memory_space<vmem>>) target_semaphore(%run_scoped3A_1737 : memref<!tpu.dma_semaphore, #tpu.memory_space<semaphore_mem>>)
      %dma_wait3A = arith.constant 0 : i32
      %dma_wait3A_1743 = tpu.memref_slice %arg11[%run_scoped3A_1002, %mul3A_27, %dma_wait3A] : memref<16x128x16xf32, #tpu.memory_space<vmem_shared>> -> memref<1x8x16xf32, #tpu.memory_space<vmem_shared>>
      %dma_wait3A_1744 = tpu.memref_squeeze %dma_wait3A_1743 : memref<1x8x16xf32, #tpu.memory_space<vmem_shared>> -> memref<8x16xf32, #tpu.memory_space<vmem_shared>>
      %dma_wait3A_1745 = arith.constant 0 : i32
      %dma_wait3A_1746 = tpu.memref_slice %arg11[%run_scoped3A_1002, %mul3A_27, %dma_wait3A_1745] : memref<16x128x16xf32, #tpu.memory_space<vmem_shared>> -> memref<1x8x16xf32, #tpu.memory_space<vmem_shared>>
      %dma_wait3A_1747 = tpu.memref_squeeze %dma_wait3A_1746 : memref<1x8x16xf32, #tpu.memory_space<vmem_shared>> -> memref<8x16xf32, #tpu.memory_space<vmem_shared>>
      tpu.wait_dma2 semaphore(%run_scoped3A_1737 : memref<!tpu.dma_semaphore, #tpu.memory_space<semaphore_mem>>) src(%dma_wait3A_1747 : memref<8x16xf32, #tpu.memory_space<vmem_shared>>) dst(%arg9 : memref<8x16xf32, #tpu.memory_space<vmem>>)
      tpu.yield
    }) : () -> ()
    %get3A_1003 = arith.constant 0 : i32
    %get3A_1004 = arith.index_cast %get3A_1003 : i32 to index
    %get3A_1005 = arith.constant 0 : index
    %get3A_1006 = tpu.vector_load %arg10[%get3A_1004, %get3A_1005] {strides = array<i32>} : memref<8x16xf32, #tpu.memory_space<vmem>>, vector<16xf32>,
    %get3A_1007 = arith.constant 0 : i32
    %get3A_1008 = arith.index_cast %get3A_1007 : i32 to index
    %get3A_1009 = arith.constant 0 : index
    %get3A_1010 = tpu.vector_load %arg9[%get3A_1008, %get3A_1009] {strides = array<i32>} : memref<8x16xf32, #tpu.memory_space<vmem>>, vector<16xf32>,
    %add3A_1011 = arith.addf %get3A_1006, %get3A_1010 : vector<16xf32>
    %swap3A_1012 = arith.constant 0 : i32
    %swap3A_1013 = arith.index_cast %swap3A_1012 : i32 to index
    %swap3A_1014 = arith.constant 0 : index
    %swap3A_1015 = tpu.vector_load %arg10[%swap3A_1013, %swap3A_1014] {strides = array<i32>} : memref<8x16xf32, #tpu.memory_space<vmem>>, vector<16xf32>,
    tpu.vector_store %arg10[%swap3A_1013, %swap3A_1014], %add3A_1011 {strides = array<i32>} : memref<8x16xf32, #tpu.memory_space<vmem>>, vector<16xf32>,
    %get3A_1016 = arith.constant 1 : i32
    %get3A_1017 = arith.index_cast %get3A_1016 : i32 to index
    %get3A_1018 = arith.constant 0 : index
    %get3A_1019 = tpu.vector_load %arg10[%get3A_1017, %get3A_1018] {strides = array<i32>} : memref<8x16xf32, #tpu.memory_space<vmem>>, vector<16xf32>,
    %get3A_1020 = arith.constant 1 : i32
    %get3A_1021 = arith.index_cast %get3A_1020 : i32 to index
    %get3A_1022 = arith.constant 0 : index
    %get3A_1023 = tpu.vector_load %arg9[%get3A_1021, %get3A_1022] {strides = array<i32>} : memref<8x16xf32, #tpu.memory_space<vmem>>, vector<16xf32>,
    %add3A_1024 = arith.addf %get3A_1019, %get3A_1023 : vector<16xf32>
    %swap3A_1025 = arith.constant 1 : i32
    %swap3A_1026 = arith.index_cast %swap3A_1025 : i32 to index
    %swap3A_1027 = arith.constant 0 : index
    %swap3A_1028 = tpu.vector_load %arg10[%swap3A_1026, %swap3A_1027] {strides = array<i32>} : memref<8x16xf32, #tpu.memory_space<vmem>>, vector<16xf32>,
    tpu.vector_store %arg10[%swap3A_1026, %swap3A_1027], %add3A_1024 {strides = array<i32>} : memref<8x16xf32, #tpu.memory_space<vmem>>, vector<16xf32>,
    %get3A_1029 = arith.constant 2 : i32
    %get3A_1030 = arith.index_cast %get3A_1029 : i32 to index
    %get3A_1031 = arith.constant 0 : index
    %get3A_1032 = tpu.vector_load %arg10[%get3A_1030, %get3A_1031] {strides = array<i32>} : memref<8x16xf32, #tpu.memory_space<vmem>>, vector<16xf32>,
    %get3A_1033 = arith.constant 2 : i32
    %get3A_1034 = arith.index_cast %get3A_1033 : i32 to index
    %get3A_1035 = arith.constant 0 : index
    %get3A_1036 = tpu.vector_load %arg9[%get3A_1034, %get3A_1035] {strides = array<i32>} : memref<8x16xf32, #tpu.memory_space<vmem>>, vector<16xf32>,
    %add3A_1037 = arith.addf %get3A_1032, %get3A_1036 : vector<16xf32>
    %swap3A_1038 = arith.constant 2 : i32
    %swap3A_1039 = arith.index_cast %swap3A_1038 : i32 to index
    %swap3A_1040 = arith.constant 0 : index
    %swap3A_1041 = tpu.vector_load %arg10[%swap3A_1039, %swap3A_1040] {strides = array<i32>} : memref<8x16xf32, #tpu.memory_space<vmem>>, vector<16xf32>,
    tpu.vector_store %arg10[%swap3A_1039, %swap3A_1040], %add3A_1037 {strides = array<i32>} : memref<8x16xf32, #tpu.memory_space<vmem>>, vector<16xf32>,
    %get3A_1042 = arith.constant 3 : i32
    %get3A_1043 = arith.index_cast %get3A_1042 : i32 to index
    %get3A_1044 = arith.constant 0 : index
    %get3A_1045 = tpu.vector_load %arg10[%get3A_1043, %get3A_1044] {strides = array<i32>} : memref<8x16xf32, #tpu.memory_space<vmem>>, vector<16xf32>,
    %get3A_1046 = arith.constant 3 : i32
    %get3A_1047 = arith.index_cast %get3A_1046 : i32 to index
    %get3A_1048 = arith.constant 0 : index
    %get3A_1049 = tpu.vector_load %arg9[%get3A_1047, %get3A_1048] {strides = array<i32>} : memref<8x16xf32, #tpu.memory_space<vmem>>, vector<16xf32>,
    %add3A_1050 = arith.addf %get3A_1045, %get3A_1049 : vector<16xf32>
    %swap3A_1051 = arith.constant 3 : i32
    %swap3A_1052 = arith.index_cast %swap3A_1051 : i32 to index
    %swap3A_1053 = arith.constant 0 : index
    %swap3A_1054 = tpu.vector_load %arg10[%swap3A_1052, %swap3A_1053] {strides = array<i32>} : memref<8x16xf32, #tpu.memory_space<vmem>>, vector<16xf32>,
    tpu.vector_store %arg10[%swap3A_1052, %swap3A_1053], %add3A_1050 {strides = array<i32>} : memref<8x16xf32, #tpu.memory_space<vmem>>, vector<16xf32>,
    %get3A_1055 = arith.constant 4 : i32
    %get3A_1056 = arith.index_cast %get3A_1055 : i32 to index
    %get3A_1057 = arith.constant 0 : index
    %get3A_1058 = tpu.vector_load %arg10[%get3A_1056, %get3A_1057] {strides = array<i32>} : memref<8x16xf32, #tpu.memory_space<vmem>>, vector<16xf32>,
    %get3A_1059 = arith.constant 4 : i32
    %get3A_1060 = arith.index_cast %get3A_1059 : i32 to index
    %get3A_1061 = arith.constant 0 : index
    %get3A_1062 = tpu.vector_load %arg9[%get3A_1060, %get3A_1061] {strides = array<i32>} : memref<8x16xf32, #tpu.memory_space<vmem>>, vector<16xf32>,
    %add3A_1063 = arith.addf %get3A_1058, %get3A_1062 : vector<16xf32>
    %swap3A_1064 = arith.constant 4 : i32
    %swap3A_1065 = arith.index_cast %swap3A_1064 : i32 to index
    %swap3A_1066 = arith.constant 0 : index
    %swap3A_1067 = tpu.vector_load %arg10[%swap3A_1065, %swap3A_1066] {strides = array<i32>} : memref<8x16xf32, #tpu.memory_space<vmem>>, vector<16xf32>,
    tpu.vector_store %arg10[%swap3A_1065, %swap3A_1066], %add3A_1063 {strides = array<i32>} : memref<8x16xf32, #tpu.memory_space<vmem>>, vector<16xf32>,
    %get3A_1068 = arith.constant 5 : i32
    %get3A_1069 = arith.index_cast %get3A_1068 : i32 to index
    %get3A_1070 = arith.constant 0 : index
    %get3A_1071 = tpu.vector_load %arg10[%get3A_1069, %get3A_1070] {strides = array<i32>} : memref<8x16xf32, #tpu.memory_space<vmem>>, vector<16xf32>,
    %get3A_1072 = arith.constant 5 : i32
    %get3A_1073 = arith.index_cast %get3A_1072 : i32 to index
    %get3A_1074 = arith.constant 0 : index
    %get3A_1075 = tpu.vector_load %arg9[%get3A_1073, %get3A_1074] {strides = array<i32>} : memref<8x16xf32, #tpu.memory_space<vmem>>, vector<16xf32>,
    %add3A_1076 = arith.addf %get3A_1071, %get3A_1075 : vector<16xf32>
    %swap3A_1077 = arith.constant 5 : i32
    %swap3A_1078 = arith.index_cast %swap3A_1077 : i32 to index
    %swap3A_1079 = arith.constant 0 : index
    %swap3A_1080 = tpu.vector_load %arg10[%swap3A_1078, %swap3A_1079] {strides = array<i32>} : memref<8x16xf32, #tpu.memory_space<vmem>>, vector<16xf32>,
    tpu.vector_store %arg10[%swap3A_1078, %swap3A_1079], %add3A_1076 {strides = array<i32>} : memref<8x16xf32, #tpu.memory_space<vmem>>, vector<16xf32>,
    %get3A_1081 = arith.constant 6 : i32
    %get3A_1082 = arith.index_cast %get3A_1081 : i32 to index
    %get3A_1083 = arith.constant 0 : index
    %get3A_1084 = tpu.vector_load %arg10[%get3A_1082, %get3A_1083] {strides = array<i32>} : memref<8x16xf32, #tpu.memory_space<vmem>>, vector<16xf32>,
    %get3A_1085 = arith.constant 6 : i32
    %get3A_1086 = arith.index_cast %get3A_1085 : i32 to index
    %get3A_1087 = arith.constant 0 : index
    %get3A_1088 = tpu.vector_load %arg9[%get3A_1086, %get3A_1087] {strides = array<i32>} : memref<8x16xf32, #tpu.memory_space<vmem>>, vector<16xf32>,
    %add3A_1089 = arith.addf %get3A_1084, %get3A_1088 : vector<16xf32>
    %swap3A_1090 = arith.constant 6 : i32
    %swap3A_1091 = arith.index_cast %swap3A_1090 : i32 to index
    %swap3A_1092 = arith.constant 0 : index
    %swap3A_1093 = tpu.vector_load %arg10[%swap3A_1091, %swap3A_1092] {strides = array<i32>} : memref<8x16xf32, #tpu.memory_space<vmem>>, vector<16xf32>,
    tpu.vector_store %arg10[%swap3A_1091, %swap3A_1092], %add3A_1089 {strides = array<i32>} : memref<8x16xf32, #tpu.memory_space<vmem>>, vector<16xf32>,
    %get3A_1094 = arith.constant 7 : i32
    %get3A_1095 = arith.index_cast %get3A_1094 : i32 to index
    %get3A_1096 = arith.constant 0 : index
    %get3A_1097 = tpu.vector_load %arg10[%get3A_1095, %get3A_1096] {strides = array<i32>} : memref<8x16xf32, #tpu.memory_space<vmem>>, vector<16xf32>,
    %get3A_1098 = arith.constant 7 : i32
    %get3A_1099 = arith.index_cast %get3A_1098 : i32 to index
    %get3A_1100 = arith.constant 0 : index
    %get3A_1101 = tpu.vector_load %arg9[%get3A_1099, %get3A_1100] {strides = array<i32>} : memref<8x16xf32, #tpu.memory_space<vmem>>, vector<16xf32>,
    %add3A_1102 = arith.addf %get3A_1097, %get3A_1101 : vector<16xf32>
    %swap3A_1103 = arith.constant 7 : i32
    %swap3A_1104 = arith.index_cast %swap3A_1103 : i32 to index
    %swap3A_1105 = arith.constant 0 : index
    %swap3A_1106 = tpu.vector_load %arg10[%swap3A_1104, %swap3A_1105] {strides = array<i32>} : memref<8x16xf32, #tpu.memory_space<vmem>>, vector<16xf32>,
    tpu.vector_store %arg10[%swap3A_1104, %swap3A_1105], %add3A_1102 {strides = array<i32>} : memref<8x16xf32, #tpu.memory_space<vmem>>, vector<16xf32>,
    %run_scoped3A_1107 = arith.constant 10 : i32
    "tpu.region"() ({
      %run_scoped3A_1737 = tpu.sem_alloc : memref<!tpu.dma_semaphore, #tpu.memory_space<semaphore_mem>>
      %dma_start3A = arith.constant 0 : i32
      %dma_start3A_1738 = tpu.memref_slice %arg11[%run_scoped3A_1107, %mul3A_27, %dma_start3A] : memref<16x128x16xf32, #tpu.memory_space<vmem_shared>> -> memref<1x8x16xf32, #tpu.memory_space<vmem_shared>>
      %dma_start3A_1739 = tpu.memref_squeeze %dma_start3A_1738 : memref<1x8x16xf32, #tpu.memory_space<vmem_shared>> -> memref<8x16xf32, #tpu.memory_space<vmem_shared>>
      %dma_start3A_1740 = arith.constant 0 : i32
      %dma_start3A_1741 = tpu.memref_slice %arg11[%run_scoped3A_1107, %mul3A_27, %dma_start3A_1740] : memref<16x128x16xf32, #tpu.memory_space<vmem_shared>> -> memref<1x8x16xf32, #tpu.memory_space<vmem_shared>>
      %dma_start3A_1742 = tpu.memref_squeeze %dma_start3A_1741 : memref<1x8x16xf32, #tpu.memory_space<vmem_shared>> -> memref<8x16xf32, #tpu.memory_space<vmem_shared>>
      tpu.enqueue_dma source(%dma_start3A_1742 : memref<8x16xf32, #tpu.memory_space<vmem_shared>>) target(%arg9 : memref<8x16xf32, #tpu.memory_space<vmem>>) target_semaphore(%run_scoped3A_1737 : memref<!tpu.dma_semaphore, #tpu.memory_space<semaphore_mem>>)
      %dma_wait3A = arith.constant 0 : i32
      %dma_wait3A_1743 = tpu.memref_slice %arg11[%run_scoped3A_1107, %mul3A_27, %dma_wait3A] : memref<16x128x16xf32, #tpu.memory_space<vmem_shared>> -> memref<1x8x16xf32, #tpu.memory_space<vmem_shared>>
      %dma_wait3A_1744 = tpu.memref_squeeze %dma_wait3A_1743 : memref<1x8x16xf32, #tpu.memory_space<vmem_shared>> -> memref<8x16xf32, #tpu.memory_space<vmem_shared>>
      %dma_wait3A_1745 = arith.constant 0 : i32
      %dma_wait3A_1746 = tpu.memref_slice %arg11[%run_scoped3A_1107, %mul3A_27, %dma_wait3A_1745] : memref<16x128x16xf32, #tpu.memory_space<vmem_shared>> -> memref<1x8x16xf32, #tpu.memory_space<vmem_shared>>
      %dma_wait3A_1747 = tpu.memref_squeeze %dma_wait3A_1746 : memref<1x8x16xf32, #tpu.memory_space<vmem_shared>> -> memref<8x16xf32, #tpu.memory_space<vmem_shared>>
      tpu.wait_dma2 semaphore(%run_scoped3A_1737 : memref<!tpu.dma_semaphore, #tpu.memory_space<semaphore_mem>>) src(%dma_wait3A_1747 : memref<8x16xf32, #tpu.memory_space<vmem_shared>>) dst(%arg9 : memref<8x16xf32, #tpu.memory_space<vmem>>)
      tpu.yield
    }) : () -> ()
    %get3A_1108 = arith.constant 0 : i32
    %get3A_1109 = arith.index_cast %get3A_1108 : i32 to index
    %get3A_1110 = arith.constant 0 : index
    %get3A_1111 = tpu.vector_load %arg10[%get3A_1109, %get3A_1110] {strides = array<i32>} : memref<8x16xf32, #tpu.memory_space<vmem>>, vector<16xf32>,
    %get3A_1112 = arith.constant 0 : i32
    %get3A_1113 = arith.index_cast %get3A_1112 : i32 to index
    %get3A_1114 = arith.constant 0 : index
    %get3A_1115 = tpu.vector_load %arg9[%get3A_1113, %get3A_1114] {strides = array<i32>} : memref<8x16xf32, #tpu.memory_space<vmem>>, vector<16xf32>,
    %add3A_1116 = arith.addf %get3A_1111, %get3A_1115 : vector<16xf32>
    %swap3A_1117 = arith.constant 0 : i32
    %swap3A_1118 = arith.index_cast %swap3A_1117 : i32 to index
    %swap3A_1119 = arith.constant 0 : index
    %swap3A_1120 = tpu.vector_load %arg10[%swap3A_1118, %swap3A_1119] {strides = array<i32>} : memref<8x16xf32, #tpu.memory_space<vmem>>, vector<16xf32>,
    tpu.vector_store %arg10[%swap3A_1118, %swap3A_1119], %add3A_1116 {strides = array<i32>} : memref<8x16xf32, #tpu.memory_space<vmem>>, vector<16xf32>,
    %get3A_1121 = arith.constant 1 : i32
    %get3A_1122 = arith.index_cast %get3A_1121 : i32 to index
    %get3A_1123 = arith.constant 0 : index
    %get3A_1124 = tpu.vector_load %arg10[%get3A_1122, %get3A_1123] {strides = array<i32>} : memref<8x16xf32, #tpu.memory_space<vmem>>, vector<16xf32>,
    %get3A_1125 = arith.constant 1 : i32
    %get3A_1126 = arith.index_cast %get3A_1125 : i32 to index
    %get3A_1127 = arith.constant 0 : index
    %get3A_1128 = tpu.vector_load %arg9[%get3A_1126, %get3A_1127] {strides = array<i32>} : memref<8x16xf32, #tpu.memory_space<vmem>>, vector<16xf32>,
    %add3A_1129 = arith.addf %get3A_1124, %get3A_1128 : vector<16xf32>
    %swap3A_1130 = arith.constant 1 : i32
    %swap3A_1131 = arith.index_cast %swap3A_1130 : i32 to index
    %swap3A_1132 = arith.constant 0 : index
    %swap3A_1133 = tpu.vector_load %arg10[%swap3A_1131, %swap3A_1132] {strides = array<i32>} : memref<8x16xf32, #tpu.memory_space<vmem>>, vector<16xf32>,
    tpu.vector_store %arg10[%swap3A_1131, %swap3A_1132], %add3A_1129 {strides = array<i32>} : memref<8x16xf32, #tpu.memory_space<vmem>>, vector<16xf32>,
    %get3A_1134 = arith.constant 2 : i32
    %get3A_1135 = arith.index_cast %get3A_1134 : i32 to index
    %get3A_1136 = arith.constant 0 : index
    %get3A_1137 = tpu.vector_load %arg10[%get3A_1135, %get3A_1136] {strides = array<i32>} : memref<8x16xf32, #tpu.memory_space<vmem>>, vector<16xf32>,
    %get3A_1138 = arith.constant 2 : i32
    %get3A_1139 = arith.index_cast %get3A_1138 : i32 to index
    %get3A_1140 = arith.constant 0 : index
    %get3A_1141 = tpu.vector_load %arg9[%get3A_1139, %get3A_1140] {strides = array<i32>} : memref<8x16xf32, #tpu.memory_space<vmem>>, vector<16xf32>,
    %add3A_1142 = arith.addf %get3A_1137, %get3A_1141 : vector<16xf32>
    %swap3A_1143 = arith.constant 2 : i32
    %swap3A_1144 = arith.index_cast %swap3A_1143 : i32 to index
    %swap3A_1145 = arith.constant 0 : index
    %swap3A_1146 = tpu.vector_load %arg10[%swap3A_1144, %swap3A_1145] {strides = array<i32>} : memref<8x16xf32, #tpu.memory_space<vmem>>, vector<16xf32>,
    tpu.vector_store %arg10[%swap3A_1144, %swap3A_1145], %add3A_1142 {strides = array<i32>} : memref<8x16xf32, #tpu.memory_space<vmem>>, vector<16xf32>,
    %get3A_1147 = arith.constant 3 : i32
    %get3A_1148 = arith.index_cast %get3A_1147 : i32 to index
    %get3A_1149 = arith.constant 0 : index
    %get3A_1150 = tpu.vector_load %arg10[%get3A_1148, %get3A_1149] {strides = array<i32>} : memref<8x16xf32, #tpu.memory_space<vmem>>, vector<16xf32>,
    %get3A_1151 = arith.constant 3 : i32
    %get3A_1152 = arith.index_cast %get3A_1151 : i32 to index
    %get3A_1153 = arith.constant 0 : index
    %get3A_1154 = tpu.vector_load %arg9[%get3A_1152, %get3A_1153] {strides = array<i32>} : memref<8x16xf32, #tpu.memory_space<vmem>>, vector<16xf32>,
    %add3A_1155 = arith.addf %get3A_1150, %get3A_1154 : vector<16xf32>
    %swap3A_1156 = arith.constant 3 : i32
    %swap3A_1157 = arith.index_cast %swap3A_1156 : i32 to index
    %swap3A_1158 = arith.constant 0 : index
    %swap3A_1159 = tpu.vector_load %arg10[%swap3A_1157, %swap3A_1158] {strides = array<i32>} : memref<8x16xf32, #tpu.memory_space<vmem>>, vector<16xf32>,
    tpu.vector_store %arg10[%swap3A_1157, %swap3A_1158], %add3A_1155 {strides = array<i32>} : memref<8x16xf32, #tpu.memory_space<vmem>>, vector<16xf32>,
    %get3A_1160 = arith.constant 4 : i32
    %get3A_1161 = arith.index_cast %get3A_1160 : i32 to index
    %get3A_1162 = arith.constant 0 : index
    %get3A_1163 = tpu.vector_load %arg10[%get3A_1161, %get3A_1162] {strides = array<i32>} : memref<8x16xf32, #tpu.memory_space<vmem>>, vector<16xf32>,
    %get3A_1164 = arith.constant 4 : i32
    %get3A_1165 = arith.index_cast %get3A_1164 : i32 to index
    %get3A_1166 = arith.constant 0 : index
    %get3A_1167 = tpu.vector_load %arg9[%get3A_1165, %get3A_1166] {strides = array<i32>} : memref<8x16xf32, #tpu.memory_space<vmem>>, vector<16xf32>,
    %add3A_1168 = arith.addf %get3A_1163, %get3A_1167 : vector<16xf32>
    %swap3A_1169 = arith.constant 4 : i32
    %swap3A_1170 = arith.index_cast %swap3A_1169 : i32 to index
    %swap3A_1171 = arith.constant 0 : index
    %swap3A_1172 = tpu.vector_load %arg10[%swap3A_1170, %swap3A_1171] {strides = array<i32>} : memref<8x16xf32, #tpu.memory_space<vmem>>, vector<16xf32>,
    tpu.vector_store %arg10[%swap3A_1170, %swap3A_1171], %add3A_1168 {strides = array<i32>} : memref<8x16xf32, #tpu.memory_space<vmem>>, vector<16xf32>,
    %get3A_1173 = arith.constant 5 : i32
    %get3A_1174 = arith.index_cast %get3A_1173 : i32 to index
    %get3A_1175 = arith.constant 0 : index
    %get3A_1176 = tpu.vector_load %arg10[%get3A_1174, %get3A_1175] {strides = array<i32>} : memref<8x16xf32, #tpu.memory_space<vmem>>, vector<16xf32>,
    %get3A_1177 = arith.constant 5 : i32
    %get3A_1178 = arith.index_cast %get3A_1177 : i32 to index
    %get3A_1179 = arith.constant 0 : index
    %get3A_1180 = tpu.vector_load %arg9[%get3A_1178, %get3A_1179] {strides = array<i32>} : memref<8x16xf32, #tpu.memory_space<vmem>>, vector<16xf32>,
    %add3A_1181 = arith.addf %get3A_1176, %get3A_1180 : vector<16xf32>
    %swap3A_1182 = arith.constant 5 : i32
    %swap3A_1183 = arith.index_cast %swap3A_1182 : i32 to index
    %swap3A_1184 = arith.constant 0 : index
    %swap3A_1185 = tpu.vector_load %arg10[%swap3A_1183, %swap3A_1184] {strides = array<i32>} : memref<8x16xf32, #tpu.memory_space<vmem>>, vector<16xf32>,
    tpu.vector_store %arg10[%swap3A_1183, %swap3A_1184], %add3A_1181 {strides = array<i32>} : memref<8x16xf32, #tpu.memory_space<vmem>>, vector<16xf32>,
    %get3A_1186 = arith.constant 6 : i32
    %get3A_1187 = arith.index_cast %get3A_1186 : i32 to index
    %get3A_1188 = arith.constant 0 : index
    %get3A_1189 = tpu.vector_load %arg10[%get3A_1187, %get3A_1188] {strides = array<i32>} : memref<8x16xf32, #tpu.memory_space<vmem>>, vector<16xf32>,
    %get3A_1190 = arith.constant 6 : i32
    %get3A_1191 = arith.index_cast %get3A_1190 : i32 to index
    %get3A_1192 = arith.constant 0 : index
    %get3A_1193 = tpu.vector_load %arg9[%get3A_1191, %get3A_1192] {strides = array<i32>} : memref<8x16xf32, #tpu.memory_space<vmem>>, vector<16xf32>,
    %add3A_1194 = arith.addf %get3A_1189, %get3A_1193 : vector<16xf32>
    %swap3A_1195 = arith.constant 6 : i32
    %swap3A_1196 = arith.index_cast %swap3A_1195 : i32 to index
    %swap3A_1197 = arith.constant 0 : index
    %swap3A_1198 = tpu.vector_load %arg10[%swap3A_1196, %swap3A_1197] {strides = array<i32>} : memref<8x16xf32, #tpu.memory_space<vmem>>, vector<16xf32>,
    tpu.vector_store %arg10[%swap3A_1196, %swap3A_1197], %add3A_1194 {strides = array<i32>} : memref<8x16xf32, #tpu.memory_space<vmem>>, vector<16xf32>,
    %get3A_1199 = arith.constant 7 : i32
    %get3A_1200 = arith.index_cast %get3A_1199 : i32 to index
    %get3A_1201 = arith.constant 0 : index
    %get3A_1202 = tpu.vector_load %arg10[%get3A_1200, %get3A_1201] {strides = array<i32>} : memref<8x16xf32, #tpu.memory_space<vmem>>, vector<16xf32>,
    %get3A_1203 = arith.constant 7 : i32
    %get3A_1204 = arith.index_cast %get3A_1203 : i32 to index
    %get3A_1205 = arith.constant 0 : index
    %get3A_1206 = tpu.vector_load %arg9[%get3A_1204, %get3A_1205] {strides = array<i32>} : memref<8x16xf32, #tpu.memory_space<vmem>>, vector<16xf32>,
    %add3A_1207 = arith.addf %get3A_1202, %get3A_1206 : vector<16xf32>
    %swap3A_1208 = arith.constant 7 : i32
    %swap3A_1209 = arith.index_cast %swap3A_1208 : i32 to index
    %swap3A_1210 = arith.constant 0 : index
    %swap3A_1211 = tpu.vector_load %arg10[%swap3A_1209, %swap3A_1210] {strides = array<i32>} : memref<8x16xf32, #tpu.memory_space<vmem>>, vector<16xf32>,
    tpu.vector_store %arg10[%swap3A_1209, %swap3A_1210], %add3A_1207 {strides = array<i32>} : memref<8x16xf32, #tpu.memory_space<vmem>>, vector<16xf32>,
    %run_scoped3A_1212 = arith.constant 11 : i32
    "tpu.region"() ({
      %run_scoped3A_1737 = tpu.sem_alloc : memref<!tpu.dma_semaphore, #tpu.memory_space<semaphore_mem>>
      %dma_start3A = arith.constant 0 : i32
      %dma_start3A_1738 = tpu.memref_slice %arg11[%run_scoped3A_1212, %mul3A_27, %dma_start3A] : memref<16x128x16xf32, #tpu.memory_space<vmem_shared>> -> memref<1x8x16xf32, #tpu.memory_space<vmem_shared>>
      %dma_start3A_1739 = tpu.memref_squeeze %dma_start3A_1738 : memref<1x8x16xf32, #tpu.memory_space<vmem_shared>> -> memref<8x16xf32, #tpu.memory_space<vmem_shared>>
      %dma_start3A_1740 = arith.constant 0 : i32
      %dma_start3A_1741 = tpu.memref_slice %arg11[%run_scoped3A_1212, %mul3A_27, %dma_start3A_1740] : memref<16x128x16xf32, #tpu.memory_space<vmem_shared>> -> memref<1x8x16xf32, #tpu.memory_space<vmem_shared>>
      %dma_start3A_1742 = tpu.memref_squeeze %dma_start3A_1741 : memref<1x8x16xf32, #tpu.memory_space<vmem_shared>> -> memref<8x16xf32, #tpu.memory_space<vmem_shared>>
      tpu.enqueue_dma source(%dma_start3A_1742 : memref<8x16xf32, #tpu.memory_space<vmem_shared>>) target(%arg9 : memref<8x16xf32, #tpu.memory_space<vmem>>) target_semaphore(%run_scoped3A_1737 : memref<!tpu.dma_semaphore, #tpu.memory_space<semaphore_mem>>)
      %dma_wait3A = arith.constant 0 : i32
      %dma_wait3A_1743 = tpu.memref_slice %arg11[%run_scoped3A_1212, %mul3A_27, %dma_wait3A] : memref<16x128x16xf32, #tpu.memory_space<vmem_shared>> -> memref<1x8x16xf32, #tpu.memory_space<vmem_shared>>
      %dma_wait3A_1744 = tpu.memref_squeeze %dma_wait3A_1743 : memref<1x8x16xf32, #tpu.memory_space<vmem_shared>> -> memref<8x16xf32, #tpu.memory_space<vmem_shared>>
      %dma_wait3A_1745 = arith.constant 0 : i32
      %dma_wait3A_1746 = tpu.memref_slice %arg11[%run_scoped3A_1212, %mul3A_27, %dma_wait3A_1745] : memref<16x128x16xf32, #tpu.memory_space<vmem_shared>> -> memref<1x8x16xf32, #tpu.memory_space<vmem_shared>>
      %dma_wait3A_1747 = tpu.memref_squeeze %dma_wait3A_1746 : memref<1x8x16xf32, #tpu.memory_space<vmem_shared>> -> memref<8x16xf32, #tpu.memory_space<vmem_shared>>
      tpu.wait_dma2 semaphore(%run_scoped3A_1737 : memref<!tpu.dma_semaphore, #tpu.memory_space<semaphore_mem>>) src(%dma_wait3A_1747 : memref<8x16xf32, #tpu.memory_space<vmem_shared>>) dst(%arg9 : memref<8x16xf32, #tpu.memory_space<vmem>>)
      tpu.yield
    }) : () -> ()
    %get3A_1213 = arith.constant 0 : i32
    %get3A_1214 = arith.index_cast %get3A_1213 : i32 to index
    %get3A_1215 = arith.constant 0 : index
    %get3A_1216 = tpu.vector_load %arg10[%get3A_1214, %get3A_1215] {strides = array<i32>} : memref<8x16xf32, #tpu.memory_space<vmem>>, vector<16xf32>,
    %get3A_1217 = arith.constant 0 : i32
    %get3A_1218 = arith.index_cast %get3A_1217 : i32 to index
    %get3A_1219 = arith.constant 0 : index
    %get3A_1220 = tpu.vector_load %arg9[%get3A_1218, %get3A_1219] {strides = array<i32>} : memref<8x16xf32, #tpu.memory_space<vmem>>, vector<16xf32>,
    %add3A_1221 = arith.addf %get3A_1216, %get3A_1220 : vector<16xf32>
    %swap3A_1222 = arith.constant 0 : i32
    %swap3A_1223 = arith.index_cast %swap3A_1222 : i32 to index
    %swap3A_1224 = arith.constant 0 : index
    %swap3A_1225 = tpu.vector_load %arg10[%swap3A_1223, %swap3A_1224] {strides = array<i32>} : memref<8x16xf32, #tpu.memory_space<vmem>>, vector<16xf32>,
    tpu.vector_store %arg10[%swap3A_1223, %swap3A_1224], %add3A_1221 {strides = array<i32>} : memref<8x16xf32, #tpu.memory_space<vmem>>, vector<16xf32>,
    %get3A_1226 = arith.constant 1 : i32
    %get3A_1227 = arith.index_cast %get3A_1226 : i32 to index
    %get3A_1228 = arith.constant 0 : index
    %get3A_1229 = tpu.vector_load %arg10[%get3A_1227, %get3A_1228] {strides = array<i32>} : memref<8x16xf32, #tpu.memory_space<vmem>>, vector<16xf32>,
    %get3A_1230 = arith.constant 1 : i32
    %get3A_1231 = arith.index_cast %get3A_1230 : i32 to index
    %get3A_1232 = arith.constant 0 : index
    %get3A_1233 = tpu.vector_load %arg9[%get3A_1231, %get3A_1232] {strides = array<i32>} : memref<8x16xf32, #tpu.memory_space<vmem>>, vector<16xf32>,
    %add3A_1234 = arith.addf %get3A_1229, %get3A_1233 : vector<16xf32>
    %swap3A_1235 = arith.constant 1 : i32
    %swap3A_1236 = arith.index_cast %swap3A_1235 : i32 to index
    %swap3A_1237 = arith.constant 0 : index
    %swap3A_1238 = tpu.vector_load %arg10[%swap3A_1236, %swap3A_1237] {strides = array<i32>} : memref<8x16xf32, #tpu.memory_space<vmem>>, vector<16xf32>,
    tpu.vector_store %arg10[%swap3A_1236, %swap3A_1237], %add3A_1234 {strides = array<i32>} : memref<8x16xf32, #tpu.memory_space<vmem>>, vector<16xf32>,
    %get3A_1239 = arith.constant 2 : i32
    %get3A_1240 = arith.index_cast %get3A_1239 : i32 to index
    %get3A_1241 = arith.constant 0 : index
    %get3A_1242 = tpu.vector_load %arg10[%get3A_1240, %get3A_1241] {strides = array<i32>} : memref<8x16xf32, #tpu.memory_space<vmem>>, vector<16xf32>,
    %get3A_1243 = arith.constant 2 : i32
    %get3A_1244 = arith.index_cast %get3A_1243 : i32 to index
    %get3A_1245 = arith.constant 0 : index
    %get3A_1246 = tpu.vector_load %arg9[%get3A_1244, %get3A_1245] {strides = array<i32>} : memref<8x16xf32, #tpu.memory_space<vmem>>, vector<16xf32>,
    %add3A_1247 = arith.addf %get3A_1242, %get3A_1246 : vector<16xf32>
    %swap3A_1248 = arith.constant 2 : i32
    %swap3A_1249 = arith.index_cast %swap3A_1248 : i32 to index
    %swap3A_1250 = arith.constant 0 : index
    %swap3A_1251 = tpu.vector_load %arg10[%swap3A_1249, %swap3A_1250] {strides = array<i32>} : memref<8x16xf32, #tpu.memory_space<vmem>>, vector<16xf32>,
    tpu.vector_store %arg10[%swap3A_1249, %swap3A_1250], %add3A_1247 {strides = array<i32>} : memref<8x16xf32, #tpu.memory_space<vmem>>, vector<16xf32>,
    %get3A_1252 = arith.constant 3 : i32
    %get3A_1253 = arith.index_cast %get3A_1252 : i32 to index
    %get3A_1254 = arith.constant 0 : index
    %get3A_1255 = tpu.vector_load %arg10[%get3A_1253, %get3A_1254] {strides = array<i32>} : memref<8x16xf32, #tpu.memory_space<vmem>>, vector<16xf32>,
    %get3A_1256 = arith.constant 3 : i32
    %get3A_1257 = arith.index_cast %get3A_1256 : i32 to index
    %get3A_1258 = arith.constant 0 : index
    %get3A_1259 = tpu.vector_load %arg9[%get3A_1257, %get3A_1258] {strides = array<i32>} : memref<8x16xf32, #tpu.memory_space<vmem>>, vector<16xf32>,
    %add3A_1260 = arith.addf %get3A_1255, %get3A_1259 : vector<16xf32>
    %swap3A_1261 = arith.constant 3 : i32
    %swap3A_1262 = arith.index_cast %swap3A_1261 : i32 to index
    %swap3A_1263 = arith.constant 0 : index
    %swap3A_1264 = tpu.vector_load %arg10[%swap3A_1262, %swap3A_1263] {strides = array<i32>} : memref<8x16xf32, #tpu.memory_space<vmem>>, vector<16xf32>,
    tpu.vector_store %arg10[%swap3A_1262, %swap3A_1263], %add3A_1260 {strides = array<i32>} : memref<8x16xf32, #tpu.memory_space<vmem>>, vector<16xf32>,
    %get3A_1265 = arith.constant 4 : i32
    %get3A_1266 = arith.index_cast %get3A_1265 : i32 to index
    %get3A_1267 = arith.constant 0 : index
    %get3A_1268 = tpu.vector_load %arg10[%get3A_1266, %get3A_1267] {strides = array<i32>} : memref<8x16xf32, #tpu.memory_space<vmem>>, vector<16xf32>,
    %get3A_1269 = arith.constant 4 : i32
    %get3A_1270 = arith.index_cast %get3A_1269 : i32 to index
    %get3A_1271 = arith.constant 0 : index
    %get3A_1272 = tpu.vector_load %arg9[%get3A_1270, %get3A_1271] {strides = array<i32>} : memref<8x16xf32, #tpu.memory_space<vmem>>, vector<16xf32>,
    %add3A_1273 = arith.addf %get3A_1268, %get3A_1272 : vector<16xf32>
    %swap3A_1274 = arith.constant 4 : i32
    %swap3A_1275 = arith.index_cast %swap3A_1274 : i32 to index
    %swap3A_1276 = arith.constant 0 : index
    %swap3A_1277 = tpu.vector_load %arg10[%swap3A_1275, %swap3A_1276] {strides = array<i32>} : memref<8x16xf32, #tpu.memory_space<vmem>>, vector<16xf32>,
    tpu.vector_store %arg10[%swap3A_1275, %swap3A_1276], %add3A_1273 {strides = array<i32>} : memref<8x16xf32, #tpu.memory_space<vmem>>, vector<16xf32>,
    %get3A_1278 = arith.constant 5 : i32
    %get3A_1279 = arith.index_cast %get3A_1278 : i32 to index
    %get3A_1280 = arith.constant 0 : index
    %get3A_1281 = tpu.vector_load %arg10[%get3A_1279, %get3A_1280] {strides = array<i32>} : memref<8x16xf32, #tpu.memory_space<vmem>>, vector<16xf32>,
    %get3A_1282 = arith.constant 5 : i32
    %get3A_1283 = arith.index_cast %get3A_1282 : i32 to index
    %get3A_1284 = arith.constant 0 : index
    %get3A_1285 = tpu.vector_load %arg9[%get3A_1283, %get3A_1284] {strides = array<i32>} : memref<8x16xf32, #tpu.memory_space<vmem>>, vector<16xf32>,
    %add3A_1286 = arith.addf %get3A_1281, %get3A_1285 : vector<16xf32>
    %swap3A_1287 = arith.constant 5 : i32
    %swap3A_1288 = arith.index_cast %swap3A_1287 : i32 to index
    %swap3A_1289 = arith.constant 0 : index
    %swap3A_1290 = tpu.vector_load %arg10[%swap3A_1288, %swap3A_1289] {strides = array<i32>} : memref<8x16xf32, #tpu.memory_space<vmem>>, vector<16xf32>,
    tpu.vector_store %arg10[%swap3A_1288, %swap3A_1289], %add3A_1286 {strides = array<i32>} : memref<8x16xf32, #tpu.memory_space<vmem>>, vector<16xf32>,
    %get3A_1291 = arith.constant 6 : i32
    %get3A_1292 = arith.index_cast %get3A_1291 : i32 to index
    %get3A_1293 = arith.constant 0 : index
    %get3A_1294 = tpu.vector_load %arg10[%get3A_1292, %get3A_1293] {strides = array<i32>} : memref<8x16xf32, #tpu.memory_space<vmem>>, vector<16xf32>,
    %get3A_1295 = arith.constant 6 : i32
    %get3A_1296 = arith.index_cast %get3A_1295 : i32 to index
    %get3A_1297 = arith.constant 0 : index
    %get3A_1298 = tpu.vector_load %arg9[%get3A_1296, %get3A_1297] {strides = array<i32>} : memref<8x16xf32, #tpu.memory_space<vmem>>, vector<16xf32>,
    %add3A_1299 = arith.addf %get3A_1294, %get3A_1298 : vector<16xf32>
    %swap3A_1300 = arith.constant 6 : i32
    %swap3A_1301 = arith.index_cast %swap3A_1300 : i32 to index
    %swap3A_1302 = arith.constant 0 : index
    %swap3A_1303 = tpu.vector_load %arg10[%swap3A_1301, %swap3A_1302] {strides = array<i32>} : memref<8x16xf32, #tpu.memory_space<vmem>>, vector<16xf32>,
    tpu.vector_store %arg10[%swap3A_1301, %swap3A_1302], %add3A_1299 {strides = array<i32>} : memref<8x16xf32, #tpu.memory_space<vmem>>, vector<16xf32>,
    %get3A_1304 = arith.constant 7 : i32
    %get3A_1305 = arith.index_cast %get3A_1304 : i32 to index
    %get3A_1306 = arith.constant 0 : index
    %get3A_1307 = tpu.vector_load %arg10[%get3A_1305, %get3A_1306] {strides = array<i32>} : memref<8x16xf32, #tpu.memory_space<vmem>>, vector<16xf32>,
    %get3A_1308 = arith.constant 7 : i32
    %get3A_1309 = arith.index_cast %get3A_1308 : i32 to index
    %get3A_1310 = arith.constant 0 : index
    %get3A_1311 = tpu.vector_load %arg9[%get3A_1309, %get3A_1310] {strides = array<i32>} : memref<8x16xf32, #tpu.memory_space<vmem>>, vector<16xf32>,
    %add3A_1312 = arith.addf %get3A_1307, %get3A_1311 : vector<16xf32>
    %swap3A_1313 = arith.constant 7 : i32
    %swap3A_1314 = arith.index_cast %swap3A_1313 : i32 to index
    %swap3A_1315 = arith.constant 0 : index
    %swap3A_1316 = tpu.vector_load %arg10[%swap3A_1314, %swap3A_1315] {strides = array<i32>} : memref<8x16xf32, #tpu.memory_space<vmem>>, vector<16xf32>,
    tpu.vector_store %arg10[%swap3A_1314, %swap3A_1315], %add3A_1312 {strides = array<i32>} : memref<8x16xf32, #tpu.memory_space<vmem>>, vector<16xf32>,
    %run_scoped3A_1317 = arith.constant 12 : i32
    "tpu.region"() ({
      %run_scoped3A_1737 = tpu.sem_alloc : memref<!tpu.dma_semaphore, #tpu.memory_space<semaphore_mem>>
      %dma_start3A = arith.constant 0 : i32
      %dma_start3A_1738 = tpu.memref_slice %arg11[%run_scoped3A_1317, %mul3A_27, %dma_start3A] : memref<16x128x16xf32, #tpu.memory_space<vmem_shared>> -> memref<1x8x16xf32, #tpu.memory_space<vmem_shared>>
      %dma_start3A_1739 = tpu.memref_squeeze %dma_start3A_1738 : memref<1x8x16xf32, #tpu.memory_space<vmem_shared>> -> memref<8x16xf32, #tpu.memory_space<vmem_shared>>
      %dma_start3A_1740 = arith.constant 0 : i32
      %dma_start3A_1741 = tpu.memref_slice %arg11[%run_scoped3A_1317, %mul3A_27, %dma_start3A_1740] : memref<16x128x16xf32, #tpu.memory_space<vmem_shared>> -> memref<1x8x16xf32, #tpu.memory_space<vmem_shared>>
      %dma_start3A_1742 = tpu.memref_squeeze %dma_start3A_1741 : memref<1x8x16xf32, #tpu.memory_space<vmem_shared>> -> memref<8x16xf32, #tpu.memory_space<vmem_shared>>
      tpu.enqueue_dma source(%dma_start3A_1742 : memref<8x16xf32, #tpu.memory_space<vmem_shared>>) target(%arg9 : memref<8x16xf32, #tpu.memory_space<vmem>>) target_semaphore(%run_scoped3A_1737 : memref<!tpu.dma_semaphore, #tpu.memory_space<semaphore_mem>>)
      %dma_wait3A = arith.constant 0 : i32
      %dma_wait3A_1743 = tpu.memref_slice %arg11[%run_scoped3A_1317, %mul3A_27, %dma_wait3A] : memref<16x128x16xf32, #tpu.memory_space<vmem_shared>> -> memref<1x8x16xf32, #tpu.memory_space<vmem_shared>>
      %dma_wait3A_1744 = tpu.memref_squeeze %dma_wait3A_1743 : memref<1x8x16xf32, #tpu.memory_space<vmem_shared>> -> memref<8x16xf32, #tpu.memory_space<vmem_shared>>
      %dma_wait3A_1745 = arith.constant 0 : i32
      %dma_wait3A_1746 = tpu.memref_slice %arg11[%run_scoped3A_1317, %mul3A_27, %dma_wait3A_1745] : memref<16x128x16xf32, #tpu.memory_space<vmem_shared>> -> memref<1x8x16xf32, #tpu.memory_space<vmem_shared>>
      %dma_wait3A_1747 = tpu.memref_squeeze %dma_wait3A_1746 : memref<1x8x16xf32, #tpu.memory_space<vmem_shared>> -> memref<8x16xf32, #tpu.memory_space<vmem_shared>>
      tpu.wait_dma2 semaphore(%run_scoped3A_1737 : memref<!tpu.dma_semaphore, #tpu.memory_space<semaphore_mem>>) src(%dma_wait3A_1747 : memref<8x16xf32, #tpu.memory_space<vmem_shared>>) dst(%arg9 : memref<8x16xf32, #tpu.memory_space<vmem>>)
      tpu.yield
    }) : () -> ()
    %get3A_1318 = arith.constant 0 : i32
    %get3A_1319 = arith.index_cast %get3A_1318 : i32 to index
    %get3A_1320 = arith.constant 0 : index
    %get3A_1321 = tpu.vector_load %arg10[%get3A_1319, %get3A_1320] {strides = array<i32>} : memref<8x16xf32, #tpu.memory_space<vmem>>, vector<16xf32>,
    %get3A_1322 = arith.constant 0 : i32
    %get3A_1323 = arith.index_cast %get3A_1322 : i32 to index
    %get3A_1324 = arith.constant 0 : index
    %get3A_1325 = tpu.vector_load %arg9[%get3A_1323, %get3A_1324] {strides = array<i32>} : memref<8x16xf32, #tpu.memory_space<vmem>>, vector<16xf32>,
    %add3A_1326 = arith.addf %get3A_1321, %get3A_1325 : vector<16xf32>
    %swap3A_1327 = arith.constant 0 : i32
    %swap3A_1328 = arith.index_cast %swap3A_1327 : i32 to index
    %swap3A_1329 = arith.constant 0 : index
    %swap3A_1330 = tpu.vector_load %arg10[%swap3A_1328, %swap3A_1329] {strides = array<i32>} : memref<8x16xf32, #tpu.memory_space<vmem>>, vector<16xf32>,
    tpu.vector_store %arg10[%swap3A_1328, %swap3A_1329], %add3A_1326 {strides = array<i32>} : memref<8x16xf32, #tpu.memory_space<vmem>>, vector<16xf32>,
    %get3A_1331 = arith.constant 1 : i32
    %get3A_1332 = arith.index_cast %get3A_1331 : i32 to index
    %get3A_1333 = arith.constant 0 : index
    %get3A_1334 = tpu.vector_load %arg10[%get3A_1332, %get3A_1333] {strides = array<i32>} : memref<8x16xf32, #tpu.memory_space<vmem>>, vector<16xf32>,
    %get3A_1335 = arith.constant 1 : i32
    %get3A_1336 = arith.index_cast %get3A_1335 : i32 to index
    %get3A_1337 = arith.constant 0 : index
    %get3A_1338 = tpu.vector_load %arg9[%get3A_1336, %get3A_1337] {strides = array<i32>} : memref<8x16xf32, #tpu.memory_space<vmem>>, vector<16xf32>,
    %add3A_1339 = arith.addf %get3A_1334, %get3A_1338 : vector<16xf32>
    %swap3A_1340 = arith.constant 1 : i32
    %swap3A_1341 = arith.index_cast %swap3A_1340 : i32 to index
    %swap3A_1342 = arith.constant 0 : index
    %swap3A_1343 = tpu.vector_load %arg10[%swap3A_1341, %swap3A_1342] {strides = array<i32>} : memref<8x16xf32, #tpu.memory_space<vmem>>, vector<16xf32>,
    tpu.vector_store %arg10[%swap3A_1341, %swap3A_1342], %add3A_1339 {strides = array<i32>} : memref<8x16xf32, #tpu.memory_space<vmem>>, vector<16xf32>,
    %get3A_1344 = arith.constant 2 : i32
    %get3A_1345 = arith.index_cast %get3A_1344 : i32 to index
    %get3A_1346 = arith.constant 0 : index
    %get3A_1347 = tpu.vector_load %arg10[%get3A_1345, %get3A_1346] {strides = array<i32>} : memref<8x16xf32, #tpu.memory_space<vmem>>, vector<16xf32>,
    %get3A_1348 = arith.constant 2 : i32
    %get3A_1349 = arith.index_cast %get3A_1348 : i32 to index
    %get3A_1350 = arith.constant 0 : index
    %get3A_1351 = tpu.vector_load %arg9[%get3A_1349, %get3A_1350] {strides = array<i32>} : memref<8x16xf32, #tpu.memory_space<vmem>>, vector<16xf32>,
    %add3A_1352 = arith.addf %get3A_1347, %get3A_1351 : vector<16xf32>
    %swap3A_1353 = arith.constant 2 : i32
    %swap3A_1354 = arith.index_cast %swap3A_1353 : i32 to index
    %swap3A_1355 = arith.constant 0 : index
    %swap3A_1356 = tpu.vector_load %arg10[%swap3A_1354, %swap3A_1355] {strides = array<i32>} : memref<8x16xf32, #tpu.memory_space<vmem>>, vector<16xf32>,
    tpu.vector_store %arg10[%swap3A_1354, %swap3A_1355], %add3A_1352 {strides = array<i32>} : memref<8x16xf32, #tpu.memory_space<vmem>>, vector<16xf32>,
    %get3A_1357 = arith.constant 3 : i32
    %get3A_1358 = arith.index_cast %get3A_1357 : i32 to index
    %get3A_1359 = arith.constant 0 : index
    %get3A_1360 = tpu.vector_load %arg10[%get3A_1358, %get3A_1359] {strides = array<i32>} : memref<8x16xf32, #tpu.memory_space<vmem>>, vector<16xf32>,
    %get3A_1361 = arith.constant 3 : i32
    %get3A_1362 = arith.index_cast %get3A_1361 : i32 to index
    %get3A_1363 = arith.constant 0 : index
    %get3A_1364 = tpu.vector_load %arg9[%get3A_1362, %get3A_1363] {strides = array<i32>} : memref<8x16xf32, #tpu.memory_space<vmem>>, vector<16xf32>,
    %add3A_1365 = arith.addf %get3A_1360, %get3A_1364 : vector<16xf32>
    %swap3A_1366 = arith.constant 3 : i32
    %swap3A_1367 = arith.index_cast %swap3A_1366 : i32 to index
    %swap3A_1368 = arith.constant 0 : index
    %swap3A_1369 = tpu.vector_load %arg10[%swap3A_1367, %swap3A_1368] {strides = array<i32>} : memref<8x16xf32, #tpu.memory_space<vmem>>, vector<16xf32>,
    tpu.vector_store %arg10[%swap3A_1367, %swap3A_1368], %add3A_1365 {strides = array<i32>} : memref<8x16xf32, #tpu.memory_space<vmem>>, vector<16xf32>,
    %get3A_1370 = arith.constant 4 : i32
    %get3A_1371 = arith.index_cast %get3A_1370 : i32 to index
    %get3A_1372 = arith.constant 0 : index
    %get3A_1373 = tpu.vector_load %arg10[%get3A_1371, %get3A_1372] {strides = array<i32>} : memref<8x16xf32, #tpu.memory_space<vmem>>, vector<16xf32>,
    %get3A_1374 = arith.constant 4 : i32
    %get3A_1375 = arith.index_cast %get3A_1374 : i32 to index
    %get3A_1376 = arith.constant 0 : index
    %get3A_1377 = tpu.vector_load %arg9[%get3A_1375, %get3A_1376] {strides = array<i32>} : memref<8x16xf32, #tpu.memory_space<vmem>>, vector<16xf32>,
    %add3A_1378 = arith.addf %get3A_1373, %get3A_1377 : vector<16xf32>
    %swap3A_1379 = arith.constant 4 : i32
    %swap3A_1380 = arith.index_cast %swap3A_1379 : i32 to index
    %swap3A_1381 = arith.constant 0 : index
    %swap3A_1382 = tpu.vector_load %arg10[%swap3A_1380, %swap3A_1381] {strides = array<i32>} : memref<8x16xf32, #tpu.memory_space<vmem>>, vector<16xf32>,
    tpu.vector_store %arg10[%swap3A_1380, %swap3A_1381], %add3A_1378 {strides = array<i32>} : memref<8x16xf32, #tpu.memory_space<vmem>>, vector<16xf32>,
    %get3A_1383 = arith.constant 5 : i32
    %get3A_1384 = arith.index_cast %get3A_1383 : i32 to index
    %get3A_1385 = arith.constant 0 : index
    %get3A_1386 = tpu.vector_load %arg10[%get3A_1384, %get3A_1385] {strides = array<i32>} : memref<8x16xf32, #tpu.memory_space<vmem>>, vector<16xf32>,
    %get3A_1387 = arith.constant 5 : i32
    %get3A_1388 = arith.index_cast %get3A_1387 : i32 to index
    %get3A_1389 = arith.constant 0 : index
    %get3A_1390 = tpu.vector_load %arg9[%get3A_1388, %get3A_1389] {strides = array<i32>} : memref<8x16xf32, #tpu.memory_space<vmem>>, vector<16xf32>,
    %add3A_1391 = arith.addf %get3A_1386, %get3A_1390 : vector<16xf32>
    %swap3A_1392 = arith.constant 5 : i32
    %swap3A_1393 = arith.index_cast %swap3A_1392 : i32 to index
    %swap3A_1394 = arith.constant 0 : index
    %swap3A_1395 = tpu.vector_load %arg10[%swap3A_1393, %swap3A_1394] {strides = array<i32>} : memref<8x16xf32, #tpu.memory_space<vmem>>, vector<16xf32>,
    tpu.vector_store %arg10[%swap3A_1393, %swap3A_1394], %add3A_1391 {strides = array<i32>} : memref<8x16xf32, #tpu.memory_space<vmem>>, vector<16xf32>,
    %get3A_1396 = arith.constant 6 : i32
    %get3A_1397 = arith.index_cast %get3A_1396 : i32 to index
    %get3A_1398 = arith.constant 0 : index
    %get3A_1399 = tpu.vector_load %arg10[%get3A_1397, %get3A_1398] {strides = array<i32>} : memref<8x16xf32, #tpu.memory_space<vmem>>, vector<16xf32>,
    %get3A_1400 = arith.constant 6 : i32
    %get3A_1401 = arith.index_cast %get3A_1400 : i32 to index
    %get3A_1402 = arith.constant 0 : index
    %get3A_1403 = tpu.vector_load %arg9[%get3A_1401, %get3A_1402] {strides = array<i32>} : memref<8x16xf32, #tpu.memory_space<vmem>>, vector<16xf32>,
    %add3A_1404 = arith.addf %get3A_1399, %get3A_1403 : vector<16xf32>
    %swap3A_1405 = arith.constant 6 : i32
    %swap3A_1406 = arith.index_cast %swap3A_1405 : i32 to index
    %swap3A_1407 = arith.constant 0 : index
    %swap3A_1408 = tpu.vector_load %arg10[%swap3A_1406, %swap3A_1407] {strides = array<i32>} : memref<8x16xf32, #tpu.memory_space<vmem>>, vector<16xf32>,
    tpu.vector_store %arg10[%swap3A_1406, %swap3A_1407], %add3A_1404 {strides = array<i32>} : memref<8x16xf32, #tpu.memory_space<vmem>>, vector<16xf32>,
    %get3A_1409 = arith.constant 7 : i32
    %get3A_1410 = arith.index_cast %get3A_1409 : i32 to index
    %get3A_1411 = arith.constant 0 : index
    %get3A_1412 = tpu.vector_load %arg10[%get3A_1410, %get3A_1411] {strides = array<i32>} : memref<8x16xf32, #tpu.memory_space<vmem>>, vector<16xf32>,
    %get3A_1413 = arith.constant 7 : i32
    %get3A_1414 = arith.index_cast %get3A_1413 : i32 to index
    %get3A_1415 = arith.constant 0 : index
    %get3A_1416 = tpu.vector_load %arg9[%get3A_1414, %get3A_1415] {strides = array<i32>} : memref<8x16xf32, #tpu.memory_space<vmem>>, vector<16xf32>,
    %add3A_1417 = arith.addf %get3A_1412, %get3A_1416 : vector<16xf32>
    %swap3A_1418 = arith.constant 7 : i32
    %swap3A_1419 = arith.index_cast %swap3A_1418 : i32 to index
    %swap3A_1420 = arith.constant 0 : index
    %swap3A_1421 = tpu.vector_load %arg10[%swap3A_1419, %swap3A_1420] {strides = array<i32>} : memref<8x16xf32, #tpu.memory_space<vmem>>, vector<16xf32>,
    tpu.vector_store %arg10[%swap3A_1419, %swap3A_1420], %add3A_1417 {strides = array<i32>} : memref<8x16xf32, #tpu.memory_space<vmem>>, vector<16xf32>,
    %run_scoped3A_1422 = arith.constant 13 : i32
    "tpu.region"() ({
      %run_scoped3A_1737 = tpu.sem_alloc : memref<!tpu.dma_semaphore, #tpu.memory_space<semaphore_mem>>
      %dma_start3A = arith.constant 0 : i32
      %dma_start3A_1738 = tpu.memref_slice %arg11[%run_scoped3A_1422, %mul3A_27, %dma_start3A] : memref<16x128x16xf32, #tpu.memory_space<vmem_shared>> -> memref<1x8x16xf32, #tpu.memory_space<vmem_shared>>
      %dma_start3A_1739 = tpu.memref_squeeze %dma_start3A_1738 : memref<1x8x16xf32, #tpu.memory_space<vmem_shared>> -> memref<8x16xf32, #tpu.memory_space<vmem_shared>>
      %dma_start3A_1740 = arith.constant 0 : i32
      %dma_start3A_1741 = tpu.memref_slice %arg11[%run_scoped3A_1422, %mul3A_27, %dma_start3A_1740] : memref<16x128x16xf32, #tpu.memory_space<vmem_shared>> -> memref<1x8x16xf32, #tpu.memory_space<vmem_shared>>
      %dma_start3A_1742 = tpu.memref_squeeze %dma_start3A_1741 : memref<1x8x16xf32, #tpu.memory_space<vmem_shared>> -> memref<8x16xf32, #tpu.memory_space<vmem_shared>>
      tpu.enqueue_dma source(%dma_start3A_1742 : memref<8x16xf32, #tpu.memory_space<vmem_shared>>) target(%arg9 : memref<8x16xf32, #tpu.memory_space<vmem>>) target_semaphore(%run_scoped3A_1737 : memref<!tpu.dma_semaphore, #tpu.memory_space<semaphore_mem>>)
      %dma_wait3A = arith.constant 0 : i32
      %dma_wait3A_1743 = tpu.memref_slice %arg11[%run_scoped3A_1422, %mul3A_27, %dma_wait3A] : memref<16x128x16xf32, #tpu.memory_space<vmem_shared>> -> memref<1x8x16xf32, #tpu.memory_space<vmem_shared>>
      %dma_wait3A_1744 = tpu.memref_squeeze %dma_wait3A_1743 : memref<1x8x16xf32, #tpu.memory_space<vmem_shared>> -> memref<8x16xf32, #tpu.memory_space<vmem_shared>>
      %dma_wait3A_1745 = arith.constant 0 : i32
      %dma_wait3A_1746 = tpu.memref_slice %arg11[%run_scoped3A_1422, %mul3A_27, %dma_wait3A_1745] : memref<16x128x16xf32, #tpu.memory_space<vmem_shared>> -> memref<1x8x16xf32, #tpu.memory_space<vmem_shared>>
      %dma_wait3A_1747 = tpu.memref_squeeze %dma_wait3A_1746 : memref<1x8x16xf32, #tpu.memory_space<vmem_shared>> -> memref<8x16xf32, #tpu.memory_space<vmem_shared>>
      tpu.wait_dma2 semaphore(%run_scoped3A_1737 : memref<!tpu.dma_semaphore, #tpu.memory_space<semaphore_mem>>) src(%dma_wait3A_1747 : memref<8x16xf32, #tpu.memory_space<vmem_shared>>) dst(%arg9 : memref<8x16xf32, #tpu.memory_space<vmem>>)
      tpu.yield
    }) : () -> ()
    %get3A_1423 = arith.constant 0 : i32
    %get3A_1424 = arith.index_cast %get3A_1423 : i32 to index
    %get3A_1425 = arith.constant 0 : index
    %get3A_1426 = tpu.vector_load %arg10[%get3A_1424, %get3A_1425] {strides = array<i32>} : memref<8x16xf32, #tpu.memory_space<vmem>>, vector<16xf32>,
    %get3A_1427 = arith.constant 0 : i32
    %get3A_1428 = arith.index_cast %get3A_1427 : i32 to index
    %get3A_1429 = arith.constant 0 : index
    %get3A_1430 = tpu.vector_load %arg9[%get3A_1428, %get3A_1429] {strides = array<i32>} : memref<8x16xf32, #tpu.memory_space<vmem>>, vector<16xf32>,
    %add3A_1431 = arith.addf %get3A_1426, %get3A_1430 : vector<16xf32>
    %swap3A_1432 = arith.constant 0 : i32
    %swap3A_1433 = arith.index_cast %swap3A_1432 : i32 to index
    %swap3A_1434 = arith.constant 0 : index
    %swap3A_1435 = tpu.vector_load %arg10[%swap3A_1433, %swap3A_1434] {strides = array<i32>} : memref<8x16xf32, #tpu.memory_space<vmem>>, vector<16xf32>,
    tpu.vector_store %arg10[%swap3A_1433, %swap3A_1434], %add3A_1431 {strides = array<i32>} : memref<8x16xf32, #tpu.memory_space<vmem>>, vector<16xf32>,
    %get3A_1436 = arith.constant 1 : i32
    %get3A_1437 = arith.index_cast %get3A_1436 : i32 to index
    %get3A_1438 = arith.constant 0 : index
    %get3A_1439 = tpu.vector_load %arg10[%get3A_1437, %get3A_1438] {strides = array<i32>} : memref<8x16xf32, #tpu.memory_space<vmem>>, vector<16xf32>,
    %get3A_1440 = arith.constant 1 : i32
    %get3A_1441 = arith.index_cast %get3A_1440 : i32 to index
    %get3A_1442 = arith.constant 0 : index
    %get3A_1443 = tpu.vector_load %arg9[%get3A_1441, %get3A_1442] {strides = array<i32>} : memref<8x16xf32, #tpu.memory_space<vmem>>, vector<16xf32>,
    %add3A_1444 = arith.addf %get3A_1439, %get3A_1443 : vector<16xf32>
    %swap3A_1445 = arith.constant 1 : i32
    %swap3A_1446 = arith.index_cast %swap3A_1445 : i32 to index
    %swap3A_1447 = arith.constant 0 : index
    %swap3A_1448 = tpu.vector_load %arg10[%swap3A_1446, %swap3A_1447] {strides = array<i32>} : memref<8x16xf32, #tpu.memory_space<vmem>>, vector<16xf32>,
    tpu.vector_store %arg10[%swap3A_1446, %swap3A_1447], %add3A_1444 {strides = array<i32>} : memref<8x16xf32, #tpu.memory_space<vmem>>, vector<16xf32>,
    %get3A_1449 = arith.constant 2 : i32
    %get3A_1450 = arith.index_cast %get3A_1449 : i32 to index
    %get3A_1451 = arith.constant 0 : index
    %get3A_1452 = tpu.vector_load %arg10[%get3A_1450, %get3A_1451] {strides = array<i32>} : memref<8x16xf32, #tpu.memory_space<vmem>>, vector<16xf32>,
    %get3A_1453 = arith.constant 2 : i32
    %get3A_1454 = arith.index_cast %get3A_1453 : i32 to index
    %get3A_1455 = arith.constant 0 : index
    %get3A_1456 = tpu.vector_load %arg9[%get3A_1454, %get3A_1455] {strides = array<i32>} : memref<8x16xf32, #tpu.memory_space<vmem>>, vector<16xf32>,
    %add3A_1457 = arith.addf %get3A_1452, %get3A_1456 : vector<16xf32>
    %swap3A_1458 = arith.constant 2 : i32
    %swap3A_1459 = arith.index_cast %swap3A_1458 : i32 to index
    %swap3A_1460 = arith.constant 0 : index
    %swap3A_1461 = tpu.vector_load %arg10[%swap3A_1459, %swap3A_1460] {strides = array<i32>} : memref<8x16xf32, #tpu.memory_space<vmem>>, vector<16xf32>,
    tpu.vector_store %arg10[%swap3A_1459, %swap3A_1460], %add3A_1457 {strides = array<i32>} : memref<8x16xf32, #tpu.memory_space<vmem>>, vector<16xf32>,
    %get3A_1462 = arith.constant 3 : i32
    %get3A_1463 = arith.index_cast %get3A_1462 : i32 to index
    %get3A_1464 = arith.constant 0 : index
    %get3A_1465 = tpu.vector_load %arg10[%get3A_1463, %get3A_1464] {strides = array<i32>} : memref<8x16xf32, #tpu.memory_space<vmem>>, vector<16xf32>,
    %get3A_1466 = arith.constant 3 : i32
    %get3A_1467 = arith.index_cast %get3A_1466 : i32 to index
    %get3A_1468 = arith.constant 0 : index
    %get3A_1469 = tpu.vector_load %arg9[%get3A_1467, %get3A_1468] {strides = array<i32>} : memref<8x16xf32, #tpu.memory_space<vmem>>, vector<16xf32>,
    %add3A_1470 = arith.addf %get3A_1465, %get3A_1469 : vector<16xf32>
    %swap3A_1471 = arith.constant 3 : i32
    %swap3A_1472 = arith.index_cast %swap3A_1471 : i32 to index
    %swap3A_1473 = arith.constant 0 : index
    %swap3A_1474 = tpu.vector_load %arg10[%swap3A_1472, %swap3A_1473] {strides = array<i32>} : memref<8x16xf32, #tpu.memory_space<vmem>>, vector<16xf32>,
    tpu.vector_store %arg10[%swap3A_1472, %swap3A_1473], %add3A_1470 {strides = array<i32>} : memref<8x16xf32, #tpu.memory_space<vmem>>, vector<16xf32>,
    %get3A_1475 = arith.constant 4 : i32
    %get3A_1476 = arith.index_cast %get3A_1475 : i32 to index
    %get3A_1477 = arith.constant 0 : index
    %get3A_1478 = tpu.vector_load %arg10[%get3A_1476, %get3A_1477] {strides = array<i32>} : memref<8x16xf32, #tpu.memory_space<vmem>>, vector<16xf32>,
    %get3A_1479 = arith.constant 4 : i32
    %get3A_1480 = arith.index_cast %get3A_1479 : i32 to index
    %get3A_1481 = arith.constant 0 : index
    %get3A_1482 = tpu.vector_load %arg9[%get3A_1480, %get3A_1481] {strides = array<i32>} : memref<8x16xf32, #tpu.memory_space<vmem>>, vector<16xf32>,
    %add3A_1483 = arith.addf %get3A_1478, %get3A_1482 : vector<16xf32>
    %swap3A_1484 = arith.constant 4 : i32
    %swap3A_1485 = arith.index_cast %swap3A_1484 : i32 to index
    %swap3A_1486 = arith.constant 0 : index
    %swap3A_1487 = tpu.vector_load %arg10[%swap3A_1485, %swap3A_1486] {strides = array<i32>} : memref<8x16xf32, #tpu.memory_space<vmem>>, vector<16xf32>,
    tpu.vector_store %arg10[%swap3A_1485, %swap3A_1486], %add3A_1483 {strides = array<i32>} : memref<8x16xf32, #tpu.memory_space<vmem>>, vector<16xf32>,
    %get3A_1488 = arith.constant 5 : i32
    %get3A_1489 = arith.index_cast %get3A_1488 : i32 to index
    %get3A_1490 = arith.constant 0 : index
    %get3A_1491 = tpu.vector_load %arg10[%get3A_1489, %get3A_1490] {strides = array<i32>} : memref<8x16xf32, #tpu.memory_space<vmem>>, vector<16xf32>,
    %get3A_1492 = arith.constant 5 : i32
    %get3A_1493 = arith.index_cast %get3A_1492 : i32 to index
    %get3A_1494 = arith.constant 0 : index
    %get3A_1495 = tpu.vector_load %arg9[%get3A_1493, %get3A_1494] {strides = array<i32>} : memref<8x16xf32, #tpu.memory_space<vmem>>, vector<16xf32>,
    %add3A_1496 = arith.addf %get3A_1491, %get3A_1495 : vector<16xf32>
    %swap3A_1497 = arith.constant 5 : i32
    %swap3A_1498 = arith.index_cast %swap3A_1497 : i32 to index
    %swap3A_1499 = arith.constant 0 : index
    %swap3A_1500 = tpu.vector_load %arg10[%swap3A_1498, %swap3A_1499] {strides = array<i32>} : memref<8x16xf32, #tpu.memory_space<vmem>>, vector<16xf32>,
    tpu.vector_store %arg10[%swap3A_1498, %swap3A_1499], %add3A_1496 {strides = array<i32>} : memref<8x16xf32, #tpu.memory_space<vmem>>, vector<16xf32>,
    %get3A_1501 = arith.constant 6 : i32
    %get3A_1502 = arith.index_cast %get3A_1501 : i32 to index
    %get3A_1503 = arith.constant 0 : index
    %get3A_1504 = tpu.vector_load %arg10[%get3A_1502, %get3A_1503] {strides = array<i32>} : memref<8x16xf32, #tpu.memory_space<vmem>>, vector<16xf32>,
    %get3A_1505 = arith.constant 6 : i32
    %get3A_1506 = arith.index_cast %get3A_1505 : i32 to index
    %get3A_1507 = arith.constant 0 : index
    %get3A_1508 = tpu.vector_load %arg9[%get3A_1506, %get3A_1507] {strides = array<i32>} : memref<8x16xf32, #tpu.memory_space<vmem>>, vector<16xf32>,
    %add3A_1509 = arith.addf %get3A_1504, %get3A_1508 : vector<16xf32>
    %swap3A_1510 = arith.constant 6 : i32
    %swap3A_1511 = arith.index_cast %swap3A_1510 : i32 to index
    %swap3A_1512 = arith.constant 0 : index
    %swap3A_1513 = tpu.vector_load %arg10[%swap3A_1511, %swap3A_1512] {strides = array<i32>} : memref<8x16xf32, #tpu.memory_space<vmem>>, vector<16xf32>,
    tpu.vector_store %arg10[%swap3A_1511, %swap3A_1512], %add3A_1509 {strides = array<i32>} : memref<8x16xf32, #tpu.memory_space<vmem>>, vector<16xf32>,
    %get3A_1514 = arith.constant 7 : i32
    %get3A_1515 = arith.index_cast %get3A_1514 : i32 to index
    %get3A_1516 = arith.constant 0 : index
    %get3A_1517 = tpu.vector_load %arg10[%get3A_1515, %get3A_1516] {strides = array<i32>} : memref<8x16xf32, #tpu.memory_space<vmem>>, vector<16xf32>,
    %get3A_1518 = arith.constant 7 : i32
    %get3A_1519 = arith.index_cast %get3A_1518 : i32 to index
    %get3A_1520 = arith.constant 0 : index
    %get3A_1521 = tpu.vector_load %arg9[%get3A_1519, %get3A_1520] {strides = array<i32>} : memref<8x16xf32, #tpu.memory_space<vmem>>, vector<16xf32>,
    %add3A_1522 = arith.addf %get3A_1517, %get3A_1521 : vector<16xf32>
    %swap3A_1523 = arith.constant 7 : i32
    %swap3A_1524 = arith.index_cast %swap3A_1523 : i32 to index
    %swap3A_1525 = arith.constant 0 : index
    %swap3A_1526 = tpu.vector_load %arg10[%swap3A_1524, %swap3A_1525] {strides = array<i32>} : memref<8x16xf32, #tpu.memory_space<vmem>>, vector<16xf32>,
    tpu.vector_store %arg10[%swap3A_1524, %swap3A_1525], %add3A_1522 {strides = array<i32>} : memref<8x16xf32, #tpu.memory_space<vmem>>, vector<16xf32>,
    %run_scoped3A_1527 = arith.constant 14 : i32
    "tpu.region"() ({
      %run_scoped3A_1737 = tpu.sem_alloc : memref<!tpu.dma_semaphore, #tpu.memory_space<semaphore_mem>>
      %dma_start3A = arith.constant 0 : i32
      %dma_start3A_1738 = tpu.memref_slice %arg11[%run_scoped3A_1527, %mul3A_27, %dma_start3A] : memref<16x128x16xf32, #tpu.memory_space<vmem_shared>> -> memref<1x8x16xf32, #tpu.memory_space<vmem_shared>>
      %dma_start3A_1739 = tpu.memref_squeeze %dma_start3A_1738 : memref<1x8x16xf32, #tpu.memory_space<vmem_shared>> -> memref<8x16xf32, #tpu.memory_space<vmem_shared>>
      %dma_start3A_1740 = arith.constant 0 : i32
      %dma_start3A_1741 = tpu.memref_slice %arg11[%run_scoped3A_1527, %mul3A_27, %dma_start3A_1740] : memref<16x128x16xf32, #tpu.memory_space<vmem_shared>> -> memref<1x8x16xf32, #tpu.memory_space<vmem_shared>>
      %dma_start3A_1742 = tpu.memref_squeeze %dma_start3A_1741 : memref<1x8x16xf32, #tpu.memory_space<vmem_shared>> -> memref<8x16xf32, #tpu.memory_space<vmem_shared>>
      tpu.enqueue_dma source(%dma_start3A_1742 : memref<8x16xf32, #tpu.memory_space<vmem_shared>>) target(%arg9 : memref<8x16xf32, #tpu.memory_space<vmem>>) target_semaphore(%run_scoped3A_1737 : memref<!tpu.dma_semaphore, #tpu.memory_space<semaphore_mem>>)
      %dma_wait3A = arith.constant 0 : i32
      %dma_wait3A_1743 = tpu.memref_slice %arg11[%run_scoped3A_1527, %mul3A_27, %dma_wait3A] : memref<16x128x16xf32, #tpu.memory_space<vmem_shared>> -> memref<1x8x16xf32, #tpu.memory_space<vmem_shared>>
      %dma_wait3A_1744 = tpu.memref_squeeze %dma_wait3A_1743 : memref<1x8x16xf32, #tpu.memory_space<vmem_shared>> -> memref<8x16xf32, #tpu.memory_space<vmem_shared>>
      %dma_wait3A_1745 = arith.constant 0 : i32
      %dma_wait3A_1746 = tpu.memref_slice %arg11[%run_scoped3A_1527, %mul3A_27, %dma_wait3A_1745] : memref<16x128x16xf32, #tpu.memory_space<vmem_shared>> -> memref<1x8x16xf32, #tpu.memory_space<vmem_shared>>
      %dma_wait3A_1747 = tpu.memref_squeeze %dma_wait3A_1746 : memref<1x8x16xf32, #tpu.memory_space<vmem_shared>> -> memref<8x16xf32, #tpu.memory_space<vmem_shared>>
      tpu.wait_dma2 semaphore(%run_scoped3A_1737 : memref<!tpu.dma_semaphore, #tpu.memory_space<semaphore_mem>>) src(%dma_wait3A_1747 : memref<8x16xf32, #tpu.memory_space<vmem_shared>>) dst(%arg9 : memref<8x16xf32, #tpu.memory_space<vmem>>)
      tpu.yield
    }) : () -> ()
    %get3A_1528 = arith.constant 0 : i32
    %get3A_1529 = arith.index_cast %get3A_1528 : i32 to index
    %get3A_1530 = arith.constant 0 : index
    %get3A_1531 = tpu.vector_load %arg10[%get3A_1529, %get3A_1530] {strides = array<i32>} : memref<8x16xf32, #tpu.memory_space<vmem>>, vector<16xf32>,
    %get3A_1532 = arith.constant 0 : i32
    %get3A_1533 = arith.index_cast %get3A_1532 : i32 to index
    %get3A_1534 = arith.constant 0 : index
    %get3A_1535 = tpu.vector_load %arg9[%get3A_1533, %get3A_1534] {strides = array<i32>} : memref<8x16xf32, #tpu.memory_space<vmem>>, vector<16xf32>,
    %add3A_1536 = arith.addf %get3A_1531, %get3A_1535 : vector<16xf32>
    %swap3A_1537 = arith.constant 0 : i32
    %swap3A_1538 = arith.index_cast %swap3A_1537 : i32 to index
    %swap3A_1539 = arith.constant 0 : index
    %swap3A_1540 = tpu.vector_load %arg10[%swap3A_1538, %swap3A_1539] {strides = array<i32>} : memref<8x16xf32, #tpu.memory_space<vmem>>, vector<16xf32>,
    tpu.vector_store %arg10[%swap3A_1538, %swap3A_1539], %add3A_1536 {strides = array<i32>} : memref<8x16xf32, #tpu.memory_space<vmem>>, vector<16xf32>,
    %get3A_1541 = arith.constant 1 : i32
    %get3A_1542 = arith.index_cast %get3A_1541 : i32 to index
    %get3A_1543 = arith.constant 0 : index
    %get3A_1544 = tpu.vector_load %arg10[%get3A_1542, %get3A_1543] {strides = array<i32>} : memref<8x16xf32, #tpu.memory_space<vmem>>, vector<16xf32>,
    %get3A_1545 = arith.constant 1 : i32
    %get3A_1546 = arith.index_cast %get3A_1545 : i32 to index
    %get3A_1547 = arith.constant 0 : index
    %get3A_1548 = tpu.vector_load %arg9[%get3A_1546, %get3A_1547] {strides = array<i32>} : memref<8x16xf32, #tpu.memory_space<vmem>>, vector<16xf32>,
    %add3A_1549 = arith.addf %get3A_1544, %get3A_1548 : vector<16xf32>
    %swap3A_1550 = arith.constant 1 : i32
    %swap3A_1551 = arith.index_cast %swap3A_1550 : i32 to index
    %swap3A_1552 = arith.constant 0 : index
    %swap3A_1553 = tpu.vector_load %arg10[%swap3A_1551, %swap3A_1552] {strides = array<i32>} : memref<8x16xf32, #tpu.memory_space<vmem>>, vector<16xf32>,
    tpu.vector_store %arg10[%swap3A_1551, %swap3A_1552], %add3A_1549 {strides = array<i32>} : memref<8x16xf32, #tpu.memory_space<vmem>>, vector<16xf32>,
    %get3A_1554 = arith.constant 2 : i32
    %get3A_1555 = arith.index_cast %get3A_1554 : i32 to index
    %get3A_1556 = arith.constant 0 : index
    %get3A_1557 = tpu.vector_load %arg10[%get3A_1555, %get3A_1556] {strides = array<i32>} : memref<8x16xf32, #tpu.memory_space<vmem>>, vector<16xf32>,
    %get3A_1558 = arith.constant 2 : i32
    %get3A_1559 = arith.index_cast %get3A_1558 : i32 to index
    %get3A_1560 = arith.constant 0 : index
    %get3A_1561 = tpu.vector_load %arg9[%get3A_1559, %get3A_1560] {strides = array<i32>} : memref<8x16xf32, #tpu.memory_space<vmem>>, vector<16xf32>,
    %add3A_1562 = arith.addf %get3A_1557, %get3A_1561 : vector<16xf32>
    %swap3A_1563 = arith.constant 2 : i32
    %swap3A_1564 = arith.index_cast %swap3A_1563 : i32 to index
    %swap3A_1565 = arith.constant 0 : index
    %swap3A_1566 = tpu.vector_load %arg10[%swap3A_1564, %swap3A_1565] {strides = array<i32>} : memref<8x16xf32, #tpu.memory_space<vmem>>, vector<16xf32>,
    tpu.vector_store %arg10[%swap3A_1564, %swap3A_1565], %add3A_1562 {strides = array<i32>} : memref<8x16xf32, #tpu.memory_space<vmem>>, vector<16xf32>,
    %get3A_1567 = arith.constant 3 : i32
    %get3A_1568 = arith.index_cast %get3A_1567 : i32 to index
    %get3A_1569 = arith.constant 0 : index
    %get3A_1570 = tpu.vector_load %arg10[%get3A_1568, %get3A_1569] {strides = array<i32>} : memref<8x16xf32, #tpu.memory_space<vmem>>, vector<16xf32>,
    %get3A_1571 = arith.constant 3 : i32
    %get3A_1572 = arith.index_cast %get3A_1571 : i32 to index
    %get3A_1573 = arith.constant 0 : index
    %get3A_1574 = tpu.vector_load %arg9[%get3A_1572, %get3A_1573] {strides = array<i32>} : memref<8x16xf32, #tpu.memory_space<vmem>>, vector<16xf32>,
    %add3A_1575 = arith.addf %get3A_1570, %get3A_1574 : vector<16xf32>
    %swap3A_1576 = arith.constant 3 : i32
    %swap3A_1577 = arith.index_cast %swap3A_1576 : i32 to index
    %swap3A_1578 = arith.constant 0 : index
    %swap3A_1579 = tpu.vector_load %arg10[%swap3A_1577, %swap3A_1578] {strides = array<i32>} : memref<8x16xf32, #tpu.memory_space<vmem>>, vector<16xf32>,
    tpu.vector_store %arg10[%swap3A_1577, %swap3A_1578], %add3A_1575 {strides = array<i32>} : memref<8x16xf32, #tpu.memory_space<vmem>>, vector<16xf32>,
    %get3A_1580 = arith.constant 4 : i32
    %get3A_1581 = arith.index_cast %get3A_1580 : i32 to index
    %get3A_1582 = arith.constant 0 : index
    %get3A_1583 = tpu.vector_load %arg10[%get3A_1581, %get3A_1582] {strides = array<i32>} : memref<8x16xf32, #tpu.memory_space<vmem>>, vector<16xf32>,
    %get3A_1584 = arith.constant 4 : i32
    %get3A_1585 = arith.index_cast %get3A_1584 : i32 to index
    %get3A_1586 = arith.constant 0 : index
    %get3A_1587 = tpu.vector_load %arg9[%get3A_1585, %get3A_1586] {strides = array<i32>} : memref<8x16xf32, #tpu.memory_space<vmem>>, vector<16xf32>,
    %add3A_1588 = arith.addf %get3A_1583, %get3A_1587 : vector<16xf32>
    %swap3A_1589 = arith.constant 4 : i32
    %swap3A_1590 = arith.index_cast %swap3A_1589 : i32 to index
    %swap3A_1591 = arith.constant 0 : index
    %swap3A_1592 = tpu.vector_load %arg10[%swap3A_1590, %swap3A_1591] {strides = array<i32>} : memref<8x16xf32, #tpu.memory_space<vmem>>, vector<16xf32>,
    tpu.vector_store %arg10[%swap3A_1590, %swap3A_1591], %add3A_1588 {strides = array<i32>} : memref<8x16xf32, #tpu.memory_space<vmem>>, vector<16xf32>,
    %get3A_1593 = arith.constant 5 : i32
    %get3A_1594 = arith.index_cast %get3A_1593 : i32 to index
    %get3A_1595 = arith.constant 0 : index
    %get3A_1596 = tpu.vector_load %arg10[%get3A_1594, %get3A_1595] {strides = array<i32>} : memref<8x16xf32, #tpu.memory_space<vmem>>, vector<16xf32>,
    %get3A_1597 = arith.constant 5 : i32
    %get3A_1598 = arith.index_cast %get3A_1597 : i32 to index
    %get3A_1599 = arith.constant 0 : index
    %get3A_1600 = tpu.vector_load %arg9[%get3A_1598, %get3A_1599] {strides = array<i32>} : memref<8x16xf32, #tpu.memory_space<vmem>>, vector<16xf32>,
    %add3A_1601 = arith.addf %get3A_1596, %get3A_1600 : vector<16xf32>
    %swap3A_1602 = arith.constant 5 : i32
    %swap3A_1603 = arith.index_cast %swap3A_1602 : i32 to index
    %swap3A_1604 = arith.constant 0 : index
    %swap3A_1605 = tpu.vector_load %arg10[%swap3A_1603, %swap3A_1604] {strides = array<i32>} : memref<8x16xf32, #tpu.memory_space<vmem>>, vector<16xf32>,
    tpu.vector_store %arg10[%swap3A_1603, %swap3A_1604], %add3A_1601 {strides = array<i32>} : memref<8x16xf32, #tpu.memory_space<vmem>>, vector<16xf32>,
    %get3A_1606 = arith.constant 6 : i32
    %get3A_1607 = arith.index_cast %get3A_1606 : i32 to index
    %get3A_1608 = arith.constant 0 : index
    %get3A_1609 = tpu.vector_load %arg10[%get3A_1607, %get3A_1608] {strides = array<i32>} : memref<8x16xf32, #tpu.memory_space<vmem>>, vector<16xf32>,
    %get3A_1610 = arith.constant 6 : i32
    %get3A_1611 = arith.index_cast %get3A_1610 : i32 to index
    %get3A_1612 = arith.constant 0 : index
    %get3A_1613 = tpu.vector_load %arg9[%get3A_1611, %get3A_1612] {strides = array<i32>} : memref<8x16xf32, #tpu.memory_space<vmem>>, vector<16xf32>,
    %add3A_1614 = arith.addf %get3A_1609, %get3A_1613 : vector<16xf32>
    %swap3A_1615 = arith.constant 6 : i32
    %swap3A_1616 = arith.index_cast %swap3A_1615 : i32 to index
    %swap3A_1617 = arith.constant 0 : index
    %swap3A_1618 = tpu.vector_load %arg10[%swap3A_1616, %swap3A_1617] {strides = array<i32>} : memref<8x16xf32, #tpu.memory_space<vmem>>, vector<16xf32>,
    tpu.vector_store %arg10[%swap3A_1616, %swap3A_1617], %add3A_1614 {strides = array<i32>} : memref<8x16xf32, #tpu.memory_space<vmem>>, vector<16xf32>,
    %get3A_1619 = arith.constant 7 : i32
    %get3A_1620 = arith.index_cast %get3A_1619 : i32 to index
    %get3A_1621 = arith.constant 0 : index
    %get3A_1622 = tpu.vector_load %arg10[%get3A_1620, %get3A_1621] {strides = array<i32>} : memref<8x16xf32, #tpu.memory_space<vmem>>, vector<16xf32>,
    %get3A_1623 = arith.constant 7 : i32
    %get3A_1624 = arith.index_cast %get3A_1623 : i32 to index
    %get3A_1625 = arith.constant 0 : index
    %get3A_1626 = tpu.vector_load %arg9[%get3A_1624, %get3A_1625] {strides = array<i32>} : memref<8x16xf32, #tpu.memory_space<vmem>>, vector<16xf32>,
    %add3A_1627 = arith.addf %get3A_1622, %get3A_1626 : vector<16xf32>
    %swap3A_1628 = arith.constant 7 : i32
    %swap3A_1629 = arith.index_cast %swap3A_1628 : i32 to index
    %swap3A_1630 = arith.constant 0 : index
    %swap3A_1631 = tpu.vector_load %arg10[%swap3A_1629, %swap3A_1630] {strides = array<i32>} : memref<8x16xf32, #tpu.memory_space<vmem>>, vector<16xf32>,
    tpu.vector_store %arg10[%swap3A_1629, %swap3A_1630], %add3A_1627 {strides = array<i32>} : memref<8x16xf32, #tpu.memory_space<vmem>>, vector<16xf32>,
    %run_scoped3A_1632 = arith.constant 15 : i32
    "tpu.region"() ({
      %run_scoped3A_1737 = tpu.sem_alloc : memref<!tpu.dma_semaphore, #tpu.memory_space<semaphore_mem>>
      %dma_start3A = arith.constant 0 : i32
      %dma_start3A_1738 = tpu.memref_slice %arg11[%run_scoped3A_1632, %mul3A_27, %dma_start3A] : memref<16x128x16xf32, #tpu.memory_space<vmem_shared>> -> memref<1x8x16xf32, #tpu.memory_space<vmem_shared>>
      %dma_start3A_1739 = tpu.memref_squeeze %dma_start3A_1738 : memref<1x8x16xf32, #tpu.memory_space<vmem_shared>> -> memref<8x16xf32, #tpu.memory_space<vmem_shared>>
      %dma_start3A_1740 = arith.constant 0 : i32
      %dma_start3A_1741 = tpu.memref_slice %arg11[%run_scoped3A_1632, %mul3A_27, %dma_start3A_1740] : memref<16x128x16xf32, #tpu.memory_space<vmem_shared>> -> memref<1x8x16xf32, #tpu.memory_space<vmem_shared>>
      %dma_start3A_1742 = tpu.memref_squeeze %dma_start3A_1741 : memref<1x8x16xf32, #tpu.memory_space<vmem_shared>> -> memref<8x16xf32, #tpu.memory_space<vmem_shared>>
      tpu.enqueue_dma source(%dma_start3A_1742 : memref<8x16xf32, #tpu.memory_space<vmem_shared>>) target(%arg9 : memref<8x16xf32, #tpu.memory_space<vmem>>) target_semaphore(%run_scoped3A_1737 : memref<!tpu.dma_semaphore, #tpu.memory_space<semaphore_mem>>)
      %dma_wait3A = arith.constant 0 : i32
      %dma_wait3A_1743 = tpu.memref_slice %arg11[%run_scoped3A_1632, %mul3A_27, %dma_wait3A] : memref<16x128x16xf32, #tpu.memory_space<vmem_shared>> -> memref<1x8x16xf32, #tpu.memory_space<vmem_shared>>
      %dma_wait3A_1744 = tpu.memref_squeeze %dma_wait3A_1743 : memref<1x8x16xf32, #tpu.memory_space<vmem_shared>> -> memref<8x16xf32, #tpu.memory_space<vmem_shared>>
      %dma_wait3A_1745 = arith.constant 0 : i32
      %dma_wait3A_1746 = tpu.memref_slice %arg11[%run_scoped3A_1632, %mul3A_27, %dma_wait3A_1745] : memref<16x128x16xf32, #tpu.memory_space<vmem_shared>> -> memref<1x8x16xf32, #tpu.memory_space<vmem_shared>>
      %dma_wait3A_1747 = tpu.memref_squeeze %dma_wait3A_1746 : memref<1x8x16xf32, #tpu.memory_space<vmem_shared>> -> memref<8x16xf32, #tpu.memory_space<vmem_shared>>
      tpu.wait_dma2 semaphore(%run_scoped3A_1737 : memref<!tpu.dma_semaphore, #tpu.memory_space<semaphore_mem>>) src(%dma_wait3A_1747 : memref<8x16xf32, #tpu.memory_space<vmem_shared>>) dst(%arg9 : memref<8x16xf32, #tpu.memory_space<vmem>>)
      tpu.yield
    }) : () -> ()
    %get3A_1633 = arith.constant 0 : i32
    %get3A_1634 = arith.index_cast %get3A_1633 : i32 to index
    %get3A_1635 = arith.constant 0 : index
    %get3A_1636 = tpu.vector_load %arg10[%get3A_1634, %get3A_1635] {strides = array<i32>} : memref<8x16xf32, #tpu.memory_space<vmem>>, vector<16xf32>,
    %get3A_1637 = arith.constant 0 : i32
    %get3A_1638 = arith.index_cast %get3A_1637 : i32 to index
    %get3A_1639 = arith.constant 0 : index
    %get3A_1640 = tpu.vector_load %arg9[%get3A_1638, %get3A_1639] {strides = array<i32>} : memref<8x16xf32, #tpu.memory_space<vmem>>, vector<16xf32>,
    %add3A_1641 = arith.addf %get3A_1636, %get3A_1640 : vector<16xf32>
    %swap3A_1642 = arith.constant 0 : i32
    %swap3A_1643 = arith.index_cast %swap3A_1642 : i32 to index
    %swap3A_1644 = arith.constant 0 : index
    %swap3A_1645 = tpu.vector_load %arg10[%swap3A_1643, %swap3A_1644] {strides = array<i32>} : memref<8x16xf32, #tpu.memory_space<vmem>>, vector<16xf32>,
    tpu.vector_store %arg10[%swap3A_1643, %swap3A_1644], %add3A_1641 {strides = array<i32>} : memref<8x16xf32, #tpu.memory_space<vmem>>, vector<16xf32>,
    %get3A_1646 = arith.constant 1 : i32
    %get3A_1647 = arith.index_cast %get3A_1646 : i32 to index
    %get3A_1648 = arith.constant 0 : index
    %get3A_1649 = tpu.vector_load %arg10[%get3A_1647, %get3A_1648] {strides = array<i32>} : memref<8x16xf32, #tpu.memory_space<vmem>>, vector<16xf32>,
    %get3A_1650 = arith.constant 1 : i32
    %get3A_1651 = arith.index_cast %get3A_1650 : i32 to index
    %get3A_1652 = arith.constant 0 : index
    %get3A_1653 = tpu.vector_load %arg9[%get3A_1651, %get3A_1652] {strides = array<i32>} : memref<8x16xf32, #tpu.memory_space<vmem>>, vector<16xf32>,
    %add3A_1654 = arith.addf %get3A_1649, %get3A_1653 : vector<16xf32>
    %swap3A_1655 = arith.constant 1 : i32
    %swap3A_1656 = arith.index_cast %swap3A_1655 : i32 to index
    %swap3A_1657 = arith.constant 0 : index
    %swap3A_1658 = tpu.vector_load %arg10[%swap3A_1656, %swap3A_1657] {strides = array<i32>} : memref<8x16xf32, #tpu.memory_space<vmem>>, vector<16xf32>,
    tpu.vector_store %arg10[%swap3A_1656, %swap3A_1657], %add3A_1654 {strides = array<i32>} : memref<8x16xf32, #tpu.memory_space<vmem>>, vector<16xf32>,
    %get3A_1659 = arith.constant 2 : i32
    %get3A_1660 = arith.index_cast %get3A_1659 : i32 to index
    %get3A_1661 = arith.constant 0 : index
    %get3A_1662 = tpu.vector_load %arg10[%get3A_1660, %get3A_1661] {strides = array<i32>} : memref<8x16xf32, #tpu.memory_space<vmem>>, vector<16xf32>,
    %get3A_1663 = arith.constant 2 : i32
    %get3A_1664 = arith.index_cast %get3A_1663 : i32 to index
    %get3A_1665 = arith.constant 0 : index
    %get3A_1666 = tpu.vector_load %arg9[%get3A_1664, %get3A_1665] {strides = array<i32>} : memref<8x16xf32, #tpu.memory_space<vmem>>, vector<16xf32>,
    %add3A_1667 = arith.addf %get3A_1662, %get3A_1666 : vector<16xf32>
    %swap3A_1668 = arith.constant 2 : i32
    %swap3A_1669 = arith.index_cast %swap3A_1668 : i32 to index
    %swap3A_1670 = arith.constant 0 : index
    %swap3A_1671 = tpu.vector_load %arg10[%swap3A_1669, %swap3A_1670] {strides = array<i32>} : memref<8x16xf32, #tpu.memory_space<vmem>>, vector<16xf32>,
    tpu.vector_store %arg10[%swap3A_1669, %swap3A_1670], %add3A_1667 {strides = array<i32>} : memref<8x16xf32, #tpu.memory_space<vmem>>, vector<16xf32>,
    %get3A_1672 = arith.constant 3 : i32
    %get3A_1673 = arith.index_cast %get3A_1672 : i32 to index
    %get3A_1674 = arith.constant 0 : index
    %get3A_1675 = tpu.vector_load %arg10[%get3A_1673, %get3A_1674] {strides = array<i32>} : memref<8x16xf32, #tpu.memory_space<vmem>>, vector<16xf32>,
    %get3A_1676 = arith.constant 3 : i32
    %get3A_1677 = arith.index_cast %get3A_1676 : i32 to index
    %get3A_1678 = arith.constant 0 : index
    %get3A_1679 = tpu.vector_load %arg9[%get3A_1677, %get3A_1678] {strides = array<i32>} : memref<8x16xf32, #tpu.memory_space<vmem>>, vector<16xf32>,
    %add3A_1680 = arith.addf %get3A_1675, %get3A_1679 : vector<16xf32>
    %swap3A_1681 = arith.constant 3 : i32
    %swap3A_1682 = arith.index_cast %swap3A_1681 : i32 to index
    %swap3A_1683 = arith.constant 0 : index
    %swap3A_1684 = tpu.vector_load %arg10[%swap3A_1682, %swap3A_1683] {strides = array<i32>} : memref<8x16xf32, #tpu.memory_space<vmem>>, vector<16xf32>,
    tpu.vector_store %arg10[%swap3A_1682, %swap3A_1683], %add3A_1680 {strides = array<i32>} : memref<8x16xf32, #tpu.memory_space<vmem>>, vector<16xf32>,
    %get3A_1685 = arith.constant 4 : i32
    %get3A_1686 = arith.index_cast %get3A_1685 : i32 to index
    %get3A_1687 = arith.constant 0 : index
    %get3A_1688 = tpu.vector_load %arg10[%get3A_1686, %get3A_1687] {strides = array<i32>} : memref<8x16xf32, #tpu.memory_space<vmem>>, vector<16xf32>,
    %get3A_1689 = arith.constant 4 : i32
    %get3A_1690 = arith.index_cast %get3A_1689 : i32 to index
    %get3A_1691 = arith.constant 0 : index
    %get3A_1692 = tpu.vector_load %arg9[%get3A_1690, %get3A_1691] {strides = array<i32>} : memref<8x16xf32, #tpu.memory_space<vmem>>, vector<16xf32>,
    %add3A_1693 = arith.addf %get3A_1688, %get3A_1692 : vector<16xf32>
    %swap3A_1694 = arith.constant 4 : i32
    %swap3A_1695 = arith.index_cast %swap3A_1694 : i32 to index
    %swap3A_1696 = arith.constant 0 : index
    %swap3A_1697 = tpu.vector_load %arg10[%swap3A_1695, %swap3A_1696] {strides = array<i32>} : memref<8x16xf32, #tpu.memory_space<vmem>>, vector<16xf32>,
    tpu.vector_store %arg10[%swap3A_1695, %swap3A_1696], %add3A_1693 {strides = array<i32>} : memref<8x16xf32, #tpu.memory_space<vmem>>, vector<16xf32>,
    %get3A_1698 = arith.constant 5 : i32
    %get3A_1699 = arith.index_cast %get3A_1698 : i32 to index
    %get3A_1700 = arith.constant 0 : index
    %get3A_1701 = tpu.vector_load %arg10[%get3A_1699, %get3A_1700] {strides = array<i32>} : memref<8x16xf32, #tpu.memory_space<vmem>>, vector<16xf32>,
    %get3A_1702 = arith.constant 5 : i32
    %get3A_1703 = arith.index_cast %get3A_1702 : i32 to index
    %get3A_1704 = arith.constant 0 : index
    %get3A_1705 = tpu.vector_load %arg9[%get3A_1703, %get3A_1704] {strides = array<i32>} : memref<8x16xf32, #tpu.memory_space<vmem>>, vector<16xf32>,
    %add3A_1706 = arith.addf %get3A_1701, %get3A_1705 : vector<16xf32>
    %swap3A_1707 = arith.constant 5 : i32
    %swap3A_1708 = arith.index_cast %swap3A_1707 : i32 to index
    %swap3A_1709 = arith.constant 0 : index
    %swap3A_1710 = tpu.vector_load %arg10[%swap3A_1708, %swap3A_1709] {strides = array<i32>} : memref<8x16xf32, #tpu.memory_space<vmem>>, vector<16xf32>,
    tpu.vector_store %arg10[%swap3A_1708, %swap3A_1709], %add3A_1706 {strides = array<i32>} : memref<8x16xf32, #tpu.memory_space<vmem>>, vector<16xf32>,
    %get3A_1711 = arith.constant 6 : i32
    %get3A_1712 = arith.index_cast %get3A_1711 : i32 to index
    %get3A_1713 = arith.constant 0 : index
    %get3A_1714 = tpu.vector_load %arg10[%get3A_1712, %get3A_1713] {strides = array<i32>} : memref<8x16xf32, #tpu.memory_space<vmem>>, vector<16xf32>,
    %get3A_1715 = arith.constant 6 : i32
    %get3A_1716 = arith.index_cast %get3A_1715 : i32 to index
    %get3A_1717 = arith.constant 0 : index
    %get3A_1718 = tpu.vector_load %arg9[%get3A_1716, %get3A_1717] {strides = array<i32>} : memref<8x16xf32, #tpu.memory_space<vmem>>, vector<16xf32>,
    %add3A_1719 = arith.addf %get3A_1714, %get3A_1718 : vector<16xf32>
    %swap3A_1720 = arith.constant 6 : i32
    %swap3A_1721 = arith.index_cast %swap3A_1720 : i32 to index
    %swap3A_1722 = arith.constant 0 : index
    %swap3A_1723 = tpu.vector_load %arg10[%swap3A_1721, %swap3A_1722] {strides = array<i32>} : memref<8x16xf32, #tpu.memory_space<vmem>>, vector<16xf32>,
    tpu.vector_store %arg10[%swap3A_1721, %swap3A_1722], %add3A_1719 {strides = array<i32>} : memref<8x16xf32, #tpu.memory_space<vmem>>, vector<16xf32>,
    %get3A_1724 = arith.constant 7 : i32
    %get3A_1725 = arith.index_cast %get3A_1724 : i32 to index
    %get3A_1726 = arith.constant 0 : index
    %get3A_1727 = tpu.vector_load %arg10[%get3A_1725, %get3A_1726] {strides = array<i32>} : memref<8x16xf32, #tpu.memory_space<vmem>>, vector<16xf32>,
    %get3A_1728 = arith.constant 7 : i32
    %get3A_1729 = arith.index_cast %get3A_1728 : i32 to index
    %get3A_1730 = arith.constant 0 : index
    %get3A_1731 = tpu.vector_load %arg9[%get3A_1729, %get3A_1730] {strides = array<i32>} : memref<8x16xf32, #tpu.memory_space<vmem>>, vector<16xf32>,
    %add3A_1732 = arith.addf %get3A_1727, %get3A_1731 : vector<16xf32>
    %swap3A_1733 = arith.constant 7 : i32
    %swap3A_1734 = arith.index_cast %swap3A_1733 : i32 to index
    %swap3A_1735 = arith.constant 0 : index
    %swap3A_1736 = tpu.vector_load %arg10[%swap3A_1734, %swap3A_1735] {strides = array<i32>} : memref<8x16xf32, #tpu.memory_space<vmem>>, vector<16xf32>,
    tpu.vector_store %arg10[%swap3A_1734, %swap3A_1735], %add3A_1732 {strides = array<i32>} : memref<8x16xf32, #tpu.memory_space<vmem>>, vector<16xf32>,
    "tpu.region"() ({
      %run_scoped3A_1737 = tpu.sem_alloc : memref<!tpu.dma_semaphore, #tpu.memory_space<semaphore_mem>>
      %dma_start3A = arith.constant 0 : i32
      %dma_start3A_1738 = tpu.memref_slice %arg4[%arg0, %mul3A_27, %dma_start3A] : memref<2x128x16xf32, #tpu.memory_space<hbm>> -> memref<1x8x16xf32, #tpu.memory_space<hbm>>
      %dma_start3A_1739 = tpu.memref_squeeze %dma_start3A_1738 : memref<1x8x16xf32, #tpu.memory_space<hbm>> -> memref<8x16xf32, #tpu.memory_space<hbm>>
      %dma_start3A_1740 = arith.constant 0 : i32
      %dma_start3A_1741 = tpu.memref_slice %arg4[%arg0, %mul3A_27, %dma_start3A_1740] : memref<2x128x16xf32, #tpu.memory_space<hbm>> -> memref<1x8x16xf32, #tpu.memory_space<hbm>>
      %dma_start3A_1742 = tpu.memref_squeeze %dma_start3A_1741 : memref<1x8x16xf32, #tpu.memory_space<hbm>> -> memref<8x16xf32, #tpu.memory_space<hbm>>
      tpu.enqueue_dma source(%arg10 : memref<8x16xf32, #tpu.memory_space<vmem>>) target(%dma_start3A_1742 : memref<8x16xf32, #tpu.memory_space<hbm>>) target_semaphore(%run_scoped3A_1737 : memref<!tpu.dma_semaphore, #tpu.memory_space<semaphore_mem>>)
      %dma_wait3A = arith.constant 0 : i32
      %dma_wait3A_1743 = tpu.memref_slice %arg4[%arg0, %mul3A_27, %dma_wait3A] : memref<2x128x16xf32, #tpu.memory_space<hbm>> -> memref<1x8x16xf32, #tpu.memory_space<hbm>>
      %dma_wait3A_1744 = tpu.memref_squeeze %dma_wait3A_1743 : memref<1x8x16xf32, #tpu.memory_space<hbm>> -> memref<8x16xf32, #tpu.memory_space<hbm>>
      %dma_wait3A_1745 = arith.constant 0 : i32
      %dma_wait3A_1746 = tpu.memref_slice %arg4[%arg0, %mul3A_27, %dma_wait3A_1745] : memref<2x128x16xf32, #tpu.memory_space<hbm>> -> memref<1x8x16xf32, #tpu.memory_space<hbm>>
      %dma_wait3A_1747 = tpu.memref_squeeze %dma_wait3A_1746 : memref<1x8x16xf32, #tpu.memory_space<hbm>> -> memref<8x16xf32, #tpu.memory_space<hbm>>
      tpu.wait_dma2 semaphore(%run_scoped3A_1737 : memref<!tpu.dma_semaphore, #tpu.memory_space<semaphore_mem>>) src(%arg10 : memref<8x16xf32, #tpu.memory_space<vmem>>) dst(%dma_wait3A_1747 : memref<8x16xf32, #tpu.memory_space<hbm>>)
      tpu.yield
    }) : () -> ()
    return
  }
}

module attributes {stable_mosaic.version = 14 : i64} {
  func.func @_tc_body(%arg0: i32, %arg1: memref<256x128xf32, #tpu.memory_space<vmem>>, %arg2: memref<1024x128xf32, #tpu.memory_space<vmem>>, %arg3: memref<256x8xf32, #tpu.memory_space<vmem>>, %arg4: memref<256x8xi32, #tpu.memory_space<vmem>>, %arg5: memref<256x8xf32, #tpu.memory_space<vmem>>, %arg6: memref<1x1xf32, #tpu.memory_space<smem>>, %arg7: memref<1x1024xf32, #tpu.memory_space<vmem>>) attributes {dimension_semantics = [#tpu.dimension_semantics<arbitrary>], iteration_bounds = array<i64: 64>, scalar_prefetch = 0 : i64, scratch_operands = 1 : i64, tpu.core_type = #tpu.core_type<tc>, window_params = [{transform_indices = @transform_0, window_bounds = array<i64: 256, 128>}, {pipeline_mode = #tpu.pipeline_mode<synchronous>, transform_indices = @transform_1, window_bounds = array<i64: 1024, 128>}, {transform_indices = @transform_2, window_bounds = array<i64: 256, 8>}, {transform_indices = @transform_3, window_bounds = array<i64: 256, 8>}, {transform_indices = @transform_4, window_bounds = array<i64: 256, 8>}, {transform_indices = @transform_5, window_bounds = array<i64: 1, 1>}]} {
    %eq3A = arith.constant 0 : i32
    %eq3A_0 = arith.cmpi eq, %arg0, %eq3A : i32
    %convert_element_type3A = arith.extui %eq3A_0 : i1 to i32
    %cond3A = arith.constant 0 : i32
    %cond3A_1 = arith.cmpi ne, %convert_element_type3A, %cond3A : i32
    scf.if %cond3A_1 {
      %swap3A_222 = arith.constant 0.000000e+00 : f32
      %swap3A_223 = arith.constant 0 : index
      %swap3A_224 = arith.constant 0 : index
      %swap3A_225 = memref.load %arg6[%swap3A_223, %swap3A_224] : memref<1x1xf32, #tpu.memory_space<smem>>
      memref.store %swap3A_222, %arg6[%swap3A_223, %swap3A_224] : memref<1x1xf32, #tpu.memory_space<smem>>
      %get3A_226 = arith.constant 0 : index
      %get3A_227 = arith.constant 0 : index
      %get3A_228 = vector.load %arg2[%get3A_226, %get3A_227] : memref<1024x128xf32, #tpu.memory_space<vmem>>, vector<1024x128xf32>
      %mul3A_229 = arith.mulf %get3A_228, %get3A_228 : vector<1024x128xf32>
      %reduce_sum3A_230 = arith.constant dense<0.000000e+00> : vector<1024xf32>
      %reduce_sum3A_231 = vector.multi_reduction <add>, %mul3A_229, %reduce_sum3A_230 [1] : vector<1024x128xf32> to vector<1024xf32>
      %broadcast_in_dim3A_232 = vector.shape_cast %reduce_sum3A_231 : vector<1024xf32> to vector<1x1024xf32>
      %iota3A_233 = tpu.iota {dimensions = array<i32: 1>} : vector<1x1024xi32>
      %mul3A_234 = arith.constant -5.000000e-01 : f32
      %mul3A_235 = vector.broadcast %mul3A_234 : f32 to vector<1x1024xf32>
      %mul3A_236 = arith.mulf %mul3A_235, %broadcast_in_dim3A_232 : vector<1x1024xf32>
      %log3A_237 = arith.constant 6.28318548 : f32
      %log3A_238 = math.log %log3A_237 : f32
      %mul3A_239 = arith.constant 6.400000e+01 : f32
      %mul3A_240 = arith.mulf %mul3A_239, %log3A_238 : f32
      %sub3A_241 = vector.broadcast %mul3A_240 : f32 to vector<1x1024xf32>
      %sub3A_242 = arith.subf %mul3A_236, %sub3A_241 : vector<1x1024xf32>
      %lt3A = arith.constant 1000 : i32
      %lt3A_243 = vector.broadcast %lt3A : i32 to vector<1x1024xi32>
      %lt3A_244 = arith.cmpi slt, %iota3A_233, %lt3A_243 : vector<1x1024xi32>
      %jit3A_245 = arith.constant 0xFF800000 : f32
      %broadcast_in_dim3A_246 = vector.broadcast %jit3A_245 : f32 to vector<1x1024xf32>
      %select_n3A_247 = arith.select %lt3A_244, %sub3A_242, %broadcast_in_dim3A_246 : vector<1x1024xi1>, vector<1x1024xf32>
      %swap3A_248 = arith.constant 0 : index
      %swap3A_249 = arith.constant 0 : index
      %swap3A_250 = vector.load %arg7[%swap3A_248, %swap3A_249] : memref<1x1024xf32, #tpu.memory_space<vmem>>, vector<1x1024xf32>
      tpu.vector_store %arg7[%swap3A_248, %swap3A_249], %select_n3A_247 {strides = array<i32>} : memref<1x1024xf32, #tpu.memory_space<vmem>>, vector<1x1024xf32>,
    } else {
    }
    %get3A = arith.constant 0 : index
    %get3A_2 = arith.constant 0 : index
    %get3A_3 = vector.load %arg1[%get3A, %get3A_2] : memref<256x128xf32, #tpu.memory_space<vmem>>, vector<256x128xf32>
    %mul3A = arith.mulf %get3A_3, %get3A_3 : vector<256x128xf32>
    %reduce_sum3A = arith.constant dense<0.000000e+00> : vector<256xf32>
    %reduce_sum3A_4 = vector.multi_reduction <add>, %mul3A, %reduce_sum3A [1] : vector<256x128xf32> to vector<256xf32>
    %broadcast_in_dim3A = vector.shape_cast %reduce_sum3A_4 : vector<256xf32> to vector<256x1xf32>
    %get3A_5 = arith.constant 0 : index
    %get3A_6 = arith.constant 0 : index
    %get3A_7 = vector.load %arg2[%get3A_5, %get3A_6] : memref<1024x128xf32, #tpu.memory_space<vmem>>, vector<1024x128xf32>
    %dot_general3A = arith.constant dense<0.000000e+00> : vector<256x1024xf32>
    %dot_general3A_8 = tpu.matmul %get3A_3, %get3A_7, %dot_general3A {dimension_numbers = #tpu.dot_dimension_numbers<[1], [1], [0], [0], [0, 0, 1, 0], [], []>, transpose_lhs_hint = false} : vector<256x128xf32>, vector<1024x128xf32>, vector<256x1024xf32> -> vector<256x1024xf32>
    %get3A_9 = arith.constant 0 : index
    %get3A_10 = arith.constant 0 : index
    %get3A_11 = vector.load %arg7[%get3A_9, %get3A_10] : memref<1x1024xf32, #tpu.memory_space<vmem>>, vector<1x1024xf32>
    %add3A = vector.broadcast %get3A_11 : vector<1x1024xf32> to vector<256x1024xf32>
    %add3A_12 = arith.addf %dot_general3A_8, %add3A : vector<256x1024xf32>
    %mul3A_13 = arith.constant 5.000000e-01 : f32
    %mul3A_14 = vector.broadcast %mul3A_13 : f32 to vector<256x1xf32>
    %mul3A_15 = arith.mulf %mul3A_14, %broadcast_in_dim3A : vector<256x1xf32>
    %sub3A = vector.broadcast %mul3A_15 : vector<256x1xf32> to vector<256x1024xf32>
    %sub3A_16 = arith.subf %add3A_12, %sub3A : vector<256x1024xf32>
    %iota3A = tpu.iota {dimensions = array<i32: 1>} : vector<256x1024xi32>
    %convert_element_type3A_17 = arith.sitofp %iota3A : vector<256x1024xi32> to vector<256x1024xf32>
    %reduce_max3A = arith.constant dense<0xFF800000> : vector<256xf32>
    %reduce_max3A_18 = vector.multi_reduction <maximumf>, %sub3A_16, %reduce_max3A [1] : vector<256x1024xf32> to vector<256xf32>
    %broadcast_in_dim3A_19 = vector.shape_cast %reduce_max3A_18 : vector<256xf32> to vector<256x1xf32>
    %eq3A_20 = vector.broadcast %broadcast_in_dim3A_19 : vector<256x1xf32> to vector<256x1024xf32>
    %eq3A_21 = arith.cmpf oeq, %sub3A_16, %eq3A_20 : vector<256x1024xf32>
    %jit3A = arith.constant 2.048000e+03 : f32
    %broadcast_in_dim3A_22 = vector.broadcast %jit3A : f32 to vector<256x1024xf32>
    %select_n3A = arith.select %eq3A_21, %convert_element_type3A_17, %broadcast_in_dim3A_22 : vector<256x1024xi1>, vector<256x1024xf32>
    %reduce_min3A = arith.constant dense<0x7F800000> : vector<256xf32>
    %reduce_min3A_23 = vector.multi_reduction <minimumf>, %select_n3A, %reduce_min3A [1] : vector<256x1024xf32> to vector<256xf32>
    %broadcast_in_dim3A_24 = vector.shape_cast %reduce_min3A_23 : vector<256xf32> to vector<256x1xf32>
    %eq3A_25 = vector.broadcast %broadcast_in_dim3A_24 : vector<256x1xf32> to vector<256x1024xf32>
    %eq3A_26 = arith.cmpf oeq, %select_n3A, %eq3A_25 : vector<256x1024xf32>
    %jit3A_27 = arith.constant 0xFF800000 : f32
    %broadcast_in_dim3A_28 = vector.broadcast %jit3A_27 : f32 to vector<256x1024xf32>
    %select_n3A_29 = arith.select %eq3A_26, %broadcast_in_dim3A_28, %sub3A_16 : vector<256x1024xi1>, vector<256x1024xf32>
    %swap3A = arith.constant 0 : index
    %swap3A_30 = arith.constant 0 : index
    %swap3A_31 = vector.load %arg3[%swap3A, %swap3A_30] : memref<256x8xf32, #tpu.memory_space<vmem>>, vector<256x1xf32>
    tpu.vector_store %arg3[%swap3A, %swap3A_30], %broadcast_in_dim3A_19 {strides = array<i32>} : memref<256x8xf32, #tpu.memory_space<vmem>>, vector<256x1xf32>,
    %convert_element_type3A_32 = arith.fptosi %broadcast_in_dim3A_24 : vector<256x1xf32> to vector<256x1xi32>
    %swap3A_33 = arith.constant 0 : index
    %swap3A_34 = arith.constant 0 : index
    %swap3A_35 = vector.load %arg4[%swap3A_33, %swap3A_34] : memref<256x8xi32, #tpu.memory_space<vmem>>, vector<256x1xi32>
    tpu.vector_store %arg4[%swap3A_33, %swap3A_34], %convert_element_type3A_32 {strides = array<i32>} : memref<256x8xi32, #tpu.memory_space<vmem>>, vector<256x1xi32>,
    %reduce_max3A_36 = arith.constant dense<0xFF800000> : vector<256xf32>
    %reduce_max3A_37 = vector.multi_reduction <maximumf>, %select_n3A_29, %reduce_max3A_36 [1] : vector<256x1024xf32> to vector<256xf32>
    %broadcast_in_dim3A_38 = vector.shape_cast %reduce_max3A_37 : vector<256xf32> to vector<256x1xf32>
    %eq3A_39 = vector.broadcast %broadcast_in_dim3A_38 : vector<256x1xf32> to vector<256x1024xf32>
    %eq3A_40 = arith.cmpf oeq, %select_n3A_29, %eq3A_39 : vector<256x1024xf32>
    %jit3A_41 = arith.constant 2.048000e+03 : f32
    %broadcast_in_dim3A_42 = vector.broadcast %jit3A_41 : f32 to vector<256x1024xf32>
    %select_n3A_43 = arith.select %eq3A_40, %convert_element_type3A_17, %broadcast_in_dim3A_42 : vector<256x1024xi1>, vector<256x1024xf32>
    %reduce_min3A_44 = arith.constant dense<0x7F800000> : vector<256xf32>
    %reduce_min3A_45 = vector.multi_reduction <minimumf>, %select_n3A_43, %reduce_min3A_44 [1] : vector<256x1024xf32> to vector<256xf32>
    %broadcast_in_dim3A_46 = vector.shape_cast %reduce_min3A_45 : vector<256xf32> to vector<256x1xf32>
    %eq3A_47 = vector.broadcast %broadcast_in_dim3A_46 : vector<256x1xf32> to vector<256x1024xf32>
    %eq3A_48 = arith.cmpf oeq, %select_n3A_43, %eq3A_47 : vector<256x1024xf32>
    %jit3A_49 = arith.constant 0xFF800000 : f32
    %broadcast_in_dim3A_50 = vector.broadcast %jit3A_49 : f32 to vector<256x1024xf32>
    %select_n3A_51 = arith.select %eq3A_48, %broadcast_in_dim3A_50, %select_n3A_29 : vector<256x1024xi1>, vector<256x1024xf32>
    %swap3A_52 = arith.constant 0 : index
    %swap3A_53 = arith.constant 1 : index
    %swap3A_54 = vector.load %arg3[%swap3A_52, %swap3A_53] : memref<256x8xf32, #tpu.memory_space<vmem>>, vector<256x1xf32>
    tpu.vector_store %arg3[%swap3A_52, %swap3A_53], %broadcast_in_dim3A_38 {strides = array<i32>} : memref<256x8xf32, #tpu.memory_space<vmem>>, vector<256x1xf32>,
    %convert_element_type3A_55 = arith.fptosi %broadcast_in_dim3A_46 : vector<256x1xf32> to vector<256x1xi32>
    %swap3A_56 = arith.constant 0 : index
    %swap3A_57 = arith.constant 1 : index
    %swap3A_58 = vector.load %arg4[%swap3A_56, %swap3A_57] : memref<256x8xi32, #tpu.memory_space<vmem>>, vector<256x1xi32>
    tpu.vector_store %arg4[%swap3A_56, %swap3A_57], %convert_element_type3A_55 {strides = array<i32>} : memref<256x8xi32, #tpu.memory_space<vmem>>, vector<256x1xi32>,
    %reduce_max3A_59 = arith.constant dense<0xFF800000> : vector<256xf32>
    %reduce_max3A_60 = vector.multi_reduction <maximumf>, %select_n3A_51, %reduce_max3A_59 [1] : vector<256x1024xf32> to vector<256xf32>
    %broadcast_in_dim3A_61 = vector.shape_cast %reduce_max3A_60 : vector<256xf32> to vector<256x1xf32>
    %eq3A_62 = vector.broadcast %broadcast_in_dim3A_61 : vector<256x1xf32> to vector<256x1024xf32>
    %eq3A_63 = arith.cmpf oeq, %select_n3A_51, %eq3A_62 : vector<256x1024xf32>
    %jit3A_64 = arith.constant 2.048000e+03 : f32
    %broadcast_in_dim3A_65 = vector.broadcast %jit3A_64 : f32 to vector<256x1024xf32>
    %select_n3A_66 = arith.select %eq3A_63, %convert_element_type3A_17, %broadcast_in_dim3A_65 : vector<256x1024xi1>, vector<256x1024xf32>
    %reduce_min3A_67 = arith.constant dense<0x7F800000> : vector<256xf32>
    %reduce_min3A_68 = vector.multi_reduction <minimumf>, %select_n3A_66, %reduce_min3A_67 [1] : vector<256x1024xf32> to vector<256xf32>
    %broadcast_in_dim3A_69 = vector.shape_cast %reduce_min3A_68 : vector<256xf32> to vector<256x1xf32>
    %eq3A_70 = vector.broadcast %broadcast_in_dim3A_69 : vector<256x1xf32> to vector<256x1024xf32>
    %eq3A_71 = arith.cmpf oeq, %select_n3A_66, %eq3A_70 : vector<256x1024xf32>
    %jit3A_72 = arith.constant 0xFF800000 : f32
    %broadcast_in_dim3A_73 = vector.broadcast %jit3A_72 : f32 to vector<256x1024xf32>
    %select_n3A_74 = arith.select %eq3A_71, %broadcast_in_dim3A_73, %select_n3A_51 : vector<256x1024xi1>, vector<256x1024xf32>
    %swap3A_75 = arith.constant 0 : index
    %swap3A_76 = arith.constant 2 : index
    %swap3A_77 = vector.load %arg3[%swap3A_75, %swap3A_76] : memref<256x8xf32, #tpu.memory_space<vmem>>, vector<256x1xf32>
    tpu.vector_store %arg3[%swap3A_75, %swap3A_76], %broadcast_in_dim3A_61 {strides = array<i32>} : memref<256x8xf32, #tpu.memory_space<vmem>>, vector<256x1xf32>,
    %convert_element_type3A_78 = arith.fptosi %broadcast_in_dim3A_69 : vector<256x1xf32> to vector<256x1xi32>
    %swap3A_79 = arith.constant 0 : index
    %swap3A_80 = arith.constant 2 : index
    %swap3A_81 = vector.load %arg4[%swap3A_79, %swap3A_80] : memref<256x8xi32, #tpu.memory_space<vmem>>, vector<256x1xi32>
    tpu.vector_store %arg4[%swap3A_79, %swap3A_80], %convert_element_type3A_78 {strides = array<i32>} : memref<256x8xi32, #tpu.memory_space<vmem>>, vector<256x1xi32>,
    %reduce_max3A_82 = arith.constant dense<0xFF800000> : vector<256xf32>
    %reduce_max3A_83 = vector.multi_reduction <maximumf>, %select_n3A_74, %reduce_max3A_82 [1] : vector<256x1024xf32> to vector<256xf32>
    %broadcast_in_dim3A_84 = vector.shape_cast %reduce_max3A_83 : vector<256xf32> to vector<256x1xf32>
    %eq3A_85 = vector.broadcast %broadcast_in_dim3A_84 : vector<256x1xf32> to vector<256x1024xf32>
    %eq3A_86 = arith.cmpf oeq, %select_n3A_74, %eq3A_85 : vector<256x1024xf32>
    %jit3A_87 = arith.constant 2.048000e+03 : f32
    %broadcast_in_dim3A_88 = vector.broadcast %jit3A_87 : f32 to vector<256x1024xf32>
    %select_n3A_89 = arith.select %eq3A_86, %convert_element_type3A_17, %broadcast_in_dim3A_88 : vector<256x1024xi1>, vector<256x1024xf32>
    %reduce_min3A_90 = arith.constant dense<0x7F800000> : vector<256xf32>
    %reduce_min3A_91 = vector.multi_reduction <minimumf>, %select_n3A_89, %reduce_min3A_90 [1] : vector<256x1024xf32> to vector<256xf32>
    %broadcast_in_dim3A_92 = vector.shape_cast %reduce_min3A_91 : vector<256xf32> to vector<256x1xf32>
    %eq3A_93 = vector.broadcast %broadcast_in_dim3A_92 : vector<256x1xf32> to vector<256x1024xf32>
    %eq3A_94 = arith.cmpf oeq, %select_n3A_89, %eq3A_93 : vector<256x1024xf32>
    %jit3A_95 = arith.constant 0xFF800000 : f32
    %broadcast_in_dim3A_96 = vector.broadcast %jit3A_95 : f32 to vector<256x1024xf32>
    %select_n3A_97 = arith.select %eq3A_94, %broadcast_in_dim3A_96, %select_n3A_74 : vector<256x1024xi1>, vector<256x1024xf32>
    %swap3A_98 = arith.constant 0 : index
    %swap3A_99 = arith.constant 3 : index
    %swap3A_100 = vector.load %arg3[%swap3A_98, %swap3A_99] : memref<256x8xf32, #tpu.memory_space<vmem>>, vector<256x1xf32>
    tpu.vector_store %arg3[%swap3A_98, %swap3A_99], %broadcast_in_dim3A_84 {strides = array<i32>} : memref<256x8xf32, #tpu.memory_space<vmem>>, vector<256x1xf32>,
    %convert_element_type3A_101 = arith.fptosi %broadcast_in_dim3A_92 : vector<256x1xf32> to vector<256x1xi32>
    %swap3A_102 = arith.constant 0 : index
    %swap3A_103 = arith.constant 3 : index
    %swap3A_104 = vector.load %arg4[%swap3A_102, %swap3A_103] : memref<256x8xi32, #tpu.memory_space<vmem>>, vector<256x1xi32>
    tpu.vector_store %arg4[%swap3A_102, %swap3A_103], %convert_element_type3A_101 {strides = array<i32>} : memref<256x8xi32, #tpu.memory_space<vmem>>, vector<256x1xi32>,
    %reduce_max3A_105 = arith.constant dense<0xFF800000> : vector<256xf32>
    %reduce_max3A_106 = vector.multi_reduction <maximumf>, %select_n3A_97, %reduce_max3A_105 [1] : vector<256x1024xf32> to vector<256xf32>
    %broadcast_in_dim3A_107 = vector.shape_cast %reduce_max3A_106 : vector<256xf32> to vector<256x1xf32>
    %eq3A_108 = vector.broadcast %broadcast_in_dim3A_107 : vector<256x1xf32> to vector<256x1024xf32>
    %eq3A_109 = arith.cmpf oeq, %select_n3A_97, %eq3A_108 : vector<256x1024xf32>
    %jit3A_110 = arith.constant 2.048000e+03 : f32
    %broadcast_in_dim3A_111 = vector.broadcast %jit3A_110 : f32 to vector<256x1024xf32>
    %select_n3A_112 = arith.select %eq3A_109, %convert_element_type3A_17, %broadcast_in_dim3A_111 : vector<256x1024xi1>, vector<256x1024xf32>
    %reduce_min3A_113 = arith.constant dense<0x7F800000> : vector<256xf32>
    %reduce_min3A_114 = vector.multi_reduction <minimumf>, %select_n3A_112, %reduce_min3A_113 [1] : vector<256x1024xf32> to vector<256xf32>
    %broadcast_in_dim3A_115 = vector.shape_cast %reduce_min3A_114 : vector<256xf32> to vector<256x1xf32>
    %eq3A_116 = vector.broadcast %broadcast_in_dim3A_115 : vector<256x1xf32> to vector<256x1024xf32>
    %eq3A_117 = arith.cmpf oeq, %select_n3A_112, %eq3A_116 : vector<256x1024xf32>
    %jit3A_118 = arith.constant 0xFF800000 : f32
    %broadcast_in_dim3A_119 = vector.broadcast %jit3A_118 : f32 to vector<256x1024xf32>
    %select_n3A_120 = arith.select %eq3A_117, %broadcast_in_dim3A_119, %select_n3A_97 : vector<256x1024xi1>, vector<256x1024xf32>
    %swap3A_121 = arith.constant 0 : index
    %swap3A_122 = arith.constant 4 : index
    %swap3A_123 = vector.load %arg3[%swap3A_121, %swap3A_122] : memref<256x8xf32, #tpu.memory_space<vmem>>, vector<256x1xf32>
    tpu.vector_store %arg3[%swap3A_121, %swap3A_122], %broadcast_in_dim3A_107 {strides = array<i32>} : memref<256x8xf32, #tpu.memory_space<vmem>>, vector<256x1xf32>,
    %convert_element_type3A_124 = arith.fptosi %broadcast_in_dim3A_115 : vector<256x1xf32> to vector<256x1xi32>
    %swap3A_125 = arith.constant 0 : index
    %swap3A_126 = arith.constant 4 : index
    %swap3A_127 = vector.load %arg4[%swap3A_125, %swap3A_126] : memref<256x8xi32, #tpu.memory_space<vmem>>, vector<256x1xi32>
    tpu.vector_store %arg4[%swap3A_125, %swap3A_126], %convert_element_type3A_124 {strides = array<i32>} : memref<256x8xi32, #tpu.memory_space<vmem>>, vector<256x1xi32>,
    %reduce_max3A_128 = arith.constant dense<0xFF800000> : vector<256xf32>
    %reduce_max3A_129 = vector.multi_reduction <maximumf>, %select_n3A_120, %reduce_max3A_128 [1] : vector<256x1024xf32> to vector<256xf32>
    %broadcast_in_dim3A_130 = vector.shape_cast %reduce_max3A_129 : vector<256xf32> to vector<256x1xf32>
    %eq3A_131 = vector.broadcast %broadcast_in_dim3A_130 : vector<256x1xf32> to vector<256x1024xf32>
    %eq3A_132 = arith.cmpf oeq, %select_n3A_120, %eq3A_131 : vector<256x1024xf32>
    %jit3A_133 = arith.constant 2.048000e+03 : f32
    %broadcast_in_dim3A_134 = vector.broadcast %jit3A_133 : f32 to vector<256x1024xf32>
    %select_n3A_135 = arith.select %eq3A_132, %convert_element_type3A_17, %broadcast_in_dim3A_134 : vector<256x1024xi1>, vector<256x1024xf32>
    %reduce_min3A_136 = arith.constant dense<0x7F800000> : vector<256xf32>
    %reduce_min3A_137 = vector.multi_reduction <minimumf>, %select_n3A_135, %reduce_min3A_136 [1] : vector<256x1024xf32> to vector<256xf32>
    %broadcast_in_dim3A_138 = vector.shape_cast %reduce_min3A_137 : vector<256xf32> to vector<256x1xf32>
    %eq3A_139 = vector.broadcast %broadcast_in_dim3A_138 : vector<256x1xf32> to vector<256x1024xf32>
    %eq3A_140 = arith.cmpf oeq, %select_n3A_135, %eq3A_139 : vector<256x1024xf32>
    %jit3A_141 = arith.constant 0xFF800000 : f32
    %broadcast_in_dim3A_142 = vector.broadcast %jit3A_141 : f32 to vector<256x1024xf32>
    %select_n3A_143 = arith.select %eq3A_140, %broadcast_in_dim3A_142, %select_n3A_120 : vector<256x1024xi1>, vector<256x1024xf32>
    %swap3A_144 = arith.constant 0 : index
    %swap3A_145 = arith.constant 5 : index
    %swap3A_146 = vector.load %arg3[%swap3A_144, %swap3A_145] : memref<256x8xf32, #tpu.memory_space<vmem>>, vector<256x1xf32>
    tpu.vector_store %arg3[%swap3A_144, %swap3A_145], %broadcast_in_dim3A_130 {strides = array<i32>} : memref<256x8xf32, #tpu.memory_space<vmem>>, vector<256x1xf32>,
    %convert_element_type3A_147 = arith.fptosi %broadcast_in_dim3A_138 : vector<256x1xf32> to vector<256x1xi32>
    %swap3A_148 = arith.constant 0 : index
    %swap3A_149 = arith.constant 5 : index
    %swap3A_150 = vector.load %arg4[%swap3A_148, %swap3A_149] : memref<256x8xi32, #tpu.memory_space<vmem>>, vector<256x1xi32>
    tpu.vector_store %arg4[%swap3A_148, %swap3A_149], %convert_element_type3A_147 {strides = array<i32>} : memref<256x8xi32, #tpu.memory_space<vmem>>, vector<256x1xi32>,
    %reduce_max3A_151 = arith.constant dense<0xFF800000> : vector<256xf32>
    %reduce_max3A_152 = vector.multi_reduction <maximumf>, %select_n3A_143, %reduce_max3A_151 [1] : vector<256x1024xf32> to vector<256xf32>
    %broadcast_in_dim3A_153 = vector.shape_cast %reduce_max3A_152 : vector<256xf32> to vector<256x1xf32>
    %eq3A_154 = vector.broadcast %broadcast_in_dim3A_153 : vector<256x1xf32> to vector<256x1024xf32>
    %eq3A_155 = arith.cmpf oeq, %select_n3A_143, %eq3A_154 : vector<256x1024xf32>
    %jit3A_156 = arith.constant 2.048000e+03 : f32
    %broadcast_in_dim3A_157 = vector.broadcast %jit3A_156 : f32 to vector<256x1024xf32>
    %select_n3A_158 = arith.select %eq3A_155, %convert_element_type3A_17, %broadcast_in_dim3A_157 : vector<256x1024xi1>, vector<256x1024xf32>
    %reduce_min3A_159 = arith.constant dense<0x7F800000> : vector<256xf32>
    %reduce_min3A_160 = vector.multi_reduction <minimumf>, %select_n3A_158, %reduce_min3A_159 [1] : vector<256x1024xf32> to vector<256xf32>
    %broadcast_in_dim3A_161 = vector.shape_cast %reduce_min3A_160 : vector<256xf32> to vector<256x1xf32>
    %eq3A_162 = vector.broadcast %broadcast_in_dim3A_161 : vector<256x1xf32> to vector<256x1024xf32>
    %eq3A_163 = arith.cmpf oeq, %select_n3A_158, %eq3A_162 : vector<256x1024xf32>
    %jit3A_164 = arith.constant 0xFF800000 : f32
    %broadcast_in_dim3A_165 = vector.broadcast %jit3A_164 : f32 to vector<256x1024xf32>
    %select_n3A_166 = arith.select %eq3A_163, %broadcast_in_dim3A_165, %select_n3A_143 : vector<256x1024xi1>, vector<256x1024xf32>
    %swap3A_167 = arith.constant 0 : index
    %swap3A_168 = arith.constant 6 : index
    %swap3A_169 = vector.load %arg3[%swap3A_167, %swap3A_168] : memref<256x8xf32, #tpu.memory_space<vmem>>, vector<256x1xf32>
    tpu.vector_store %arg3[%swap3A_167, %swap3A_168], %broadcast_in_dim3A_153 {strides = array<i32>} : memref<256x8xf32, #tpu.memory_space<vmem>>, vector<256x1xf32>,
    %convert_element_type3A_170 = arith.fptosi %broadcast_in_dim3A_161 : vector<256x1xf32> to vector<256x1xi32>
    %swap3A_171 = arith.constant 0 : index
    %swap3A_172 = arith.constant 6 : index
    %swap3A_173 = vector.load %arg4[%swap3A_171, %swap3A_172] : memref<256x8xi32, #tpu.memory_space<vmem>>, vector<256x1xi32>
    tpu.vector_store %arg4[%swap3A_171, %swap3A_172], %convert_element_type3A_170 {strides = array<i32>} : memref<256x8xi32, #tpu.memory_space<vmem>>, vector<256x1xi32>,
    %reduce_max3A_174 = arith.constant dense<0xFF800000> : vector<256xf32>
    %reduce_max3A_175 = vector.multi_reduction <maximumf>, %select_n3A_166, %reduce_max3A_174 [1] : vector<256x1024xf32> to vector<256xf32>
    %broadcast_in_dim3A_176 = vector.shape_cast %reduce_max3A_175 : vector<256xf32> to vector<256x1xf32>
    %eq3A_177 = vector.broadcast %broadcast_in_dim3A_176 : vector<256x1xf32> to vector<256x1024xf32>
    %eq3A_178 = arith.cmpf oeq, %select_n3A_166, %eq3A_177 : vector<256x1024xf32>
    %jit3A_179 = arith.constant 2.048000e+03 : f32
    %broadcast_in_dim3A_180 = vector.broadcast %jit3A_179 : f32 to vector<256x1024xf32>
    %select_n3A_181 = arith.select %eq3A_178, %convert_element_type3A_17, %broadcast_in_dim3A_180 : vector<256x1024xi1>, vector<256x1024xf32>
    %reduce_min3A_182 = arith.constant dense<0x7F800000> : vector<256xf32>
    %reduce_min3A_183 = vector.multi_reduction <minimumf>, %select_n3A_181, %reduce_min3A_182 [1] : vector<256x1024xf32> to vector<256xf32>
    %broadcast_in_dim3A_184 = vector.shape_cast %reduce_min3A_183 : vector<256xf32> to vector<256x1xf32>
    %swap3A_185 = arith.constant 0 : index
    %swap3A_186 = arith.constant 7 : index
    %swap3A_187 = vector.load %arg3[%swap3A_185, %swap3A_186] : memref<256x8xf32, #tpu.memory_space<vmem>>, vector<256x1xf32>
    tpu.vector_store %arg3[%swap3A_185, %swap3A_186], %broadcast_in_dim3A_176 {strides = array<i32>} : memref<256x8xf32, #tpu.memory_space<vmem>>, vector<256x1xf32>,
    %convert_element_type3A_188 = arith.fptosi %broadcast_in_dim3A_184 : vector<256x1xf32> to vector<256x1xi32>
    %swap3A_189 = arith.constant 0 : index
    %swap3A_190 = arith.constant 7 : index
    %swap3A_191 = vector.load %arg4[%swap3A_189, %swap3A_190] : memref<256x8xi32, #tpu.memory_space<vmem>>, vector<256x1xi32>
    tpu.vector_store %arg4[%swap3A_189, %swap3A_190], %convert_element_type3A_188 {strides = array<i32>} : memref<256x8xi32, #tpu.memory_space<vmem>>, vector<256x1xi32>,
    %get3A_192 = arith.constant 0 : index
    %get3A_193 = arith.constant 0 : index
    %get3A_194 = vector.load %arg3[%get3A_192, %get3A_193] : memref<256x8xf32, #tpu.memory_space<vmem>>, vector<256x8xf32>
    %sub3A_195 = vector.broadcast %broadcast_in_dim3A_19 : vector<256x1xf32> to vector<256x8xf32>
    %sub3A_196 = arith.subf %get3A_194, %sub3A_195 : vector<256x8xf32>
    %exp3A = math.exp %sub3A_196 : vector<256x8xf32>
    %reduce_sum3A_197 = arith.constant dense<0.000000e+00> : vector<256xf32>
    %reduce_sum3A_198 = vector.multi_reduction <add>, %exp3A, %reduce_sum3A_197 [1] : vector<256x8xf32> to vector<256xf32>
    %broadcast_in_dim3A_199 = vector.shape_cast %reduce_sum3A_198 : vector<256xf32> to vector<256x1xf32>
    %div3A = arith.constant 1.000000e+00 : f32
    %div3A_200 = vector.broadcast %div3A : f32 to vector<256x1xf32>
    %div3A_201 = arith.divf %div3A_200, %broadcast_in_dim3A_199 : vector<256x1xf32>
    %mul3A_202 = vector.broadcast %div3A_201 : vector<256x1xf32> to vector<256x8xf32>
    %mul3A_203 = arith.mulf %exp3A, %mul3A_202 : vector<256x8xf32>
    %swap3A_204 = arith.constant 0 : index
    %swap3A_205 = arith.constant 0 : index
    %swap3A_206 = vector.load %arg5[%swap3A_204, %swap3A_205] : memref<256x8xf32, #tpu.memory_space<vmem>>, vector<256x8xf32>
    tpu.vector_store %arg5[%swap3A_204, %swap3A_205], %mul3A_203 {strides = array<i32>} : memref<256x8xf32, #tpu.memory_space<vmem>>, vector<256x8xf32>,
    %log3A = math.log %broadcast_in_dim3A_199 : vector<256x1xf32>
    %add3A_207 = arith.addf %broadcast_in_dim3A_19, %log3A : vector<256x1xf32>
    %get3A_208 = arith.constant 0 : index
    %get3A_209 = arith.constant 0 : index
    %get3A_210 = memref.load %arg6[%get3A_208, %get3A_209] : memref<1x1xf32, #tpu.memory_space<smem>>
    %reduce_sum3A_211 = vector.shape_cast %add3A_207 : vector<256x1xf32> to vector<1x256x1xf32>
    %reduce_sum3A_212 = arith.constant dense<0.000000e+00> : vector<1xf32>
    %reduce_sum3A_213 = vector.multi_reduction <add>, %reduce_sum3A_211, %reduce_sum3A_212 [1, 2] : vector<1x256x1xf32> to vector<1xf32>
    %reduce_sum3A_214 = vector.shape_cast %reduce_sum3A_213 : vector<1xf32> to vector<1x1x1xf32>
    %reduce_sum3A_215 = vector.extract %reduce_sum3A_214[0, 0, 0] : f32 from vector<1x1x1xf32>
    %div3A_216 = arith.constant 1.638400e+04 : f32
    %div3A_217 = arith.divf %reduce_sum3A_215, %div3A_216 : f32
    %add3A_218 = arith.addf %get3A_210, %div3A_217 : f32
    %swap3A_219 = arith.constant 0 : index
    %swap3A_220 = arith.constant 0 : index
    %swap3A_221 = memref.load %arg6[%swap3A_219, %swap3A_220] : memref<1x1xf32, #tpu.memory_space<smem>>
    memref.store %add3A_218, %arg6[%swap3A_219, %swap3A_220] : memref<1x1xf32, #tpu.memory_space<smem>>
    return
  }
  func.func @transform_0(%arg0: i32) -> (i32, i32) {
    %c0_i32 = arith.constant 0 : i32
    %c0_i32_0 = arith.constant 0 : i32
    return %arg0, %c0_i32 : i32, i32
  }
  func.func @transform_1(%arg0: i32) -> (i32, i32) {
    %c0_i32 = arith.constant 0 : i32
    %c0_i32_0 = arith.constant 0 : i32
    %c0_i32_1 = arith.constant 0 : i32
    return %c0_i32, %c0_i32_0 : i32, i32
  }
  func.func @transform_2(%arg0: i32) -> (i32, i32) {
    %c0_i32 = arith.constant 0 : i32
    %c0_i32_0 = arith.constant 0 : i32
    return %arg0, %c0_i32 : i32, i32
  }
  func.func @transform_3(%arg0: i32) -> (i32, i32) {
    %c0_i32 = arith.constant 0 : i32
    %c0_i32_0 = arith.constant 0 : i32
    return %arg0, %c0_i32 : i32, i32
  }
  func.func @transform_4(%arg0: i32) -> (i32, i32) {
    %c0_i32 = arith.constant 0 : i32
    %c0_i32_0 = arith.constant 0 : i32
    return %arg0, %c0_i32 : i32, i32
  }
  func.func @transform_5(%arg0: i32) -> (i32, i32) {
    %c0_i32 = arith.constant 0 : i32
    %c0_i32_0 = arith.constant 0 : i32
    %c0_i32_1 = arith.constant 0 : i32
    return %c0_i32, %c0_i32_0 : i32, i32
  }
}

</mosaic_0001>

<sc_bundles>
// kernel: kernel.4.cloned.1.call-start
scs
__scs_entry_jumppad:
0x0: {  	(pc) =	sbr.rel $0x88, $3  }
0x1: {  	(tag) =	ssettag $0x0;
	lr =	simm.s32 $0x1  }
0x2: {  	[smem:$0x3F9F] =	sst lr;
	_ =	strace $0xD0000000  }
0x3: {  	_ = 	snop  }
0x4: {  	_ = 	snop  }
0x5: {  	_ = 	snop  }
0x6: {  	_ = 	snop  }
0x7: {  	_ = 	snop  }
__scs_overlays_trampoline_lowered:
0x8: {  	[smem:$0x3FAE] =	sst s0  }
0x9: {  	[smem:$0x3FAF] =	sst s1  }
0xa: {  	[smem:$0x3FB0] =	sst s2  }
0xb: {  	[smem:$0x3FB1] =	sst s3  }
0xc: {  	[smem:$0x3FB2] =	sst s4  }
0xd: {  	[smem:$0x3FB3] =	sst s5  }
0xe: {  	[smem:$0x3FB4] =	sst s6  }
0xf: {  	[smem:$0x3FB5] =	sst s7  }
0x10: {  	[smem:$0x3FB6] =	sst s8  }
0x11: {  	[smem:$0x3FB7] =	sst s9;
	s0 =	simm.s32 @!p0 $0x0  }
0x12: {  	s1 =	sld [smem:$0x3F9D];
	s0 =	simm.s32 @p0 $0x1  }
0x13: {  	[smem:$0x3FB8] =	sst s0;
	s0 =	simm.s32 @!p1 $0x0  }
0x14: {  	s2 =	sld [smem:$0x3F9C];
	s0 =	simm.s32 @p1 $0x1  }
0x15: {  	[smem:$0x3FB9] =	sst s0;
	s0 =	simm.s32 @!p2 $0x0  }
0x16: {  	s3 =	sld [smem:$0x3FDB];
	s0 =	simm.s32 @p2 $0x1  }
0x17: {  	s4 =	simm.s32 $0x1BF5;
	[smem:$0x3FBB] =	sst s0  }
0x18: {  	s0 =	sld [smem:$0x3F9E];
	_ =	swait.ge [sflag:s4], $0x0  }
0x19: {  	s7 =	sld [smem:$0x3F9F]  }
0x1a: {  	s8 =	sadd.s32 $0xFFFFE003, lr  }
0x1b: {  	s9 =	sadd.s32 $0xFFFFFEF7, lr;
	s5 =	simm.s32 $0xFFFFFFFF;
	p2 =	slt.u32 s8, $0xFFFFF086  }
0x1c: {  	p1 =	slt.u32 s9, $0xF7A;
	s5 =	simm.s32 @!p2 $0x0  }
0x1d: {  	s5 =	simm.s32 @p1 $0x1;
	p0 =	seq.s32 s7, s2  }
0x1e: {  	s7 =	smul.u32 @!p0 $0xF7A, s2;
	p2 =	seq.s32 @!p0 s5, $0x0  }
0x1f: {  	s9 =	smul.u32 $0xF7A, s1;
	s8 =	simm.s32 @!p0 $0x1BF5;
	p2 =	por !p2, p0  }
0x20: {  	[sflag:s8] =	ssyncset.s32 @!p0 $0xFFFFF086;
	s6 =	sadd.s32 @!p0 s3, s7;
	s7 =	simm.s32 @!p0 $0x108  }
0x21: {  	s3 =	sadd.s32 s3, s9;
	s6 =	sadd.s32 @!p0 $0x88, s6;
	s7 =	simm.s32 @p2 $0x1082  }
0x22: {  	[simem:s7], [sflag:s8] =	dma.local @!p0 [hbm:s6], $0xF7A  }
0x23: {  	s9 =	sor.u32 $0xD0000000, s2;
	s6 =	simm.s32 $0x108;
	_ =	swait.ge @!p0 [sflag:s8], $0x0  }
0x24: {  	s3 =	sadd.s32 $0x88, s3;
	s6 =	simm.s32 @!p1 $0x1082;
	[sflag:s4] =	ssyncset.s32 $0xFFFFF086  }
0x25: {  	[simem:s6], [sflag:s4] =	dma.local [hbm:s3], $0xF7A  }
0x26: {  	[smem:$0x3F9F] =	sst s1;
	(tag) =	ssettag s2;
	_ =	strace s9  }
0x27: {  	s1 =	sld [smem:$0x3FAF]  }
0x28: {  	s2 =	sld [smem:$0x3FB0]  }
0x29: {  	s4 =	sld [smem:$0x3FB2]  }
0x2a: {  	p0 =	seq.s32 s5, $0x0;
	s5 =	sld [smem:$0x3FB3]  }
0x2b: {  	s6 =	sld [smem:$0x3FB4]  }
0x2c: {  	s7 =	sld [smem:$0x3FB5]  }
0x2d: {  	s3 =	simm.s32 $0x108;
	s8 =	sld [smem:$0x3FB6]  }
0x2e: {  	s3 =	simm.s32 @!p0 $0x1082;
	s9 =	sld [smem:$0x3FB7]  }
0x2f: {  	lr =	sadd.s32 s0, s3;
	s0 =	sld [smem:$0x3FAE]  }
0x30: {  	s3 =	sld [smem:$0x3FB1]  }
0x31: {  	[smem:$0x3FBA] =	sst s10  }
0x32: {  	s10 =	sld [smem:$0x3FB8];
	_ =	sdelay $0x3  }
0x33: {  	p0 =	seq.s32 s10, $0x1;
	s10 =	sld [smem:$0x3FBA];
	_ =	sdelay $0x3  }
0x34: {  	[smem:$0x3FBA] =	sst s10  }
0x35: {  	s10 =	sld [smem:$0x3FB9];
	_ =	sdelay $0x3  }
0x36: {  	p1 =	seq.s32 s10, $0x1;
	s10 =	sld [smem:$0x3FBA];
	_ =	sdelay $0x3  }
0x37: {  	[smem:$0x3FBA] =	sst s10  }
0x38: {  	s10 =	sld [smem:$0x3FBB]  }
0x39: {  	_ = 	snop;
	(pc) =	sbr.ind lr, $3  }
0x3a: {  	_ = 	snop  }
0x3b: {  	_ = 	snop  }
0x3c: {  	p2 =	seq.s32 s10, $0x1;
	s10 =	sld [smem:$0x3FBA]  }
0x3d: {  	_ =	shalt  }
0x3e: {  	_ =	shalt  }
0x3f: {  	_ =	shalt  }
0x40: {  	_ =	shalt  }
0x41: {  	_ =	shalt  }
0x42: {  	_ =	shalt  }
0x43: {  	_ =	shalt  }
0x44: {  	_ =	shalt  }
0x45: {  	_ =	shalt  }
0x46: {  	_ =	shalt  }
0x47: {  	_ =	shalt  }
0x48: {  	_ =	shalt  }
0x49: {  	_ =	shalt  }
0x4a: {  	_ =	shalt  }
0x4b: {  	_ =	shalt  }
0x4c: {  	_ =	shalt  }
0x4d: {  	_ =	shalt  }
0x4e: {  	_ =	shalt  }
0x4f: {  	_ =	shalt  }
0x50: {  	_ =	shalt  }
0x51: {  	_ =	shalt  }
0x52: {  	_ =	shalt  }
0x53: {  	_ =	shalt  }
0x54: {  	_ =	shalt  }
0x55: {  	_ =	shalt  }
0x56: {  	_ =	shalt  }
0x57: {  	_ =	shalt  }
0x58: {  	_ =	shalt  }
0x59: {  	_ =	shalt  }
0x5a: {  	_ =	shalt  }
0x5b: {  	_ =	shalt  }
0x5c: {  	_ =	shalt  }
0x5d: {  	_ =	shalt  }
0x5e: {  	_ =	shalt  }
0x5f: {  	_ =	shalt  }
0x60: {  	_ =	shalt  }
0x61: {  	_ =	shalt  }
0x62: {  	_ =	shalt  }
0x63: {  	_ =	shalt  }
0x64: {  	_ =	shalt  }
0x65: {  	_ =	shalt  }
0x66: {  	_ =	shalt  }
0x67: {  	_ =	shalt  }
0x68: {  	_ =	shalt  }
0x69: {  	_ =	shalt  }
0x6a: {  	_ =	shalt  }
0x6b: {  	_ =	shalt  }
0x6c: {  	_ =	shalt  }
0x6d: {  	_ =	shalt  }
0x6e: {  	_ =	shalt  }
0x6f: {  	_ =	shalt  }
0x70: {  	_ =	shalt  }
0x71: {  	_ =	shalt  }
0x72: {  	_ =	shalt  }
0x73: {  	_ =	shalt  }
0x74: {  	_ =	shalt  }
0x75: {  	_ =	shalt  }
0x76: {  	_ =	shalt  }
0x77: {  	_ =	shalt  }
0x78: {  	_ =	shalt  }
0x79: {  	_ =	shalt  }
0x7a: {  	_ =	shalt  }
0x7b: {  	_ =	shalt  }
0x7c: {  	_ =	shalt  }
0x7d: {  	_ =	shalt  }
0x7e: {  	_ =	shalt  }
0x7f: {  	_ =	shalt  }
0x80: {  	_ =	shalt  }
0x81: {  	_ =	shalt  }
0x82: {  	_ =	shalt  }
0x83: {  	_ =	shalt  }
0x84: {  	_ =	shalt  }
0x85: {  	_ =	shalt  }
0x86: {  	_ =	shalt  }
0x87: {  	_ =	shalt  }
.Lfunc_end0:
.L_simem_size_0:
called_computation_lowered:
.L_overlay_start_0:
0x88: {  	s2 =	sld [smem:$0x3FD9]  }
0x89: {  	s3 =	sld [smem:$0x3FFE];
	_ =	sdelay $0x1  }
0x8a: {  	s1 =	srdreg.scid  }
0x8b: {  	s0 =	sand.u32 $0x1, s1  }
0x8c: {  	s16 =	sshll.u32 s0, $0xA;
	s2 =	sadd.s32 s3, s2  }
0x8d: {  	s2 =	sadd.s32 s2, s16  }
0x8e: {  	[smem:$0x3FC6] =	sst s2  }
0x8f: {  	_ = 	snop  }
0x90: {  	(tm) =	ssettm $0x1  }
0x91: {  	s17 =	sld [smem:$0x3FFB];
	_ =	sdelay $0x3  }
0x92: {  	_ =	strace s17  }
0x93: {  	s2 =	sld [smem:$0x3FFC];
	_ =	sdelay $0x3  }
0x94: {  	_ =	strace s2  }
0x95: {  	s2 =	sld [smem:$0x3FFD];
	_ =	sdelay $0x3  }
0x96: {  	_ =	strace s2  }
0x97: {  	_ =	strace $0x8FFFFFFF  }
0x98: {  	s18 =	sld [smem:$0x3FDB];
	_ =	sdelay $0x1  }
0x99: {  	s19 =	simm.s32 $_scs_section_size  }
0x9a: {  	s4 =	simm.s32 $_size__tile_overlayer_lowered;
	s5 =	simm.s32 $_tile_overlayer_lowered  }
0x9b: {  	s22 =	simm.s32 $0x1BFF;
	s21 =	sshll.u32 s5, $0x1;
	s2 =	sadd.s32 s19, s18  }
0x9c: {  	s6 =	simm.s32 $0x0;
	s20 =	sshll.u32 s4, $0x1;
	s4 =	sadd.s32 s21, s2  }
0x9d: {  	[timem:s6], [sflag:s22] =	dma.local [hbm:s4], s20  }
0x9e: {  	_ =	swait.ge [sflag:s22], s20  }
0x9f: {  	s3 =	ssub.s32 $0x0, s20;
	[sflag:s22] =	ssyncset.done $0x0  }
0xa0: {  	[sflag:s22] =	ssyncadd.s32 s3;
	_ =	sdelay $0x1  }
0xa1: {  	s23 =	simm.s32 $0x1B8B  }
0xa2: {  	_ =	swait.ge [sflag:s23], $0x1  }
0xa3: {  	[sflag:s23] =	ssyncset.done $0x0  }
0xa4: {  	s25 =	simm.s32 $0x1B8E;
	s24 =	sld [smem:$0x3FFE];
	[sflag:s23] =	ssyncadd.s32 $0xFFFFFFFF  }
0xa5: {  	s26 =	simm.s32 $execute0_lowered;
	[smem:$0x3FD2] =	sst s25  }
0xa6: {  	s4 =	sshll.u32 s26, $0x1;
	_ =	strace $0x80000046;
	[dreg:$0x1] =	wrdreg $0xFFFFFFFF  }
0xa7: {  	s28 =	simm.s32 $_size_execute0_lowered;
	s2 =	sadd.s32 s2, s4;
	[dreg:$0x0] =	wrdreg $0x0  }
0xa8: {  	s4 =	sshll.u32 s28, $0x1;
	[dreg:$0x2] =	wrdreg s2  }
0xa9: {  	[dreg:$0x3] =	wrdreg s4  }
0xaa: {  	[dreg:$0x4] =	wrdreg $0xC0  }
0xab: {  	_ =	task [dreg:s6], $0x5FFFF  }
0xac: {  	[dreg:$0x1] =	wrdreg $0xFFFFFFFF  }
0xad: {  	[dreg:$0x0] =	wrdreg $0x60  }
0xae: {  	[dreg:$0x2] =	wrdreg s24  }
0xaf: {  	[dreg:$0x3] =	wrdreg $0x70000  }
0xb0: {  	[dreg:$0x4] =	wrdreg $0x9  }
0xb1: {  	_ =	task.clear_ibuf [dreg:s6], $0x5FFFF;
	_ =	strace $0x90000046  }
0xb2: {  	s29 =	simm.s32 $0x9;
	_ =	strace $0x80000048  }
0xb3: {  	_ =	swait.ge [sflag:s29], $0x1  }
0xb4: {  	[sflag:s29] =	ssyncadd.s32 $0xFFFFFFFF  }
0xb5: {  	_ =	strace $0x90000048  }
0xb6: {  	_ =	sfence  }
0xb7: {  	s30 =	sld [smem:$0x0];
	_ =	sdelay $0x2  }
0xb8: {  	s31 =	sshll.u32 s1, $0xD;
	s1 =	sshrl.u32 s1, $0x2  }
0xb9: {  	s3 =	sand.u32 $0x4000, s31;
	s1 =	sadd.s32 s1, s30  }
0xba: {  	s0 =	sor.u32 s3, s0;
	s1 =	sshll.u32 s1, $0x11  }
0xbb: {  	s0 =	sor.u32 s1, s0  }
0xbc: {  	s0 =	sadd.s32 $0x8F2B, s0  }
0xbd: {  	[sflag:s0] =	ssyncadd.remote.s32 $0x1  }
0xbe: {  	_ =	sfence.sel $0xFFFF  }
0xbf: {  	[dreg:$0x0] =	wrdreg $0xFFFFFFFF;
	(pc) =	sbr.abs _section_cstart, $3  }
0xc0: {  	[dreg:$0x1] =	wrdreg $0xFFFFFFFF  }
0xc1: {  	_ =	task.clear_ibuf [dreg:s6], $0x2FFFF;
	_ =	strace $0x9FFFFFFF  }
0xc2: {  	(tm) =	ssettm $0x7FFFFFFF  }
0xc3: {  	_ =	shalt  }
tec
execute0_lowered:
.L_overlay_start_1:
0x0: {  	(tag) =	ssettag $0x1  }
0x1: {  	s0 =	rddreg [dreg:$0x0]  }
0x2: {  	s1 =	rddreg [dreg:$0x1];
	s2 =	simm.s32 $0x0  }
0x3: {  	s3 =	srdreg.scid;
	s8 =	stileid.u32;
	s24 =	simm.s32 $0x1  }
0x4: {  	s28 =	simm.s32 $0x2800;
	s29 =	simm.s32 $0x6800;
	s30 =	simm.s32 $0x6C00  }
0x5: {  	s31 =	simm.s32 $0x0;
	[smem:$0x7FF] =	sst s2;
	s3 =	sand.u32 $0x1, s3  }
0x6: {  	s6 =	sshll.u32 s8, $0xA;
	s7 =	sshll.u32 s8, $0x9;
	s26 =	sshll.u32 s8, $0xE  }
0x7: {  	_ =	strace $0x80000047;
	s4 =	sshll.u32 s3, $0xE;
	s5 =	sshll.u32 s3, $0xD  }
0x8: {  	s3 =	ssub.s32 $0x2, s3;
	s4 =	sor.u32 s6, s4;
	s5 =	sor.u32 s7, s5  }
0x9: {  	s25 =	sshrl.u32 s3, $0x1;
	s6 =	sadd.s32 s6, s1;
	s4 =	sshrl.u32 s4, $0x3  }
0xa: {  	s5 =	sadd.s32 s5, s0;
	s23 =	ssub.s32 s3, s25;
	s7 =	sadd.s32 $0x4000, s6  }
0xb: {  	s8 =	sadd.s32 $0x8000, s6;
	s9 =	sadd.s32 $0xC000, s6;
	s10 =	sadd.s32 $0x10000, s6  }
0xc: {  	s11 =	sadd.s32 $0x14000, s6;
	s12 =	sadd.s32 $0x18000, s6;
	s13 =	sadd.s32 $0x1C000, s6  }
0xd: {  	s14 =	sadd.s32 $0x20000, s6;
	s15 =	sadd.s32 $0x24000, s6;
	s16 =	sadd.s32 $0x28000, s6  }
0xe: {  	s17 =	sadd.s32 $0x2C000, s6;
	s18 =	sadd.s32 $0x30000, s6;
	s19 =	sadd.s32 $0x34000, s6  }
0xf: {  	v0 =	vlaneseq.u32;
	s20 =	sadd.s32 $0x38000, s6;
	s21 =	sadd.s32 $0x3C000, s6;
	s0 =	sadd.s32 s4, s0  }
0x10: {  	v1 =	vshrl.u32 v0, $0x3;
	s3 =	sadd.s32 $0x40400, s5;
	s4 =	sadd.s32 $0x400, s5;
	s5 =	sadd.s32 s26, s1  }
0x11: {  	v0 =	vimm.f32 $0.0e+00;
	v1 =	vmul.u32 $0x400, v1;
	s23 =	smax.u32 s23, $0x1;
	s26 =	simm.s32 $0x2000;
	s22 =	sadd.s32 $0x4400, s0  }
.LBB2_1:
0x12: {  	[tilespmem:s2], [sflag:$0x1] =	stream.linear.gather [hbm4b:s3+s2], $0x1000, $0x38;
	[tilespmem:$0x7800] =	vst v63  }
0x13: {  	_ =	swait.ge [sflag:s24], $0x1000  }
0x14: {  	[sflag:s24] =	ssyncset.done $0x0  }
0x15: {  	s0 =	simm.s32 $0x1000;
	[sflag:s24] =	ssyncadd.s32 $0xFFFFF000  }
0x16: {  	[tilespmem:s0], [sflag:$0x1] =	stream.linear.gather [hbm4b:s4+s2], $0x1000, $0x38;
	[tilespmem:$0x7800] =	vst v63  }
0x17: {  	_ =	swait.ge [sflag:s24], $0x1000  }
0x18: {  	[sflag:s24] =	ssyncset.done $0x0  }
0x19: {  	s1 =	simm.s32 $0x0;
	s0 =	simm.s32 $0x40;
	[sflag:s24] =	ssyncadd.s32 $0xFFFFF000  }
.LBB2_2:
0x1a: {  	p0 =	sne.s32 s0, $0x1FC0;
	[tilespmem:s1+$0x2000] =	vst v0;
	s1 =	smov.u32 s0;
	s0 =	sadd.s32 $0x40, s0  }
.Ltmp0:
0x1b: {  	(pc) =	sbr.rel @p0 .LBB2_2-.Ltmp0, $2  }
0x1c: {  	_ =	sdelay $0x2  }
0x1d: {  	s1 =	sshra.s32 s1, $0x2  }
0x1e: {  	[tilespmem:s1+$0x2000] =	vst v0;
	s0 =	simm.s32 $0x0  }
.LBB2_4:
0x1f: {  	s1 =	sshra.s32 s0, $0x2  }
0x20: {  	v2 =	vld [tilespmem:s1+$0x0];
	_ =	sdelay $0x4  }
0x21: {  	p0 =	sne.s32 s0, $0x3FC0;
	v3 =	vld [tilespmem:s1+$0x1000];
	v2 =	vadd.s32 v1, v2  }
.Ltmp1:
0x22: {  	_ = 	snop;
	(pc) =	sbr.rel @p0 .LBB2_4-.Ltmp1, $2  }
0x23: {  	_ =	sdelay $0x2  }
0x24: {  	s0 =	sadd.s32 $0x40, s0;
	[tilespmem:v2+s26+$0x0] =	vst.idx.add.f32.msk $0xffff, v3  }
0x25: {  	s25 =	simm.s32 $0x0  }
0x26: {  	v2 =	vld [tilespmem:s25+$0x2000];
	_ =	sdelay $0x3  }
0x27: {  	s0 =	simm.s32 $0x2800;
	s1 =	simm.s32 $0x40  }
.LBB2_6:
0x28: {  	s25 =	sshra.s32 s1, $0x2;
	p0 =	sne.s32 s1, $0x1FC0;
	s1 =	sadd.s32 $0x40, s1;
	[tilespmem:s0+$0x0] =	vst v2  }
.Ltmp2:
0x29: {  	v2 =	vld [tilespmem:s25+$0x2000];
	(pc) =	sbr.rel @p0 .LBB2_6-.Ltmp2, $2  }
0x2a: {  	_ =	sdelay $0x2  }
0x2b: {  	s0 =	sadd.s32 $0x80, s0  }
0x2c: {  	[tilespmem:s0+$0x0] =	vst v2  }
0x2d: {  	[spmem:s5] =	stream.linear.scatter [tilespmem:s28], [sflag:$0x1], $0x4000, $0x38;
	[tilespmem:$0x7800] =	vst v63  }
0x2e: {  	_ =	swait.ge [sflag:s24], $0x4000  }
0x2f: {  	[sflag:s24] =	ssyncset.done $0x0  }
0x30: {  	[sflag:s24] =	ssyncadd.s32 $0xFFFFC000  }
0x31: {  	[bflag:$0x0] =	sbarrier.arrive $0xFFFF  }
0x32: {  	[tilespmem:$0x6C00] =	vst v0  }
0x33: {  	[tilespmem:$0x6C80] =	vst v0  }
0x34: {  	[tilespmem:$0x6D00] =	vst v0  }
0x35: {  	[tilespmem:$0x6D80] =	vst v0  }
0x36: {  	[tilespmem:$0x6E00] =	vst v0  }
0x37: {  	[tilespmem:$0x6E80] =	vst v0  }
0x38: {  	[tilespmem:$0x6F00] =	vst v0  }
0x39: {  	[tilespmem:$0x6F80] =	vst v0  }
0x3a: {  	[tilespmem:s29], [sflag:$0x1] =	stream.linear.gather [spmem:s6], $0x400, $0x38;
	[tilespmem:$0x7800] =	vst v63  }
0x3b: {  	_ =	swait.ge [sflag:s24], $0x400  }
0x3c: {  	[sflag:s24] =	ssyncset.done $0x0  }
0x3d: {  	[sflag:s24] =	ssyncadd.s32 $0xFFFFFC00  }
0x3e: {  	v2 =	vld [tilespmem:$0x6C00]  }
0x3f: {  	v3 =	vld [tilespmem:$0x6800]  }
0x40: {  	v4 =	vld [tilespmem:$0x6C80]  }
0x41: {  	v5 =	vld [tilespmem:$0x6880]  }
0x42: {  	v6 =	vld [tilespmem:$0x6D00]  }
0x43: {  	v7 =	vld [tilespmem:$0x6900]  }
0x44: {  	v8 =	vld [tilespmem:$0x6D80]  }
0x45: {  	v9 =	vld [tilespmem:$0x6980]  }
0x46: {  	v10 =	vld [tilespmem:$0x6E00]  }
0x47: {  	v11 =	vld [tilespmem:$0x6A00]  }
0x48: {  	v12 =	vld [tilespmem:$0x6E80]  }
0x49: {  	v13 =	vld [tilespmem:$0x6A80]  }
0x4a: {  	v14 =	vld [tilespmem:$0x6F00]  }
0x4b: {  	v28 =	vld [tilespmem:$0x6F80];
	v2 =	vadd.f32 v3, v2  }
0x4c: {  	v3 =	vld [tilespmem:$0x6B00];
	v4 =	vadd.f32 v5, v4  }
0x4d: {  	v29 =	vld [tilespmem:$0x6B80];
	[tilespmem:$0x6C00] =	vst v2;
	v2 =	vadd.f32 v7, v6  }
0x4e: {  	v30 =	vadd.f32 v9, v8;
	[tilespmem:$0x6C80] =	vst v4  }
0x4f: {  	[tilespmem:$0x6D00] =	vst v2;
	v2 =	vadd.f32 v11, v10  }
0x50: {  	v31 =	vadd.f32 v13, v12;
	[tilespmem:$0x6D80] =	vst v30  }
0x51: {  	[tilespmem:$0x6E00] =	vst v2;
	v2 =	vadd.f32 v3, v14  }
0x52: {  	[tilespmem:$0x6E80] =	vst v31;
	v3 =	vadd.f32 v29, v28  }
0x53: {  	[tilespmem:$0x6F00] =	vst v2  }
0x54: {  	[tilespmem:$0x6F80] =	vst v3  }
0x55: {  	[tilespmem:s29], [sflag:$0x1] =	stream.linear.gather [spmem:s7], $0x400, $0x38;
	[tilespmem:$0x7800] =	vst v63  }
0x56: {  	_ =	swait.ge [sflag:s24], $0x400  }
0x57: {  	[sflag:s24] =	ssyncset.done $0x0  }
0x58: {  	[sflag:s24] =	ssyncadd.s32 $0xFFFFFC00  }
0x59: {  	v2 =	vld [tilespmem:$0x6C00]  }
0x5a: {  	v3 =	vld [tilespmem:$0x6800]  }
0x5b: {  	v32 =	vld [tilespmem:$0x6C80]  }
0x5c: {  	v33 =	vld [tilespmem:$0x6880]  }
0x5d: {  	v34 =	vld [tilespmem:$0x6D00]  }
0x5e: {  	v35 =	vld [tilespmem:$0x6900]  }
0x5f: {  	v36 =	vld [tilespmem:$0x6D80]  }
0x60: {  	v37 =	vld [tilespmem:$0x6980]  }
0x61: {  	v38 =	vld [tilespmem:$0x6E00]  }
0x62: {  	v39 =	vld [tilespmem:$0x6A00]  }
0x63: {  	v40 =	vld [tilespmem:$0x6E80]  }
0x64: {  	v41 =	vld [tilespmem:$0x6A80]  }
0x65: {  	v42 =	vld [tilespmem:$0x6F00]  }
0x66: {  	v43 =	vld [tilespmem:$0x6F80];
	v2 =	vadd.f32 v3, v2  }
0x67: {  	v3 =	vld [tilespmem:$0x6B00];
	v4 =	vadd.f32 v33, v32  }
0x68: {  	v44 =	vld [tilespmem:$0x6B80];
	[tilespmem:$0x6C00] =	vst v2;
	v2 =	vadd.f32 v35, v34  }
0x69: {  	v45 =	vadd.f32 v37, v36;
	[tilespmem:$0x6C80] =	vst v4  }
0x6a: {  	[tilespmem:$0x6D00] =	vst v2;
	v2 =	vadd.f32 v39, v38  }
0x6b: {  	v46 =	vadd.f32 v41, v40;
	[tilespmem:$0x6D80] =	vst v45  }
0x6c: {  	[tilespmem:$0x6E00] =	vst v2;
	v2 =	vadd.f32 v3, v42  }
0x6d: {  	[tilespmem:$0x6E80] =	vst v46;
	v3 =	vadd.f32 v44, v43  }
0x6e: {  	[tilespmem:$0x6F00] =	vst v2  }
0x6f: {  	[tilespmem:$0x6F80] =	vst v3  }
0x70: {  	[tilespmem:s29], [sflag:$0x1] =	stream.linear.gather [spmem:s8], $0x400, $0x38;
	[tilespmem:$0x7800] =	vst v63  }
0x71: {  	_ =	swait.ge [sflag:s24], $0x400  }
0x72: {  	[sflag:s24] =	ssyncset.done $0x0  }
0x73: {  	[sflag:s24] =	ssyncadd.s32 $0xFFFFFC00  }
0x74: {  	v2 =	vld [tilespmem:$0x6C00]  }
0x75: {  	v3 =	vld [tilespmem:$0x6800]  }
0x76: {  	v47 =	vld [tilespmem:$0x6C80]  }
0x77: {  	v48 =	vld [tilespmem:$0x6880]  }
0x78: {  	v49 =	vld [tilespmem:$0x6D00]  }
0x79: {  	v50 =	vld [tilespmem:$0x6900]  }
0x7a: {  	v51 =	vld [tilespmem:$0x6D80]  }
0x7b: {  	v52 =	vld [tilespmem:$0x6980]  }
0x7c: {  	v53 =	vld [tilespmem:$0x6E00]  }
0x7d: {  	v54 =	vld [tilespmem:$0x6A00]  }
0x7e: {  	v55 =	vld [tilespmem:$0x6E80]  }
0x7f: {  	v56 =	vld [tilespmem:$0x6A80]  }
0x80: {  	v57 =	vld [tilespmem:$0x6F00]  }
0x81: {  	v58 =	vld [tilespmem:$0x6F80];
	v2 =	vadd.f32 v3, v2  }
0x82: {  	v3 =	vld [tilespmem:$0x6B00];
	v4 =	vadd.f32 v48, v47  }
0x83: {  	v59 =	vld [tilespmem:$0x6B80];
	[tilespmem:$0x6C00] =	vst v2;
	v2 =	vadd.f32 v50, v49  }
0x84: {  	v60 =	vadd.f32 v52, v51;
	[tilespmem:$0x6C80] =	vst v4  }
0x85: {  	[tilespmem:$0x6D00] =	vst v2;
	v2 =	vadd.f32 v54, v53  }
0x86: {  	v61 =	vadd.f32 v56, v55;
	[tilespmem:$0x6D80] =	vst v60  }
0x87: {  	[tilespmem:$0x6E00] =	vst v2;
	v2 =	vadd.f32 v3, v57  }
0x88: {  	[tilespmem:$0x6E80] =	vst v61;
	v3 =	vadd.f32 v59, v58  }
0x89: {  	[tilespmem:$0x6F00] =	vst v2  }
0x8a: {  	[tilespmem:$0x6F80] =	vst v3  }
0x8b: {  	[tilespmem:s29], [sflag:$0x1] =	stream.linear.gather [spmem:s9], $0x400, $0x38;
	[tilespmem:$0x7800] =	vst v63  }
0x8c: {  	_ =	swait.ge [sflag:s24], $0x400  }
0x8d: {  	[sflag:s24] =	ssyncset.done $0x0  }
0x8e: {  	[sflag:s24] =	ssyncadd.s32 $0xFFFFFC00  }
0x8f: {  	v2 =	vld [tilespmem:$0x6C00]  }
0x90: {  	v3 =	vld [tilespmem:$0x6800]  }
0x91: {  	v62 =	vld [tilespmem:$0x6C80]  }
0x92: {  	v63 =	vld [tilespmem:$0x6880]  }
0x93: {  	v16 =	vld [tilespmem:$0x6D00]  }
0x94: {  	v17 =	vld [tilespmem:$0x6900]  }
0x95: {  	v18 =	vld [tilespmem:$0x6D80]  }
0x96: {  	v19 =	vld [tilespmem:$0x6980]  }
0x97: {  	v20 =	vld [tilespmem:$0x6E00]  }
0x98: {  	v21 =	vld [tilespmem:$0x6A00]  }
0x99: {  	v22 =	vld [tilespmem:$0x6E80]  }
0x9a: {  	v23 =	vld [tilespmem:$0x6A80]  }
0x9b: {  	v24 =	vld [tilespmem:$0x6F00]  }
0x9c: {  	v25 =	vld [tilespmem:$0x6F80];
	v2 =	vadd.f32 v3, v2  }
0x9d: {  	v3 =	vld [tilespmem:$0x6B00];
	v4 =	vadd.f32 v63, v62  }
0x9e: {  	v26 =	vld [tilespmem:$0x6B80];
	[tilespmem:$0x6C00] =	vst v2;
	v2 =	vadd.f32 v17, v16  }
0x9f: {  	v27 =	vadd.f32 v19, v18;
	[tilespmem:$0x6C80] =	vst v4  }
0xa0: {  	[tilespmem:$0x6D00] =	vst v2;
	v2 =	vadd.f32 v21, v20  }
0xa1: {  	v28 =	vadd.f32 v23, v22;
	[tilespmem:$0x6D80] =	vst v27  }
0xa2: {  	[tilespmem:$0x6E00] =	vst v2;
	v2 =	vadd.f32 v3, v24  }
0xa3: {  	[tilespmem:$0x6E80] =	vst v28;
	v3 =	vadd.f32 v26, v25  }
0xa4: {  	[tilespmem:$0x6F00] =	vst v2  }
0xa5: {  	[tilespmem:$0x6F80] =	vst v3  }
0xa6: {  	[tilespmem:s29], [sflag:$0x1] =	stream.linear.gather [spmem:s10], $0x400, $0x38;
	[tilespmem:$0x7800] =	vst v63  }
0xa7: {  	_ =	swait.ge [sflag:s24], $0x400  }
0xa8: {  	[sflag:s24] =	ssyncset.done $0x0  }
0xa9: {  	[sflag:s24] =	ssyncadd.s32 $0xFFFFFC00  }
0xaa: {  	v2 =	vld [tilespmem:$0x6C00]  }
0xab: {  	v3 =	vld [tilespmem:$0x6800]  }
0xac: {  	v29 =	vld [tilespmem:$0x6C80]  }
0xad: {  	v30 =	vld [tilespmem:$0x6880]  }
0xae: {  	v31 =	vld [tilespmem:$0x6D00]  }
0xaf: {  	v32 =	vld [tilespmem:$0x6900]  }
0xb0: {  	v33 =	vld [tilespmem:$0x6D80]  }
0xb1: {  	v34 =	vld [tilespmem:$0x6980]  }
0xb2: {  	v35 =	vld [tilespmem:$0x6E00]  }
0xb3: {  	v36 =	vld [tilespmem:$0x6A00]  }
0xb4: {  	v37 =	vld [tilespmem:$0x6E80]  }
0xb5: {  	v38 =	vld [tilespmem:$0x6A80]  }
0xb6: {  	v39 =	vld [tilespmem:$0x6F00]  }
0xb7: {  	v40 =	vld [tilespmem:$0x6F80];
	v2 =	vadd.f32 v3, v2  }
0xb8: {  	v3 =	vld [tilespmem:$0x6B00];
	v4 =	vadd.f32 v30, v29  }
0xb9: {  	v41 =	vld [tilespmem:$0x6B80];
	[tilespmem:$0x6C00] =	vst v2;
	v2 =	vadd.f32 v32, v31  }
0xba: {  	v42 =	vadd.f32 v34, v33;
	[tilespmem:$0x6C80] =	vst v4  }
0xbb: {  	[tilespmem:$0x6D00] =	vst v2;
	v2 =	vadd.f32 v36, v35  }
0xbc: {  	v43 =	vadd.f32 v38, v37;
	[tilespmem:$0x6D80] =	vst v42  }
0xbd: {  	[tilespmem:$0x6E00] =	vst v2;
	v2 =	vadd.f32 v3, v39  }
0xbe: {  	[tilespmem:$0x6E80] =	vst v43;
	v3 =	vadd.f32 v41, v40  }
0xbf: {  	[tilespmem:$0x6F00] =	vst v2  }
0xc0: {  	[tilespmem:$0x6F80] =	vst v3  }
0xc1: {  	[tilespmem:s29], [sflag:$0x1] =	stream.linear.gather [spmem:s11], $0x400, $0x38;
	[tilespmem:$0x7800] =	vst v63  }
0xc2: {  	_ =	swait.ge [sflag:s24], $0x400  }
0xc3: {  	[sflag:s24] =	ssyncset.done $0x0  }
0xc4: {  	[sflag:s24] =	ssyncadd.s32 $0xFFFFFC00  }
0xc5: {  	v2 =	vld [tilespmem:$0x6C00]  }
0xc6: {  	v3 =	vld [tilespmem:$0x6800]  }
0xc7: {  	v44 =	vld [tilespmem:$0x6C80]  }
0xc8: {  	v45 =	vld [tilespmem:$0x6880]  }
0xc9: {  	v46 =	vld [tilespmem:$0x6D00]  }
0xca: {  	v47 =	vld [tilespmem:$0x6900]  }
0xcb: {  	v48 =	vld [tilespmem:$0x6D80]  }
0xcc: {  	v49 =	vld [tilespmem:$0x6980]  }
0xcd: {  	v50 =	vld [tilespmem:$0x6E00]  }
0xce: {  	v51 =	vld [tilespmem:$0x6A00]  }
0xcf: {  	v52 =	vld [tilespmem:$0x6E80]  }
0xd0: {  	v53 =	vld [tilespmem:$0x6A80]  }
0xd1: {  	v54 =	vld [tilespmem:$0x6F00]  }
0xd2: {  	v55 =	vld [tilespmem:$0x6F80];
	v2 =	vadd.f32 v3, v2  }
0xd3: {  	v3 =	vld [tilespmem:$0x6B00];
	v4 =	vadd.f32 v45, v44  }
0xd4: {  	v56 =	vld [tilespmem:$0x6B80];
	[tilespmem:$0x6C00] =	vst v2;
	v2 =	vadd.f32 v47, v46  }
0xd5: {  	v57 =	vadd.f32 v49, v48;
	[tilespmem:$0x6C80] =	vst v4  }
0xd6: {  	[tilespmem:$0x6D00] =	vst v2;
	v2 =	vadd.f32 v51, v50  }
0xd7: {  	v58 =	vadd.f32 v53, v52;
	[tilespmem:$0x6D80] =	vst v57  }
0xd8: {  	[tilespmem:$0x6E00] =	vst v2;
	v2 =	vadd.f32 v3, v54  }
0xd9: {  	[tilespmem:$0x6E80] =	vst v58;
	v3 =	vadd.f32 v56, v55  }
0xda: {  	[tilespmem:$0x6F00] =	vst v2  }
0xdb: {  	[tilespmem:$0x6F80] =	vst v3  }
0xdc: {  	[tilespmem:s29], [sflag:$0x1] =	stream.linear.gather [spmem:s12], $0x400, $0x38;
	[tilespmem:$0x7800] =	vst v63  }
0xdd: {  	_ =	swait.ge [sflag:s24], $0x400  }
0xde: {  	[sflag:s24] =	ssyncset.done $0x0  }
0xdf: {  	[sflag:s24] =	ssyncadd.s32 $0xFFFFFC00  }
0xe0: {  	v2 =	vld [tilespmem:$0x6C00]  }
0xe1: {  	v3 =	vld [tilespmem:$0x6800]  }
0xe2: {  	v59 =	vld [tilespmem:$0x6C80]  }
0xe3: {  	v60 =	vld [tilespmem:$0x6880]  }
0xe4: {  	v61 =	vld [tilespmem:$0x6D00]  }
0xe5: {  	v62 =	vld [tilespmem:$0x6900]  }
0xe6: {  	v63 =	vld [tilespmem:$0x6D80]  }
0xe7: {  	v16 =	vld [tilespmem:$0x6980]  }
0xe8: {  	v17 =	vld [tilespmem:$0x6E00]  }
0xe9: {  	v18 =	vld [tilespmem:$0x6A00]  }
0xea: {  	v19 =	vld [tilespmem:$0x6E80]  }
0xeb: {  	v20 =	vld [tilespmem:$0x6A80]  }
0xec: {  	v21 =	vld [tilespmem:$0x6F00]  }
0xed: {  	v22 =	vld [tilespmem:$0x6F80];
	v2 =	vadd.f32 v3, v2  }
0xee: {  	v3 =	vld [tilespmem:$0x6B00];
	v4 =	vadd.f32 v60, v59  }
0xef: {  	v23 =	vld [tilespmem:$0x6B80];
	[tilespmem:$0x6C00] =	vst v2;
	v2 =	vadd.f32 v62, v61  }
0xf0: {  	v24 =	vadd.f32 v16, v63;
	[tilespmem:$0x6C80] =	vst v4  }
0xf1: {  	[tilespmem:$0x6D00] =	vst v2;
	v2 =	vadd.f32 v18, v17  }
0xf2: {  	v25 =	vadd.f32 v20, v19;
	[tilespmem:$0x6D80] =	vst v24  }
0xf3: {  	[tilespmem:$0x6E00] =	vst v2;
	v2 =	vadd.f32 v3, v21  }
0xf4: {  	[tilespmem:$0x6E80] =	vst v25;
	v3 =	vadd.f32 v23, v22  }
0xf5: {  	[tilespmem:$0x6F00] =	vst v2  }
0xf6: {  	[tilespmem:$0x6F80] =	vst v3  }
0xf7: {  	[tilespmem:s29], [sflag:$0x1] =	stream.linear.gather [spmem:s13], $0x400, $0x38;
	[tilespmem:$0x7800] =	vst v63  }
0xf8: {  	_ =	swait.ge [sflag:s24], $0x400  }
0xf9: {  	[sflag:s24] =	ssyncset.done $0x0  }
0xfa: {  	[sflag:s24] =	ssyncadd.s32 $0xFFFFFC00  }
0xfb: {  	v2 =	vld [tilespmem:$0x6C00]  }
0xfc: {  	v3 =	vld [tilespmem:$0x6800]  }
0xfd: {  	v26 =	vld [tilespmem:$0x6C80]  }
0xfe: {  	v27 =	vld [tilespmem:$0x6880]  }
0xff: {  	v28 =	vld [tilespmem:$0x6D00]  }
0x100: {  	v29 =	vld [tilespmem:$0x6900]  }
0x101: {  	v30 =	vld [tilespmem:$0x6D80]  }
0x102: {  	v31 =	vld [tilespmem:$0x6980]  }
0x103: {  	v32 =	vld [tilespmem:$0x6E00]  }
0x104: {  	v33 =	vld [tilespmem:$0x6A00]  }
0x105: {  	v34 =	vld [tilespmem:$0x6E80]  }
0x106: {  	v35 =	vld [tilespmem:$0x6A80]  }
0x107: {  	v36 =	vld [tilespmem:$0x6F00]  }
0x108: {  	v37 =	vld [tilespmem:$0x6F80];
	v2 =	vadd.f32 v3, v2  }
0x109: {  	v3 =	vld [tilespmem:$0x6B00];
	v4 =	vadd.f32 v27, v26  }
0x10a: {  	v38 =	vld [tilespmem:$0x6B80];
	[tilespmem:$0x6C00] =	vst v2;
	v2 =	vadd.f32 v29, v28  }
0x10b: {  	v39 =	vadd.f32 v31, v30;
	[tilespmem:$0x6C80] =	vst v4  }
0x10c: {  	[tilespmem:$0x6D00] =	vst v2;
	v2 =	vadd.f32 v33, v32  }
0x10d: {  	v40 =	vadd.f32 v35, v34;
	[tilespmem:$0x6D80] =	vst v39  }
0x10e: {  	[tilespmem:$0x6E00] =	vst v2;
	v2 =	vadd.f32 v3, v36  }
0x10f: {  	[tilespmem:$0x6E80] =	vst v40;
	v3 =	vadd.f32 v38, v37  }
0x110: {  	[tilespmem:$0x6F00] =	vst v2  }
0x111: {  	[tilespmem:$0x6F80] =	vst v3  }
0x112: {  	[tilespmem:s29], [sflag:$0x1] =	stream.linear.gather [spmem:s14], $0x400, $0x38;
	[tilespmem:$0x7800] =	vst v63  }
0x113: {  	_ =	swait.ge [sflag:s24], $0x400  }
0x114: {  	[sflag:s24] =	ssyncset.done $0x0  }
0x115: {  	[sflag:s24] =	ssyncadd.s32 $0xFFFFFC00  }
0x116: {  	v2 =	vld [tilespmem:$0x6C00]  }
0x117: {  	v3 =	vld [tilespmem:$0x6800]  }
0x118: {  	v41 =	vld [tilespmem:$0x6C80]  }
0x119: {  	v42 =	vld [tilespmem:$0x6880]  }
0x11a: {  	v43 =	vld [tilespmem:$0x6D00]  }
0x11b: {  	v44 =	vld [tilespmem:$0x6900]  }
0x11c: {  	v45 =	vld [tilespmem:$0x6D80]  }
0x11d: {  	v46 =	vld [tilespmem:$0x6980]  }
0x11e: {  	v47 =	vld [tilespmem:$0x6E00]  }
0x11f: {  	v48 =	vld [tilespmem:$0x6A00]  }
0x120: {  	v49 =	vld [tilespmem:$0x6E80]  }
0x121: {  	v50 =	vld [tilespmem:$0x6A80]  }
0x122: {  	v51 =	vld [tilespmem:$0x6F00]  }
0x123: {  	v52 =	vld [tilespmem:$0x6F80];
	v2 =	vadd.f32 v3, v2  }
0x124: {  	v3 =	vld [tilespmem:$0x6B00];
	v4 =	vadd.f32 v42, v41  }
0x125: {  	v53 =	vld [tilespmem:$0x6B80];
	[tilespmem:$0x6C00] =	vst v2;
	v2 =	vadd.f32 v44, v43  }
0x126: {  	v54 =	vadd.f32 v46, v45;
	[tilespmem:$0x6C80] =	vst v4  }
0x127: {  	[tilespmem:$0x6D00] =	vst v2;
	v2 =	vadd.f32 v48, v47  }
0x128: {  	v55 =	vadd.f32 v50, v49;
	[tilespmem:$0x6D80] =	vst v54  }
0x129: {  	[tilespmem:$0x6E00] =	vst v2;
	v2 =	vadd.f32 v3, v51  }
0x12a: {  	[tilespmem:$0x6E80] =	vst v55;
	v3 =	vadd.f32 v53, v52  }
0x12b: {  	[tilespmem:$0x6F00] =	vst v2  }
0x12c: {  	[tilespmem:$0x6F80] =	vst v3  }
0x12d: {  	[tilespmem:s29], [sflag:$0x1] =	stream.linear.gather [spmem:s15], $0x400, $0x38;
	[tilespmem:$0x7800] =	vst v63  }
0x12e: {  	_ =	swait.ge [sflag:s24], $0x400  }
0x12f: {  	[sflag:s24] =	ssyncset.done $0x0  }
0x130: {  	[sflag:s24] =	ssyncadd.s32 $0xFFFFFC00  }
0x131: {  	v2 =	vld [tilespmem:$0x6C00]  }
0x132: {  	v3 =	vld [tilespmem:$0x6800]  }
0x133: {  	v56 =	vld [tilespmem:$0x6C80]  }
0x134: {  	v57 =	vld [tilespmem:$0x6880]  }
0x135: {  	v58 =	vld [tilespmem:$0x6D00]  }
0x136: {  	v59 =	vld [tilespmem:$0x6900]  }
0x137: {  	v60 =	vld [tilespmem:$0x6D80]  }
0x138: {  	v61 =	vld [tilespmem:$0x6980]  }
0x139: {  	v62 =	vld [tilespmem:$0x6E00]  }
0x13a: {  	v63 =	vld [tilespmem:$0x6A00]  }
0x13b: {  	v16 =	vld [tilespmem:$0x6E80]  }
0x13c: {  	v17 =	vld [tilespmem:$0x6A80]  }
0x13d: {  	v18 =	vld [tilespmem:$0x6F00]  }
0x13e: {  	v19 =	vld [tilespmem:$0x6F80];
	v2 =	vadd.f32 v3, v2  }
0x13f: {  	v3 =	vld [tilespmem:$0x6B00];
	v4 =	vadd.f32 v57, v56  }
0x140: {  	v20 =	vld [tilespmem:$0x6B80];
	[tilespmem:$0x6C00] =	vst v2;
	v2 =	vadd.f32 v59, v58  }
0x141: {  	v21 =	vadd.f32 v61, v60;
	[tilespmem:$0x6C80] =	vst v4  }
0x142: {  	[tilespmem:$0x6D00] =	vst v2;
	v2 =	vadd.f32 v63, v62  }
0x143: {  	v22 =	vadd.f32 v17, v16;
	[tilespmem:$0x6D80] =	vst v21  }
0x144: {  	[tilespmem:$0x6E00] =	vst v2;
	v2 =	vadd.f32 v3, v18  }
0x145: {  	[tilespmem:$0x6E80] =	vst v22;
	v3 =	vadd.f32 v20, v19  }
0x146: {  	[tilespmem:$0x6F00] =	vst v2  }
0x147: {  	[tilespmem:$0x6F80] =	vst v3  }
0x148: {  	[tilespmem:s29], [sflag:$0x1] =	stream.linear.gather [spmem:s16], $0x400, $0x38;
	[tilespmem:$0x7800] =	vst v63  }
0x149: {  	_ =	swait.ge [sflag:s24], $0x400  }
0x14a: {  	[sflag:s24] =	ssyncset.done $0x0  }
0x14b: {  	[sflag:s24] =	ssyncadd.s32 $0xFFFFFC00  }
0x14c: {  	v2 =	vld [tilespmem:$0x6C00]  }
0x14d: {  	v3 =	vld [tilespmem:$0x6800]  }
0x14e: {  	v23 =	vld [tilespmem:$0x6C80]  }
0x14f: {  	v24 =	vld [tilespmem:$0x6880]  }
0x150: {  	v25 =	vld [tilespmem:$0x6D00]  }
0x151: {  	v26 =	vld [tilespmem:$0x6900]  }
0x152: {  	v27 =	vld [tilespmem:$0x6D80]  }
0x153: {  	v28 =	vld [tilespmem:$0x6980]  }
0x154: {  	v29 =	vld [tilespmem:$0x6E00]  }
0x155: {  	v30 =	vld [tilespmem:$0x6A00]  }
0x156: {  	v31 =	vld [tilespmem:$0x6E80]  }
0x157: {  	v32 =	vld [tilespmem:$0x6A80]  }
0x158: {  	v33 =	vld [tilespmem:$0x6F00]  }
0x159: {  	v34 =	vld [tilespmem:$0x6F80];
	v2 =	vadd.f32 v3, v2  }
0x15a: {  	v3 =	vld [tilespmem:$0x6B00];
	v4 =	vadd.f32 v24, v23  }
0x15b: {  	v35 =	vld [tilespmem:$0x6B80];
	[tilespmem:$0x6C00] =	vst v2;
	v2 =	vadd.f32 v26, v25  }
0x15c: {  	v36 =	vadd.f32 v28, v27;
	[tilespmem:$0x6C80] =	vst v4  }
0x15d: {  	[tilespmem:$0x6D00] =	vst v2;
	v2 =	vadd.f32 v30, v29  }
0x15e: {  	v37 =	vadd.f32 v32, v31;
	[tilespmem:$0x6D80] =	vst v36  }
0x15f: {  	[tilespmem:$0x6E00] =	vst v2;
	v2 =	vadd.f32 v3, v33  }
0x160: {  	[tilespmem:$0x6E80] =	vst v37;
	v3 =	vadd.f32 v35, v34  }
0x161: {  	[tilespmem:$0x6F00] =	vst v2  }
0x162: {  	[tilespmem:$0x6F80] =	vst v3  }
0x163: {  	[tilespmem:s29], [sflag:$0x1] =	stream.linear.gather [spmem:s17], $0x400, $0x38;
	[tilespmem:$0x7800] =	vst v63  }
0x164: {  	_ =	swait.ge [sflag:s24], $0x400  }
0x165: {  	[sflag:s24] =	ssyncset.done $0x0  }
0x166: {  	[sflag:s24] =	ssyncadd.s32 $0xFFFFFC00  }
0x167: {  	v2 =	vld [tilespmem:$0x6C00]  }
0x168: {  	v3 =	vld [tilespmem:$0x6800]  }
0x169: {  	v38 =	vld [tilespmem:$0x6C80]  }
0x16a: {  	v39 =	vld [tilespmem:$0x6880]  }
0x16b: {  	v40 =	vld [tilespmem:$0x6D00]  }
0x16c: {  	v41 =	vld [tilespmem:$0x6900]  }
0x16d: {  	v42 =	vld [tilespmem:$0x6D80]  }
0x16e: {  	v43 =	vld [tilespmem:$0x6980]  }
0x16f: {  	v44 =	vld [tilespmem:$0x6E00]  }
0x170: {  	v45 =	vld [tilespmem:$0x6A00]  }
0x171: {  	v46 =	vld [tilespmem:$0x6E80]  }
0x172: {  	v47 =	vld [tilespmem:$0x6A80]  }
0x173: {  	v48 =	vld [tilespmem:$0x6F00]  }
0x174: {  	v49 =	vld [tilespmem:$0x6F80];
	v2 =	vadd.f32 v3, v2  }
0x175: {  	v3 =	vld [tilespmem:$0x6B00];
	v4 =	vadd.f32 v39, v38  }
0x176: {  	v50 =	vld [tilespmem:$0x6B80];
	[tilespmem:$0x6C00] =	vst v2;
	v2 =	vadd.f32 v41, v40  }
0x177: {  	v51 =	vadd.f32 v43, v42;
	[tilespmem:$0x6C80] =	vst v4  }
0x178: {  	[tilespmem:$0x6D00] =	vst v2;
	v2 =	vadd.f32 v45, v44  }
0x179: {  	v52 =	vadd.f32 v47, v46;
	[tilespmem:$0x6D80] =	vst v51  }
0x17a: {  	[tilespmem:$0x6E00] =	vst v2;
	v2 =	vadd.f32 v3, v48  }
0x17b: {  	[tilespmem:$0x6E80] =	vst v52;
	v3 =	vadd.f32 v50, v49  }
0x17c: {  	[tilespmem:$0x6F00] =	vst v2  }
0x17d: {  	[tilespmem:$0x6F80] =	vst v3  }
0x17e: {  	[tilespmem:s29], [sflag:$0x1] =	stream.linear.gather [spmem:s18], $0x400, $0x38;
	[tilespmem:$0x7800] =	vst v63  }
0x17f: {  	_ =	swait.ge [sflag:s24], $0x400  }
0x180: {  	[sflag:s24] =	ssyncset.done $0x0  }
0x181: {  	[sflag:s24] =	ssyncadd.s32 $0xFFFFFC00  }
0x182: {  	v2 =	vld [tilespmem:$0x6C00]  }
0x183: {  	v3 =	vld [tilespmem:$0x6800]  }
0x184: {  	v53 =	vld [tilespmem:$0x6C80]  }
0x185: {  	v54 =	vld [tilespmem:$0x6880]  }
0x186: {  	v55 =	vld [tilespmem:$0x6D00]  }
0x187: {  	v56 =	vld [tilespmem:$0x6900]  }
0x188: {  	v57 =	vld [tilespmem:$0x6D80]  }
0x189: {  	v58 =	vld [tilespmem:$0x6980]  }
0x18a: {  	v59 =	vld [tilespmem:$0x6E00]  }
0x18b: {  	v60 =	vld [tilespmem:$0x6A00]  }
0x18c: {  	v61 =	vld [tilespmem:$0x6E80]  }
0x18d: {  	v62 =	vld [tilespmem:$0x6A80]  }
0x18e: {  	v63 =	vld [tilespmem:$0x6F00]  }
0x18f: {  	v15 =	vld [tilespmem:$0x6F80];
	v2 =	vadd.f32 v3, v2  }
0x190: {  	v3 =	vld [tilespmem:$0x6B00];
	v4 =	vadd.f32 v54, v53  }
0x191: {  	v16 =	vld [tilespmem:$0x6B80];
	[tilespmem:$0x6C00] =	vst v2;
	v2 =	vadd.f32 v56, v55  }
0x192: {  	v17 =	vadd.f32 v58, v57;
	[tilespmem:$0x6C80] =	vst v4  }
0x193: {  	[tilespmem:$0x6D00] =	vst v2;
	v2 =	vadd.f32 v60, v59  }
0x194: {  	v18 =	vadd.f32 v62, v61;
	[tilespmem:$0x6D80] =	vst v17  }
0x195: {  	[tilespmem:$0x6E00] =	vst v2;
	v2 =	vadd.f32 v3, v63  }
0x196: {  	[tilespmem:$0x6E80] =	vst v18;
	v3 =	vadd.f32 v16, v15  }
0x197: {  	[tilespmem:$0x6F00] =	vst v2  }
0x198: {  	[tilespmem:$0x6F80] =	vst v3  }
0x199: {  	[tilespmem:s29], [sflag:$0x1] =	stream.linear.gather [spmem:s19], $0x400, $0x38;
	[tilespmem:$0x7800] =	vst v63  }
0x19a: {  	_ =	swait.ge [sflag:s24], $0x400  }
0x19b: {  	[sflag:s24] =	ssyncset.done $0x0  }
0x19c: {  	[sflag:s24] =	ssyncadd.s32 $0xFFFFFC00  }
0x19d: {  	v2 =	vld [tilespmem:$0x6C00]  }
0x19e: {  	v3 =	vld [tilespmem:$0x6800]  }
0x19f: {  	v19 =	vld [tilespmem:$0x6C80]  }
0x1a0: {  	v20 =	vld [tilespmem:$0x6880]  }
0x1a1: {  	v21 =	vld [tilespmem:$0x6D00]  }
0x1a2: {  	v22 =	vld [tilespmem:$0x6900]  }
0x1a3: {  	v23 =	vld [tilespmem:$0x6D80]  }
0x1a4: {  	v24 =	vld [tilespmem:$0x6980]  }
0x1a5: {  	v25 =	vld [tilespmem:$0x6E00]  }
0x1a6: {  	v26 =	vld [tilespmem:$0x6A00]  }
0x1a7: {  	v27 =	vld [tilespmem:$0x6E80]  }
0x1a8: {  	v28 =	vld [tilespmem:$0x6A80]  }
0x1a9: {  	v29 =	vld [tilespmem:$0x6F00]  }
0x1aa: {  	v30 =	vld [tilespmem:$0x6F80];
	v2 =	vadd.f32 v3, v2  }
0x1ab: {  	v3 =	vld [tilespmem:$0x6B00];
	v4 =	vadd.f32 v20, v19  }
0x1ac: {  	v31 =	vld [tilespmem:$0x6B80];
	[tilespmem:$0x6C00] =	vst v2;
	v2 =	vadd.f32 v22, v21  }
0x1ad: {  	v32 =	vadd.f32 v24, v23;
	[tilespmem:$0x6C80] =	vst v4  }
0x1ae: {  	[tilespmem:$0x6D00] =	vst v2;
	v2 =	vadd.f32 v26, v25  }
0x1af: {  	v33 =	vadd.f32 v28, v27;
	[tilespmem:$0x6D80] =	vst v32  }
0x1b0: {  	[tilespmem:$0x6E00] =	vst v2;
	v2 =	vadd.f32 v3, v29  }
0x1b1: {  	[tilespmem:$0x6E80] =	vst v33;
	v3 =	vadd.f32 v31, v30  }
0x1b2: {  	[tilespmem:$0x6F00] =	vst v2  }
0x1b3: {  	[tilespmem:$0x6F80] =	vst v3  }
0x1b4: {  	[tilespmem:s29], [sflag:$0x1] =	stream.linear.gather [spmem:s20], $0x400, $0x38;
	[tilespmem:$0x7800] =	vst v63  }
0x1b5: {  	_ =	swait.ge [sflag:s24], $0x400  }
0x1b6: {  	[sflag:s24] =	ssyncset.done $0x0  }
0x1b7: {  	[sflag:s24] =	ssyncadd.s32 $0xFFFFFC00  }
0x1b8: {  	v2 =	vld [tilespmem:$0x6C00]  }
0x1b9: {  	v3 =	vld [tilespmem:$0x6800]  }
0x1ba: {  	v34 =	vld [tilespmem:$0x6C80]  }
0x1bb: {  	v35 =	vld [tilespmem:$0x6880]  }
0x1bc: {  	v36 =	vld [tilespmem:$0x6D00]  }
0x1bd: {  	v37 =	vld [tilespmem:$0x6900]  }
0x1be: {  	v38 =	vld [tilespmem:$0x6D80]  }
0x1bf: {  	v39 =	vld [tilespmem:$0x6980]  }
0x1c0: {  	v40 =	vld [tilespmem:$0x6E00]  }
0x1c1: {  	v41 =	vld [tilespmem:$0x6A00]  }
0x1c2: {  	v42 =	vld [tilespmem:$0x6E80]  }
0x1c3: {  	v43 =	vld [tilespmem:$0x6A80]  }
0x1c4: {  	v44 =	vld [tilespmem:$0x6F00]  }
0x1c5: {  	v45 =	vld [tilespmem:$0x6F80];
	v2 =	vadd.f32 v3, v2  }
0x1c6: {  	v3 =	vld [tilespmem:$0x6B00];
	v4 =	vadd.f32 v35, v34  }
0x1c7: {  	v46 =	vld [tilespmem:$0x6B80];
	[tilespmem:$0x6C00] =	vst v2;
	v2 =	vadd.f32 v37, v36  }
0x1c8: {  	v47 =	vadd.f32 v39, v38;
	[tilespmem:$0x6C80] =	vst v4  }
0x1c9: {  	[tilespmem:$0x6D00] =	vst v2;
	v2 =	vadd.f32 v41, v40  }
0x1ca: {  	v48 =	vadd.f32 v43, v42;
	[tilespmem:$0x6D80] =	vst v47  }
0x1cb: {  	[tilespmem:$0x6E00] =	vst v2;
	v2 =	vadd.f32 v3, v44  }
0x1cc: {  	[tilespmem:$0x6E80] =	vst v48;
	v3 =	vadd.f32 v46, v45  }
0x1cd: {  	[tilespmem:$0x6F00] =	vst v2  }
0x1ce: {  	[tilespmem:$0x6F80] =	vst v3  }
0x1cf: {  	[tilespmem:s29], [sflag:$0x1] =	stream.linear.gather [spmem:s21], $0x400, $0x38;
	[tilespmem:$0x7800] =	vst v63  }
0x1d0: {  	_ =	swait.ge [sflag:s24], $0x400  }
0x1d1: {  	[sflag:s24] =	ssyncset.done $0x0  }
0x1d2: {  	[sflag:s24] =	ssyncadd.s32 $0xFFFFFC00  }
0x1d3: {  	v2 =	vld [tilespmem:$0x6C00]  }
0x1d4: {  	v3 =	vld [tilespmem:$0x6800]  }
0x1d5: {  	v49 =	vld [tilespmem:$0x6C80]  }
0x1d6: {  	v50 =	vld [tilespmem:$0x6880]  }
0x1d7: {  	v51 =	vld [tilespmem:$0x6D00]  }
0x1d8: {  	v52 =	vld [tilespmem:$0x6900]  }
0x1d9: {  	v53 =	vld [tilespmem:$0x6D80]  }
0x1da: {  	v54 =	vld [tilespmem:$0x6980]  }
0x1db: {  	v55 =	vld [tilespmem:$0x6E00]  }
0x1dc: {  	v56 =	vld [tilespmem:$0x6A00]  }
0x1dd: {  	v57 =	vld [tilespmem:$0x6E80]  }
0x1de: {  	v58 =	vld [tilespmem:$0x6A80]  }
0x1df: {  	v59 =	vld [tilespmem:$0x6F00]  }
0x1e0: {  	v60 =	vld [tilespmem:$0x6F80];
	v2 =	vadd.f32 v3, v2  }
0x1e1: {  	v3 =	vld [tilespmem:$0x6B00];
	v4 =	vadd.f32 v50, v49  }
0x1e2: {  	v61 =	vld [tilespmem:$0x6B80];
	[tilespmem:$0x6C00] =	vst v2;
	v2 =	vadd.f32 v52, v51  }
0x1e3: {  	v62 =	vadd.f32 v54, v53;
	[tilespmem:$0x6C80] =	vst v4  }
0x1e4: {  	[tilespmem:$0x6D00] =	vst v2;
	v2 =	vadd.f32 v56, v55  }
0x1e5: {  	v63 =	vadd.f32 v58, v57;
	[tilespmem:$0x6D80] =	vst v62  }
0x1e6: {  	[tilespmem:$0x6E00] =	vst v2;
	v2 =	vadd.f32 v3, v59  }
0x1e7: {  	s31 =	sadd.s32 $0x1, s31;
	[tilespmem:$0x6E80] =	vst v63;
	v3 =	vadd.f32 v61, v60  }
0x1e8: {  	p0 =	sne.s32 s31, s23;
	[tilespmem:$0x6F00] =	vst v2  }
.Ltmp3:
0x1e9: {  	[tilespmem:$0x6F80] =	vst v3;
	(pc) =	sbr.rel @p0 .LBB2_1-.Ltmp3, $4  }
0x1ea: {  	[hbm4b:s22+s2] =	stream.linear.scatter [tilespmem:s30], [sflag:$0x1], $0x400, $0x38;
	[tilespmem:$0x7800] =	vst v63  }
0x1eb: {  	_ =	swait.ge [sflag:s24], $0x400  }
0x1ec: {  	[sflag:s24] =	ssyncset.done $0x0  }
0x1ed: {  	[sflag:s24] =	ssyncadd.s32 $0xFFFFFC00  }
0x1ee: {  	_ =	sfence.sel $0x180000  }
0x1ef: {  	[bflag:$0x0] =	sbarrier.arrive $0xFFFF  }
0x1f0: {  	_ =	strace $0x90000047  }
0x1f1: {  	s0 =	stileid.u32;
	[bflag:$0x2] =	sbarrier.arrive $0xFFFF  }
0x1f2: {  	p0 =	sne.s32 s0, $0x0;
	s0 =	rddreg [dreg:$0x2]  }
0x1f3: {  	s0 =	sadd.s32 @!p0 $0x100000, s0  }
0x1f4: {  	[sflag:s0] =	ssyncadd.tile.s32 @!p0 $0x1;
	_ =	shalt  }
.Lfunc_end2:
_tile_overlayer_lowered:
.L_overlay_start_2:
0x1f5: {  	(tag) =	ssettag $0x2  }
0x1f6: {  	s0 =	rddreg [dreg:$0x0];
	s2 =	stileid.u32  }
0x1f7: {  	s1 =	rddreg [dreg:$0x1];
	p0 =	sne.s32 s2, $0x0  }
0x1f8: {  	s3 =	rddreg [dreg:$0x2];
	[bflag:$0x3] =	sbarrier.arrive $0xFFFF;
	s2 =	simm.s32 @!p0 $0x1C01  }
0x1f9: {  	[timem:s3], [sflag:s2] =	dma.local @!p0 [hbm:s0], s1  }
0x1fa: {  	s0 =	simm.s32 @!p0 $0x1  }
0x1fb: {  	_ =	swait.ge @!p0 [sflag:s0], s1  }
0x1fc: {  	s1 =	ssub.s32 @!p0 $0x0, s1;
	[sflag:s0] =	ssyncset.done @!p0 $0x0  }
0x1fd: {  	[sflag:s0] =	ssyncadd.s32 @!p0 s1  }
0x1fe: {  	[bflag:$0x3] =	sbarrier.arrive $0xFFFF  }
0x1ff: {  	_ =	shalt  }

</sc_bundles>
